<compile_context>
chip_gen: v7x
topology: tpu7x:2x2x1
jax: 0.10.2.dev20260603
libtpu: 0.0.44.dev20260713+nightly
codegen_flags: <defaults>
</compile_context>

<pallas_src>
import functools

import numpy as np
import jax
import jax.numpy as jnp
from jax import lax
from jax.experimental import pallas as pl
from jax.experimental.pallas import tpu as pltpu
from jax.experimental.pallas import tpu_sc as plsc

_DIMS = (119, 5, 12, 12, 10, 6, 6, 2, 2)
_NF = 9
_SD = 16
_D = 128
_V = int(sum(_DIMS))
_OFFS = np.array([0] + list(np.cumsum(_DIMS)[:-1]), dtype=np.int32)

_NG = 3
_NA = 119 * 6
_NB = 5 * 12 * 6 * 2
_NC = 12 * 10 * 2
_NT = _NA + _NB + _NC

_NWORK = 32
_WR = 56
_NWIN = 56
_RPS = _NWIN * _WR
_NPAD = _NWORK * _RPS
_NCHUNK = _NG * (_NWIN + 2)
_NBUF = 4


_WT = np.zeros((_NF + _SD, _NG), np.float32)
_WT[0, 0], _WT[5, 0] = 6, 1
_WT[1, 1], _WT[2, 1], _WT[6, 1], _WT[7, 1] = 144, 12, 2, 1
_WT[3, 2], _WT[4, 2], _WT[8, 2] = 20, 2, 1
_IOFF = np.broadcast_to(
    np.array([[0.0, _NA, _NA + _NB]], np.float32), (8, _NG)).copy()


def _prep_body(x_ref, wt_ref, off_ref, o_ref):
    xf = jnp.floor(x_ref[...])
    idx_f = jnp.dot(xf, wt_ref[...], preferred_element_type=jnp.float32)
    o_ref[...] = (idx_f + off_ref[0:1, :]).astype(jnp.int32)


def _multihot() -> np.ndarray:
    m = np.zeros((_NT, _V), np.float32)
    r = np.arange(_NT)
    in_a = r < _NA
    in_b = (r >= _NA) & (r < _NA + _NB)
    in_c = r >= _NA + _NB
    rb = r - _NA
    rc = r - (_NA + _NB)
    targets = (
        (in_a, _OFFS[0] + r // 6),
        (in_a, _OFFS[5] + r % 6),
        (in_b, _OFFS[1] + rb // 144),
        (in_b, _OFFS[2] + (rb // 12) % 12),
        (in_b, _OFFS[6] + (rb // 2) % 6),
        (in_b, _OFFS[7] + rb % 2),
        (in_c, _OFFS[3] + rc // 20),
        (in_c, _OFFS[4] + (rc // 2) % 10),
        (in_c, _OFFS[8] + rc % 2),
    )
    for msk, tgt in targets:
        m[r[msk], tgt[msk]] += 1.0
    return m


_M = _multihot()


def _combo_body(t_ref, w1_ref, m_ref, o_ref):
    t = t_ref[...]
    tpp = t + jnp.dot(t, w1_ref[...], preferred_element_type=jnp.float32)
    o_ref[...] = jnp.dot(m_ref[...], tpp, preferred_element_type=jnp.float32)


def _epilogue_body(e_ref, x_ref, w2_ref, o_ref):
    s = x_ref[:, _NF:_NF + _SD]
    o_ref[...] = (e_ref[0] + e_ref[1] + e_ref[2]
                  + jnp.dot(s, w2_ref[...],
                            preferred_element_type=jnp.float32))


def _sc_gather(idx3, tab):
    mesh = plsc.VectorSubcoreMesh(core_axis_name="c", subcore_axis_name="s")

    @functools.partial(
        pl.kernel,
        out_type=jax.ShapeDtypeStruct((_NG, _NPAD, _D), jnp.float32),
        mesh=mesh,
        scratch_types=[
            pltpu.VMEM((_NCHUNK, _WR), jnp.int32),
            pltpu.VMEM((_NBUF, _NG * _WR, _D), jnp.float32),
            pltpu.VMEM_SHARED((_NT, _D), jnp.float32),
            pltpu.SemaphoreType.DMA,
            pltpu.SemaphoreType.DMA,
            pltpu.SemaphoreType.DMA,
            pltpu.SemaphoreType.DMA,
            pltpu.SemaphoreType.DMA,
        ],
    )
    def sc_kernel(idx_hbm, tab_hbm, out_hbm, idx_v, g_v, tab_sh,
                  sem_g, sem_o0, sem_o1, sem_o2, sem_o3):
        sid = lax.axis_index("s")
        wid = sid * 2 + lax.axis_index("c")
        base = pl.multiple_of(wid * _RPS, _WR)
        pltpu.sync_copy(idx_hbm.at[wid], idx_v)

        @pl.when(sid == 0)
        def _():
            pltpu.sync_copy(tab_hbm, tab_sh)

        plsc.subcore_barrier()
        sem_o = (sem_o0, sem_o1, sem_o2, sem_o3)

        def gathers(win, b):
            return tuple(
                pltpu.make_async_copy(
                    tab_sh.at[idx_v.at[_NG * win + g]],
                    g_v.at[b, pl.ds(g * _WR, _WR)], sem_g)
                for g in range(_NG))

        def out_copies(win, b):
            r0 = pl.multiple_of(base + win * _WR, _WR)
            return tuple(
                pltpu.make_async_copy(
                    g_v.at[b, pl.ds(g * _WR, _WR)],
                    out_hbm.at[g, pl.ds(r0, _WR)], sem_o[b])
                for g in range(_NG))

        def window(win, b, wait_out):
            for cp in gathers(win, b):
                cp.wait()
            if wait_out:
                for cp in out_copies(win - 2, (b - 2) % _NBUF):
                    cp.wait()
            for cp in gathers(win + 2, (b + 2) % _NBUF):
                cp.start()
            for cp in out_copies(win, b):
                cp.start()

        for cp in gathers(0, 0):
            cp.start()
        for cp in gathers(1, 1):
            cp.start()
        window(0, 0, False)
        window(1, 1, False)
        window(2, 2, True)
        window(3, 3, True)

        @pl.loop(1, _NWIN // _NBUF)
        def _(p):
            window(4 * p, 0, True)
            window(4 * p + 1, 1, True)
            window(4 * p + 2, 2, True)
            window(4 * p + 3, 3, True)

        for cp in gathers(_NWIN, 0):
            cp.wait()
        for cp in gathers(_NWIN + 1, 1):
            cp.wait()
        for w in range(2):
            for cp in out_copies(_NWIN - 2 + w, (_NWIN - 2 + w) % _NBUF):
                cp.wait()

    return sc_kernel(idx3, tab)


def _prep(x, n, bp=10000):
    return pl.pallas_call(
        _prep_body,
        grid=(n // bp,),
        in_specs=[
            pl.BlockSpec((bp, _NF + _SD), lambda i: (i, 0)),
            pl.BlockSpec((_NF + _SD, _NG), lambda i: (0, 0)),
            pl.BlockSpec((8, _NG), lambda i: (0, 0)),
        ],
        out_specs=pl.BlockSpec((bp, _NG), lambda i: (i, 0)),
        out_shape=jax.ShapeDtypeStruct((n, _NG), jnp.int32),
    )(x, jnp.asarray(_WT), jnp.asarray(_IOFF))


def _build_tab(table, w1):
    return pl.pallas_call(
        _combo_body,
        out_shape=jax.ShapeDtypeStruct((_NT, _D), jnp.float32),
    )(table, w1, jnp.asarray(_M))


def _epilogue(eabc, x, w2, n, bt=5000):
    return pl.pallas_call(
        _epilogue_body,
        grid=(n // bt,),
        in_specs=[
            pl.BlockSpec((_NG, bt, _D), lambda i: (0, i, 0)),
            pl.BlockSpec((bt, _NF + _SD), lambda i: (i, 0)),
            pl.BlockSpec((_SD, _D), lambda i: (0, 0)),
        ],
        out_specs=pl.BlockSpec((bt, _D), lambda i: (i, 0)),
        out_shape=jax.ShapeDtypeStruct((n, _D), jnp.float32),
    )(eabc, x, w2)


def kernel(x, emb0, emb1, emb2, emb3, emb4, emb5, emb6, emb7, emb8, W_scalar):
    n = x.shape[0]
    table = jnp.concatenate(
        [emb0, emb1, emb2, emb3, emb4, emb5, emb6, emb7, emb8], axis=0)
    tab = _build_tab(table, W_scalar[:_D])
    idx = _prep(x, n)
    idx_pad = jnp.pad(idx, ((0, _NPAD - n), (0, 0)))
    idx3 = (idx_pad.reshape(_NWORK, _NWIN, _WR, _NG)
            .transpose(0, 1, 3, 2)
            .reshape(_NWORK, _NG * _NWIN, _WR))
    idx3 = jnp.pad(idx3, ((0, 0), (0, _NCHUNK - _NG * _NWIN), (0, 0)))
    eabc = _sc_gather(idx3, tab)
    return _epilogue(eabc, x, W_scalar[_D:], n)

# --- scband reference (transcript-rebuilt; emitter-appended) ---
"""Pipeline reference for scband-atom-encoder-14697378087521 (READ-ONLY COPY).

The authoritative reference and input builder live on the scoring server;
editing this copy changes nothing except your own understanding.
"""

import jax, jax.numpy as jnp
import numpy as np

N = 100000
EMB_DIM = 128
ONEHOT_DIMS = [119, 5, 12, 12, 10, 6, 6, 2, 2]
NUM_ONEHOT = len(ONEHOT_DIMS)
SCALAR_DIM = 16


def setup_inputs(seed: int = 0) -> dict:
    key = jax.random.key(seed)
    keys = jax.random.split(key, NUM_ONEHOT + 2)
    # x: first NUM_ONEHOT columns are categorical codes (stored as floats, cast with .long()
    # in the torch module), remaining SCALAR_DIM columns are scalar features.
    x = jax.random.uniform(keys[0], (N, NUM_ONEHOT + SCALAR_DIM), dtype=jnp.float32)
    inp = {"x": x}
    # Embedding tables, one per one-hot feature (nn.Embedding(dim, emb_dim)).
    for i, dim in enumerate(ONEHOT_DIMS):
        inp[f"emb{i}"] = jax.random.normal(keys[1 + i], (dim, EMB_DIM), dtype=jnp.float32) * 0.02
    # scalar_lin: nn.Linear(scalar_dim + emb_dim, emb_dim, bias=False).
    # Stored here as (in_features, out_features) so forward is y = z @ W_scalar.
    inp["W_scalar"] = jax.random.normal(keys[-1], (SCALAR_DIM + EMB_DIM, EMB_DIM), dtype=jnp.float32) * (1.0 / np.sqrt(SCALAR_DIM + EMB_DIM))
    return inp


def reference(x, emb0, emb1, emb2, emb3, emb4, emb5, emb6, emb7, emb8, W_scalar):
    tables = [emb0, emb1, emb2, emb3, emb4, emb5, emb6, emb7, emb8]
    idx = x[:, :NUM_ONEHOT].astype(jnp.int32)
    x_emb = jnp.zeros((x.shape[0], EMB_DIM), dtype=jnp.float32)
    for i in range(NUM_ONEHOT):
        x_emb = x_emb + jnp.take(tables[i], idx[:, i], axis=0)
    # scalar branch: x_emb += scalar_lin(cat([x_emb, scalars]))
    scalars = x[:, NUM_ONEHOT:NUM_ONEHOT + SCALAR_DIM]
    x_emb = x_emb + jnp.concatenate([x_emb, scalars], axis=-1) @ W_scalar
    return x_emb

if __name__ == "__main__":
    import jax
    _d = setup_inputs()
    print(jax.jit(kernel)(*tuple(_d.values())))

</pallas_src>

<mosaic_0001>
#map = affine_map<(d0, d1) -> (0, 0, 0)>
#map1 = affine_map<(d0, d1) -> (0, 0)>
module attributes {stable_mosaic.version = 14 : i64} {
  func.func @sc_kernel(%arg0: i32, %arg1: i32, %arg2: memref<32x174x56xi32, #tpu.memory_space<hbm>>, %arg3: memref<1674x128xf32, #tpu.memory_space<hbm>>, %arg4: memref<3x100352x128xf32, #tpu.memory_space<hbm>>, %arg5: memref<174x56xi32, #tpu.memory_space<vmem>>, %arg6: memref<4x168x128xf32, #tpu.memory_space<vmem>>, %arg7: memref<1674x128xf32, #tpu.memory_space<vmem_shared>>, %arg8: memref<!tpu.dma_semaphore, #tpu.memory_space<semaphore_mem>>, %arg9: memref<!tpu.dma_semaphore, #tpu.memory_space<semaphore_mem>>, %arg10: memref<!tpu.dma_semaphore, #tpu.memory_space<semaphore_mem>>, %arg11: memref<!tpu.dma_semaphore, #tpu.memory_space<semaphore_mem>>, %arg12: memref<!tpu.dma_semaphore, #tpu.memory_space<semaphore_mem>>) attributes {dimension_semantics = [#tpu.dimension_semantics<core_parallel>, #tpu.dimension_semantics<subcore_parallel>], iteration_bounds = array<i64: 2, 16>, scalar_prefetch = 0 : i64, scratch_operands = 8 : i64, tpu.core_type = #tpu.core_type<sc_vector_subcore>, window_params = [{transform_indices = #map}, {transform_indices = #map1}, {transform_indices = #map}]} {
    %mul3A = arith.constant 2 : i32
    %mul3A_0 = arith.muli %arg1, %mul3A : i32
    %add3A = arith.addi %mul3A_0, %arg0 : i32
    %mul3A_1 = arith.constant 3136 : i32
    %mul3A_2 = arith.muli %add3A, %mul3A_1 : i32
    %multiple_of3A = tpu.assume_multiple %mul3A_2, 56 : i32
    "tpu.region"() ({
      %run_scoped3A = tpu.sem_alloc : memref<!tpu.dma_semaphore, #tpu.memory_space<semaphore_mem>>
      %dma_start3A_847 = arith.constant 0 : i32
      %dma_start3A_848 = arith.constant 0 : i32
      %dma_start3A_849 = tpu.memref_slice %arg2[%add3A, %dma_start3A_847, %dma_start3A_848] : memref<32x174x56xi32, #tpu.memory_space<hbm>> -> memref<1x174x56xi32, #tpu.memory_space<hbm>>
      %dma_start3A_850 = tpu.memref_squeeze %dma_start3A_849 : memref<1x174x56xi32, #tpu.memory_space<hbm>> -> memref<174x56xi32, #tpu.memory_space<hbm>>
      %dma_start3A_851 = arith.constant 0 : i32
      %dma_start3A_852 = arith.constant 0 : i32
      %dma_start3A_853 = tpu.memref_slice %arg2[%add3A, %dma_start3A_851, %dma_start3A_852] : memref<32x174x56xi32, #tpu.memory_space<hbm>> -> memref<1x174x56xi32, #tpu.memory_space<hbm>>
      %dma_start3A_854 = tpu.memref_squeeze %dma_start3A_853 : memref<1x174x56xi32, #tpu.memory_space<hbm>> -> memref<174x56xi32, #tpu.memory_space<hbm>>
      tpu.enqueue_dma source(%dma_start3A_854 : memref<174x56xi32, #tpu.memory_space<hbm>>) target(%arg5 : memref<174x56xi32, #tpu.memory_space<vmem>>) target_semaphore(%run_scoped3A : memref<!tpu.dma_semaphore, #tpu.memory_space<semaphore_mem>>)
      %dma_wait3A_855 = arith.constant 0 : i32
      %dma_wait3A_856 = arith.constant 0 : i32
      %dma_wait3A_857 = tpu.memref_slice %arg2[%add3A, %dma_wait3A_855, %dma_wait3A_856] : memref<32x174x56xi32, #tpu.memory_space<hbm>> -> memref<1x174x56xi32, #tpu.memory_space<hbm>>
      %dma_wait3A_858 = tpu.memref_squeeze %dma_wait3A_857 : memref<1x174x56xi32, #tpu.memory_space<hbm>> -> memref<174x56xi32, #tpu.memory_space<hbm>>
      %dma_wait3A_859 = arith.constant 0 : i32
      %dma_wait3A_860 = arith.constant 0 : i32
      %dma_wait3A_861 = tpu.memref_slice %arg2[%add3A, %dma_wait3A_859, %dma_wait3A_860] : memref<32x174x56xi32, #tpu.memory_space<hbm>> -> memref<1x174x56xi32, #tpu.memory_space<hbm>>
      %dma_wait3A_862 = tpu.memref_squeeze %dma_wait3A_861 : memref<1x174x56xi32, #tpu.memory_space<hbm>> -> memref<174x56xi32, #tpu.memory_space<hbm>>
      tpu.wait_dma2 semaphore(%run_scoped3A : memref<!tpu.dma_semaphore, #tpu.memory_space<semaphore_mem>>) src(%dma_wait3A_862 : memref<174x56xi32, #tpu.memory_space<hbm>>) dst(%arg5 : memref<174x56xi32, #tpu.memory_space<vmem>>)
      tpu.yield
    }) : () -> ()
    %eq3A = arith.constant 0 : i32
    %eq3A_3 = arith.cmpi eq, %arg1, %eq3A : i32
    %convert_element_type3A = arith.extui %eq3A_3 : i1 to i32
    %cond3A = arith.constant 0 : i32
    %cond3A_4 = arith.cmpi ne, %convert_element_type3A, %cond3A : i32
    scf.if %cond3A_4 {
      "tpu.region"() ({
        %run_scoped3A = tpu.sem_alloc : memref<!tpu.dma_semaphore, #tpu.memory_space<semaphore_mem>>
        tpu.enqueue_dma source(%arg3 : memref<1674x128xf32, #tpu.memory_space<hbm>>) target(%arg7 : memref<1674x128xf32, #tpu.memory_space<vmem_shared>>) target_semaphore(%run_scoped3A : memref<!tpu.dma_semaphore, #tpu.memory_space<semaphore_mem>>)
        tpu.wait_dma2 semaphore(%run_scoped3A : memref<!tpu.dma_semaphore, #tpu.memory_space<semaphore_mem>>) src(%arg3 : memref<1674x128xf32, #tpu.memory_space<hbm>>) dst(%arg7 : memref<1674x128xf32, #tpu.memory_space<vmem_shared>>)
        tpu.yield
      }) : () -> ()
    } else {
    }
    %barrier3A = arith.constant 0 : index
    tpu.barrier barrier_id(%barrier3A)
    %dma_start3A = arith.constant 0 : i32
    %dma_start3A_5 = arith.constant 0 : i32
    %dma_start3A_6 = arith.constant 0 : i32
    %dma_start3A_7 = arith.constant 0 : i32
    %dma_start3A_8 = tpu.memref_slice %arg6[%dma_start3A_5, %dma_start3A_6, %dma_start3A_7] : memref<4x168x128xf32, #tpu.memory_space<vmem>> -> memref<1x56x128xf32, #tpu.memory_space<vmem>>
    %dma_start3A_9 = tpu.memref_squeeze %dma_start3A_8 : memref<1x56x128xf32, #tpu.memory_space<vmem>> -> memref<56x128xf32, #tpu.memory_space<vmem>>
    %dma_start3A_10 = arith.constant 0 : i32
    %dma_start3A_11 = tpu.memref_slice %arg5[%dma_start3A, %dma_start3A_10] : memref<174x56xi32, #tpu.memory_space<vmem>> -> memref<1x56xi32, #tpu.memory_space<vmem>>
    %dma_start3A_12 = tpu.memref_squeeze %dma_start3A_11 : memref<1x56xi32, #tpu.memory_space<vmem>> -> memref<56xi32, #tpu.memory_space<vmem>>
    %dma_start3A_13 = arith.constant 0 : i32
    %dma_start3A_14 = arith.constant 0 : i32
    %dma_start3A_15 = tpu.memref_slice %arg7[%dma_start3A_13, %dma_start3A_14] : memref<1674x128xf32, #tpu.memory_space<vmem_shared>> -> memref<1674x128xf32, #tpu.memory_space<vmem_shared>>
    tpu.enqueue_indirect_dma source(%dma_start3A_15 : memref<1674x128xf32, #tpu.memory_space<vmem_shared>>) target(%dma_start3A_9 : memref<56x128xf32, #tpu.memory_space<vmem>>) offsets(%dma_start3A_12 : memref<56xi32, #tpu.memory_space<vmem>>) semaphore(%arg8 : memref<!tpu.dma_semaphore, #tpu.memory_space<semaphore_mem>>)
    %dma_start3A_16 = arith.constant 1 : i32
    %dma_start3A_17 = arith.constant 0 : i32
    %dma_start3A_18 = arith.constant 56 : i32
    %dma_start3A_19 = arith.constant 0 : i32
    %dma_start3A_20 = tpu.memref_slice %arg6[%dma_start3A_17, %dma_start3A_18, %dma_start3A_19] : memref<4x168x128xf32, #tpu.memory_space<vmem>> -> memref<1x56x128xf32, #tpu.memory_space<vmem>>
    %dma_start3A_21 = tpu.memref_squeeze %dma_start3A_20 : memref<1x56x128xf32, #tpu.memory_space<vmem>> -> memref<56x128xf32, #tpu.memory_space<vmem>>
    %dma_start3A_22 = arith.constant 0 : i32
    %dma_start3A_23 = tpu.memref_slice %arg5[%dma_start3A_16, %dma_start3A_22] : memref<174x56xi32, #tpu.memory_space<vmem>> -> memref<1x56xi32, #tpu.memory_space<vmem>>
    %dma_start3A_24 = tpu.memref_squeeze %dma_start3A_23 : memref<1x56xi32, #tpu.memory_space<vmem>> -> memref<56xi32, #tpu.memory_space<vmem>>
    %dma_start3A_25 = arith.constant 0 : i32
    %dma_start3A_26 = arith.constant 0 : i32
    %dma_start3A_27 = tpu.memref_slice %arg7[%dma_start3A_25, %dma_start3A_26] : memref<1674x128xf32, #tpu.memory_space<vmem_shared>> -> memref<1674x128xf32, #tpu.memory_space<vmem_shared>>
    tpu.enqueue_indirect_dma source(%dma_start3A_27 : memref<1674x128xf32, #tpu.memory_space<vmem_shared>>) target(%dma_start3A_21 : memref<56x128xf32, #tpu.memory_space<vmem>>) offsets(%dma_start3A_24 : memref<56xi32, #tpu.memory_space<vmem>>) semaphore(%arg8 : memref<!tpu.dma_semaphore, #tpu.memory_space<semaphore_mem>>)
    %dma_start3A_28 = arith.constant 2 : i32
    %dma_start3A_29 = arith.constant 0 : i32
    %dma_start3A_30 = arith.constant 112 : i32
    %dma_start3A_31 = arith.constant 0 : i32
    %dma_start3A_32 = tpu.memref_slice %arg6[%dma_start3A_29, %dma_start3A_30, %dma_start3A_31] : memref<4x168x128xf32, #tpu.memory_space<vmem>> -> memref<1x56x128xf32, #tpu.memory_space<vmem>>
    %dma_start3A_33 = tpu.memref_squeeze %dma_start3A_32 : memref<1x56x128xf32, #tpu.memory_space<vmem>> -> memref<56x128xf32, #tpu.memory_space<vmem>>
    %dma_start3A_34 = arith.constant 0 : i32
    %dma_start3A_35 = tpu.memref_slice %arg5[%dma_start3A_28, %dma_start3A_34] : memref<174x56xi32, #tpu.memory_space<vmem>> -> memref<1x56xi32, #tpu.memory_space<vmem>>
    %dma_start3A_36 = tpu.memref_squeeze %dma_start3A_35 : memref<1x56xi32, #tpu.memory_space<vmem>> -> memref<56xi32, #tpu.memory_space<vmem>>
    %dma_start3A_37 = arith.constant 0 : i32
    %dma_start3A_38 = arith.constant 0 : i32
    %dma_start3A_39 = tpu.memref_slice %arg7[%dma_start3A_37, %dma_start3A_38] : memref<1674x128xf32, #tpu.memory_space<vmem_shared>> -> memref<1674x128xf32, #tpu.memory_space<vmem_shared>>
    tpu.enqueue_indirect_dma source(%dma_start3A_39 : memref<1674x128xf32, #tpu.memory_space<vmem_shared>>) target(%dma_start3A_33 : memref<56x128xf32, #tpu.memory_space<vmem>>) offsets(%dma_start3A_36 : memref<56xi32, #tpu.memory_space<vmem>>) semaphore(%arg8 : memref<!tpu.dma_semaphore, #tpu.memory_space<semaphore_mem>>)
    %dma_start3A_40 = arith.constant 3 : i32
    %dma_start3A_41 = arith.constant 1 : i32
    %dma_start3A_42 = arith.constant 0 : i32
    %dma_start3A_43 = arith.constant 0 : i32
    %dma_start3A_44 = tpu.memref_slice %arg6[%dma_start3A_41, %dma_start3A_42, %dma_start3A_43] : memref<4x168x128xf32, #tpu.memory_space<vmem>> -> memref<1x56x128xf32, #tpu.memory_space<vmem>>
    %dma_start3A_45 = tpu.memref_squeeze %dma_start3A_44 : memref<1x56x128xf32, #tpu.memory_space<vmem>> -> memref<56x128xf32, #tpu.memory_space<vmem>>
    %dma_start3A_46 = arith.constant 0 : i32
    %dma_start3A_47 = tpu.memref_slice %arg5[%dma_start3A_40, %dma_start3A_46] : memref<174x56xi32, #tpu.memory_space<vmem>> -> memref<1x56xi32, #tpu.memory_space<vmem>>
    %dma_start3A_48 = tpu.memref_squeeze %dma_start3A_47 : memref<1x56xi32, #tpu.memory_space<vmem>> -> memref<56xi32, #tpu.memory_space<vmem>>
    %dma_start3A_49 = arith.constant 0 : i32
    %dma_start3A_50 = arith.constant 0 : i32
    %dma_start3A_51 = tpu.memref_slice %arg7[%dma_start3A_49, %dma_start3A_50] : memref<1674x128xf32, #tpu.memory_space<vmem_shared>> -> memref<1674x128xf32, #tpu.memory_space<vmem_shared>>
    tpu.enqueue_indirect_dma source(%dma_start3A_51 : memref<1674x128xf32, #tpu.memory_space<vmem_shared>>) target(%dma_start3A_45 : memref<56x128xf32, #tpu.memory_space<vmem>>) offsets(%dma_start3A_48 : memref<56xi32, #tpu.memory_space<vmem>>) semaphore(%arg8 : memref<!tpu.dma_semaphore, #tpu.memory_space<semaphore_mem>>)
    %dma_start3A_52 = arith.constant 4 : i32
    %dma_start3A_53 = arith.constant 1 : i32
    %dma_start3A_54 = arith.constant 56 : i32
    %dma_start3A_55 = arith.constant 0 : i32
    %dma_start3A_56 = tpu.memref_slice %arg6[%dma_start3A_53, %dma_start3A_54, %dma_start3A_55] : memref<4x168x128xf32, #tpu.memory_space<vmem>> -> memref<1x56x128xf32, #tpu.memory_space<vmem>>
    %dma_start3A_57 = tpu.memref_squeeze %dma_start3A_56 : memref<1x56x128xf32, #tpu.memory_space<vmem>> -> memref<56x128xf32, #tpu.memory_space<vmem>>
    %dma_start3A_58 = arith.constant 0 : i32
    %dma_start3A_59 = tpu.memref_slice %arg5[%dma_start3A_52, %dma_start3A_58] : memref<174x56xi32, #tpu.memory_space<vmem>> -> memref<1x56xi32, #tpu.memory_space<vmem>>
    %dma_start3A_60 = tpu.memref_squeeze %dma_start3A_59 : memref<1x56xi32, #tpu.memory_space<vmem>> -> memref<56xi32, #tpu.memory_space<vmem>>
    %dma_start3A_61 = arith.constant 0 : i32
    %dma_start3A_62 = arith.constant 0 : i32
    %dma_start3A_63 = tpu.memref_slice %arg7[%dma_start3A_61, %dma_start3A_62] : memref<1674x128xf32, #tpu.memory_space<vmem_shared>> -> memref<1674x128xf32, #tpu.memory_space<vmem_shared>>
    tpu.enqueue_indirect_dma source(%dma_start3A_63 : memref<1674x128xf32, #tpu.memory_space<vmem_shared>>) target(%dma_start3A_57 : memref<56x128xf32, #tpu.memory_space<vmem>>) offsets(%dma_start3A_60 : memref<56xi32, #tpu.memory_space<vmem>>) semaphore(%arg8 : memref<!tpu.dma_semaphore, #tpu.memory_space<semaphore_mem>>)
    %dma_start3A_64 = arith.constant 5 : i32
    %dma_start3A_65 = arith.constant 1 : i32
    %dma_start3A_66 = arith.constant 112 : i32
    %dma_start3A_67 = arith.constant 0 : i32
    %dma_start3A_68 = tpu.memref_slice %arg6[%dma_start3A_65, %dma_start3A_66, %dma_start3A_67] : memref<4x168x128xf32, #tpu.memory_space<vmem>> -> memref<1x56x128xf32, #tpu.memory_space<vmem>>
    %dma_start3A_69 = tpu.memref_squeeze %dma_start3A_68 : memref<1x56x128xf32, #tpu.memory_space<vmem>> -> memref<56x128xf32, #tpu.memory_space<vmem>>
    %dma_start3A_70 = arith.constant 0 : i32
    %dma_start3A_71 = tpu.memref_slice %arg5[%dma_start3A_64, %dma_start3A_70] : memref<174x56xi32, #tpu.memory_space<vmem>> -> memref<1x56xi32, #tpu.memory_space<vmem>>
    %dma_start3A_72 = tpu.memref_squeeze %dma_start3A_71 : memref<1x56xi32, #tpu.memory_space<vmem>> -> memref<56xi32, #tpu.memory_space<vmem>>
    %dma_start3A_73 = arith.constant 0 : i32
    %dma_start3A_74 = arith.constant 0 : i32
    %dma_start3A_75 = tpu.memref_slice %arg7[%dma_start3A_73, %dma_start3A_74] : memref<1674x128xf32, #tpu.memory_space<vmem_shared>> -> memref<1674x128xf32, #tpu.memory_space<vmem_shared>>
    tpu.enqueue_indirect_dma source(%dma_start3A_75 : memref<1674x128xf32, #tpu.memory_space<vmem_shared>>) target(%dma_start3A_69 : memref<56x128xf32, #tpu.memory_space<vmem>>) offsets(%dma_start3A_72 : memref<56xi32, #tpu.memory_space<vmem>>) semaphore(%arg8 : memref<!tpu.dma_semaphore, #tpu.memory_space<semaphore_mem>>)
    %dma_wait3A = arith.constant 0 : i32
    %dma_wait3A_76 = arith.constant 0 : i32
    %dma_wait3A_77 = arith.constant 0 : i32
    %dma_wait3A_78 = arith.constant 0 : i32
    %dma_wait3A_79 = tpu.memref_slice %arg6[%dma_wait3A_76, %dma_wait3A_77, %dma_wait3A_78] : memref<4x168x128xf32, #tpu.memory_space<vmem>> -> memref<1x56x128xf32, #tpu.memory_space<vmem>>
    %dma_wait3A_80 = tpu.memref_squeeze %dma_wait3A_79 : memref<1x56x128xf32, #tpu.memory_space<vmem>> -> memref<56x128xf32, #tpu.memory_space<vmem>>
    %dma_wait3A_81 = arith.constant 0 : i32
    %dma_wait3A_82 = tpu.memref_slice %arg5[%dma_wait3A, %dma_wait3A_81] : memref<174x56xi32, #tpu.memory_space<vmem>> -> memref<1x56xi32, #tpu.memory_space<vmem>>
    %dma_wait3A_83 = tpu.memref_squeeze %dma_wait3A_82 : memref<1x56xi32, #tpu.memory_space<vmem>> -> memref<56xi32, #tpu.memory_space<vmem>>
    %dma_wait3A_84 = arith.constant 0 : i32
    %dma_wait3A_85 = arith.constant 0 : i32
    %dma_wait3A_86 = tpu.memref_slice %arg7[%dma_wait3A_84, %dma_wait3A_85] : memref<1674x128xf32, #tpu.memory_space<vmem_shared>> -> memref<1674x128xf32, #tpu.memory_space<vmem_shared>>
    tpu.wait_indirect_dma semaphore(%arg8 : memref<!tpu.dma_semaphore, #tpu.memory_space<semaphore_mem>>) src(%dma_wait3A_86 : memref<1674x128xf32, #tpu.memory_space<vmem_shared>>) dst(%dma_wait3A_80 : memref<56x128xf32, #tpu.memory_space<vmem>>)
    %dma_wait3A_87 = arith.constant 1 : i32
    %dma_wait3A_88 = arith.constant 0 : i32
    %dma_wait3A_89 = arith.constant 56 : i32
    %dma_wait3A_90 = arith.constant 0 : i32
    %dma_wait3A_91 = tpu.memref_slice %arg6[%dma_wait3A_88, %dma_wait3A_89, %dma_wait3A_90] : memref<4x168x128xf32, #tpu.memory_space<vmem>> -> memref<1x56x128xf32, #tpu.memory_space<vmem>>
    %dma_wait3A_92 = tpu.memref_squeeze %dma_wait3A_91 : memref<1x56x128xf32, #tpu.memory_space<vmem>> -> memref<56x128xf32, #tpu.memory_space<vmem>>
    %dma_wait3A_93 = arith.constant 0 : i32
    %dma_wait3A_94 = tpu.memref_slice %arg5[%dma_wait3A_87, %dma_wait3A_93] : memref<174x56xi32, #tpu.memory_space<vmem>> -> memref<1x56xi32, #tpu.memory_space<vmem>>
    %dma_wait3A_95 = tpu.memref_squeeze %dma_wait3A_94 : memref<1x56xi32, #tpu.memory_space<vmem>> -> memref<56xi32, #tpu.memory_space<vmem>>
    %dma_wait3A_96 = arith.constant 0 : i32
    %dma_wait3A_97 = arith.constant 0 : i32
    %dma_wait3A_98 = tpu.memref_slice %arg7[%dma_wait3A_96, %dma_wait3A_97] : memref<1674x128xf32, #tpu.memory_space<vmem_shared>> -> memref<1674x128xf32, #tpu.memory_space<vmem_shared>>
    tpu.wait_indirect_dma semaphore(%arg8 : memref<!tpu.dma_semaphore, #tpu.memory_space<semaphore_mem>>) src(%dma_wait3A_98 : memref<1674x128xf32, #tpu.memory_space<vmem_shared>>) dst(%dma_wait3A_92 : memref<56x128xf32, #tpu.memory_space<vmem>>)
    %dma_wait3A_99 = arith.constant 2 : i32
    %dma_wait3A_100 = arith.constant 0 : i32
    %dma_wait3A_101 = arith.constant 112 : i32
    %dma_wait3A_102 = arith.constant 0 : i32
    %dma_wait3A_103 = tpu.memref_slice %arg6[%dma_wait3A_100, %dma_wait3A_101, %dma_wait3A_102] : memref<4x168x128xf32, #tpu.memory_space<vmem>> -> memref<1x56x128xf32, #tpu.memory_space<vmem>>
    %dma_wait3A_104 = tpu.memref_squeeze %dma_wait3A_103 : memref<1x56x128xf32, #tpu.memory_space<vmem>> -> memref<56x128xf32, #tpu.memory_space<vmem>>
    %dma_wait3A_105 = arith.constant 0 : i32
    %dma_wait3A_106 = tpu.memref_slice %arg5[%dma_wait3A_99, %dma_wait3A_105] : memref<174x56xi32, #tpu.memory_space<vmem>> -> memref<1x56xi32, #tpu.memory_space<vmem>>
    %dma_wait3A_107 = tpu.memref_squeeze %dma_wait3A_106 : memref<1x56xi32, #tpu.memory_space<vmem>> -> memref<56xi32, #tpu.memory_space<vmem>>
    %dma_wait3A_108 = arith.constant 0 : i32
    %dma_wait3A_109 = arith.constant 0 : i32
    %dma_wait3A_110 = tpu.memref_slice %arg7[%dma_wait3A_108, %dma_wait3A_109] : memref<1674x128xf32, #tpu.memory_space<vmem_shared>> -> memref<1674x128xf32, #tpu.memory_space<vmem_shared>>
    tpu.wait_indirect_dma semaphore(%arg8 : memref<!tpu.dma_semaphore, #tpu.memory_space<semaphore_mem>>) src(%dma_wait3A_110 : memref<1674x128xf32, #tpu.memory_space<vmem_shared>>) dst(%dma_wait3A_104 : memref<56x128xf32, #tpu.memory_space<vmem>>)
    %dma_start3A_111 = arith.constant 6 : i32
    %dma_start3A_112 = arith.constant 2 : i32
    %dma_start3A_113 = arith.constant 0 : i32
    %dma_start3A_114 = arith.constant 0 : i32
    %dma_start3A_115 = tpu.memref_slice %arg6[%dma_start3A_112, %dma_start3A_113, %dma_start3A_114] : memref<4x168x128xf32, #tpu.memory_space<vmem>> -> memref<1x56x128xf32, #tpu.memory_space<vmem>>
    %dma_start3A_116 = tpu.memref_squeeze %dma_start3A_115 : memref<1x56x128xf32, #tpu.memory_space<vmem>> -> memref<56x128xf32, #tpu.memory_space<vmem>>
    %dma_start3A_117 = arith.constant 0 : i32
    %dma_start3A_118 = tpu.memref_slice %arg5[%dma_start3A_111, %dma_start3A_117] : memref<174x56xi32, #tpu.memory_space<vmem>> -> memref<1x56xi32, #tpu.memory_space<vmem>>
    %dma_start3A_119 = tpu.memref_squeeze %dma_start3A_118 : memref<1x56xi32, #tpu.memory_space<vmem>> -> memref<56xi32, #tpu.memory_space<vmem>>
    %dma_start3A_120 = arith.constant 0 : i32
    %dma_start3A_121 = arith.constant 0 : i32
    %dma_start3A_122 = tpu.memref_slice %arg7[%dma_start3A_120, %dma_start3A_121] : memref<1674x128xf32, #tpu.memory_space<vmem_shared>> -> memref<1674x128xf32, #tpu.memory_space<vmem_shared>>
    tpu.enqueue_indirect_dma source(%dma_start3A_122 : memref<1674x128xf32, #tpu.memory_space<vmem_shared>>) target(%dma_start3A_116 : memref<56x128xf32, #tpu.memory_space<vmem>>) offsets(%dma_start3A_119 : memref<56xi32, #tpu.memory_space<vmem>>) semaphore(%arg8 : memref<!tpu.dma_semaphore, #tpu.memory_space<semaphore_mem>>)
    %dma_start3A_123 = arith.constant 7 : i32
    %dma_start3A_124 = arith.constant 2 : i32
    %dma_start3A_125 = arith.constant 56 : i32
    %dma_start3A_126 = arith.constant 0 : i32
    %dma_start3A_127 = tpu.memref_slice %arg6[%dma_start3A_124, %dma_start3A_125, %dma_start3A_126] : memref<4x168x128xf32, #tpu.memory_space<vmem>> -> memref<1x56x128xf32, #tpu.memory_space<vmem>>
    %dma_start3A_128 = tpu.memref_squeeze %dma_start3A_127 : memref<1x56x128xf32, #tpu.memory_space<vmem>> -> memref<56x128xf32, #tpu.memory_space<vmem>>
    %dma_start3A_129 = arith.constant 0 : i32
    %dma_start3A_130 = tpu.memref_slice %arg5[%dma_start3A_123, %dma_start3A_129] : memref<174x56xi32, #tpu.memory_space<vmem>> -> memref<1x56xi32, #tpu.memory_space<vmem>>
    %dma_start3A_131 = tpu.memref_squeeze %dma_start3A_130 : memref<1x56xi32, #tpu.memory_space<vmem>> -> memref<56xi32, #tpu.memory_space<vmem>>
    %dma_start3A_132 = arith.constant 0 : i32
    %dma_start3A_133 = arith.constant 0 : i32
    %dma_start3A_134 = tpu.memref_slice %arg7[%dma_start3A_132, %dma_start3A_133] : memref<1674x128xf32, #tpu.memory_space<vmem_shared>> -> memref<1674x128xf32, #tpu.memory_space<vmem_shared>>
    tpu.enqueue_indirect_dma source(%dma_start3A_134 : memref<1674x128xf32, #tpu.memory_space<vmem_shared>>) target(%dma_start3A_128 : memref<56x128xf32, #tpu.memory_space<vmem>>) offsets(%dma_start3A_131 : memref<56xi32, #tpu.memory_space<vmem>>) semaphore(%arg8 : memref<!tpu.dma_semaphore, #tpu.memory_space<semaphore_mem>>)
    %dma_start3A_135 = arith.constant 8 : i32
    %dma_start3A_136 = arith.constant 2 : i32
    %dma_start3A_137 = arith.constant 112 : i32
    %dma_start3A_138 = arith.constant 0 : i32
    %dma_start3A_139 = tpu.memref_slice %arg6[%dma_start3A_136, %dma_start3A_137, %dma_start3A_138] : memref<4x168x128xf32, #tpu.memory_space<vmem>> -> memref<1x56x128xf32, #tpu.memory_space<vmem>>
    %dma_start3A_140 = tpu.memref_squeeze %dma_start3A_139 : memref<1x56x128xf32, #tpu.memory_space<vmem>> -> memref<56x128xf32, #tpu.memory_space<vmem>>
    %dma_start3A_141 = arith.constant 0 : i32
    %dma_start3A_142 = tpu.memref_slice %arg5[%dma_start3A_135, %dma_start3A_141] : memref<174x56xi32, #tpu.memory_space<vmem>> -> memref<1x56xi32, #tpu.memory_space<vmem>>
    %dma_start3A_143 = tpu.memref_squeeze %dma_start3A_142 : memref<1x56xi32, #tpu.memory_space<vmem>> -> memref<56xi32, #tpu.memory_space<vmem>>
    %dma_start3A_144 = arith.constant 0 : i32
    %dma_start3A_145 = arith.constant 0 : i32
    %dma_start3A_146 = tpu.memref_slice %arg7[%dma_start3A_144, %dma_start3A_145] : memref<1674x128xf32, #tpu.memory_space<vmem_shared>> -> memref<1674x128xf32, #tpu.memory_space<vmem_shared>>
    tpu.enqueue_indirect_dma source(%dma_start3A_146 : memref<1674x128xf32, #tpu.memory_space<vmem_shared>>) target(%dma_start3A_140 : memref<56x128xf32, #tpu.memory_space<vmem>>) offsets(%dma_start3A_143 : memref<56xi32, #tpu.memory_space<vmem>>) semaphore(%arg8 : memref<!tpu.dma_semaphore, #tpu.memory_space<semaphore_mem>>)
    %add3A_147 = arith.constant 0 : i32
    %add3A_148 = arith.addi %multiple_of3A, %add3A_147 : i32
    %multiple_of3A_149 = tpu.assume_multiple %add3A_148, 56 : i32
    %dma_start3A_150 = arith.constant 0 : i32
    %dma_start3A_151 = arith.constant 0 : i32
    %dma_start3A_152 = arith.constant 0 : i32
    %dma_start3A_153 = arith.constant 0 : i32
    %dma_start3A_154 = tpu.memref_slice %arg6[%dma_start3A_150, %dma_start3A_152, %dma_start3A_153] : memref<4x168x128xf32, #tpu.memory_space<vmem>> -> memref<1x56x128xf32, #tpu.memory_space<vmem>>
    %dma_start3A_155 = tpu.memref_squeeze %dma_start3A_154 : memref<1x56x128xf32, #tpu.memory_space<vmem>> -> memref<56x128xf32, #tpu.memory_space<vmem>>
    %dma_start3A_156 = arith.constant 0 : i32
    %dma_start3A_157 = tpu.memref_slice %arg4[%dma_start3A_151, %multiple_of3A_149, %dma_start3A_156] : memref<3x100352x128xf32, #tpu.memory_space<hbm>> -> memref<1x56x128xf32, #tpu.memory_space<hbm>>
    %dma_start3A_158 = tpu.memref_squeeze %dma_start3A_157 : memref<1x56x128xf32, #tpu.memory_space<hbm>> -> memref<56x128xf32, #tpu.memory_space<hbm>>
    %dma_start3A_159 = arith.constant 0 : i32
    %dma_start3A_160 = tpu.memref_slice %arg4[%dma_start3A_151, %multiple_of3A_149, %dma_start3A_159] : memref<3x100352x128xf32, #tpu.memory_space<hbm>> -> memref<1x56x128xf32, #tpu.memory_space<hbm>>
    %dma_start3A_161 = tpu.memref_squeeze %dma_start3A_160 : memref<1x56x128xf32, #tpu.memory_space<hbm>> -> memref<56x128xf32, #tpu.memory_space<hbm>>
    %dma_start3A_162 = arith.constant 0 : i32
    %dma_start3A_163 = arith.constant 0 : i32
    %dma_start3A_164 = tpu.memref_slice %arg6[%dma_start3A_150, %dma_start3A_162, %dma_start3A_163] : memref<4x168x128xf32, #tpu.memory_space<vmem>> -> memref<1x56x128xf32, #tpu.memory_space<vmem>>
    %dma_start3A_165 = tpu.memref_squeeze %dma_start3A_164 : memref<1x56x128xf32, #tpu.memory_space<vmem>> -> memref<56x128xf32, #tpu.memory_space<vmem>>
    tpu.enqueue_dma source(%dma_start3A_165 : memref<56x128xf32, #tpu.memory_space<vmem>>) target(%dma_start3A_161 : memref<56x128xf32, #tpu.memory_space<hbm>>) target_semaphore(%arg9 : memref<!tpu.dma_semaphore, #tpu.memory_space<semaphore_mem>>)
    %dma_start3A_166 = arith.constant 0 : i32
    %dma_start3A_167 = arith.constant 1 : i32
    %dma_start3A_168 = arith.constant 56 : i32
    %dma_start3A_169 = arith.constant 0 : i32
    %dma_start3A_170 = tpu.memref_slice %arg6[%dma_start3A_166, %dma_start3A_168, %dma_start3A_169] : memref<4x168x128xf32, #tpu.memory_space<vmem>> -> memref<1x56x128xf32, #tpu.memory_space<vmem>>
    %dma_start3A_171 = tpu.memref_squeeze %dma_start3A_170 : memref<1x56x128xf32, #tpu.memory_space<vmem>> -> memref<56x128xf32, #tpu.memory_space<vmem>>
    %dma_start3A_172 = arith.constant 0 : i32
    %dma_start3A_173 = tpu.memref_slice %arg4[%dma_start3A_167, %multiple_of3A_149, %dma_start3A_172] : memref<3x100352x128xf32, #tpu.memory_space<hbm>> -> memref<1x56x128xf32, #tpu.memory_space<hbm>>
    %dma_start3A_174 = tpu.memref_squeeze %dma_start3A_173 : memref<1x56x128xf32, #tpu.memory_space<hbm>> -> memref<56x128xf32, #tpu.memory_space<hbm>>
    %dma_start3A_175 = arith.constant 0 : i32
    %dma_start3A_176 = tpu.memref_slice %arg4[%dma_start3A_167, %multiple_of3A_149, %dma_start3A_175] : memref<3x100352x128xf32, #tpu.memory_space<hbm>> -> memref<1x56x128xf32, #tpu.memory_space<hbm>>
    %dma_start3A_177 = tpu.memref_squeeze %dma_start3A_176 : memref<1x56x128xf32, #tpu.memory_space<hbm>> -> memref<56x128xf32, #tpu.memory_space<hbm>>
    %dma_start3A_178 = arith.constant 56 : i32
    %dma_start3A_179 = arith.constant 0 : i32
    %dma_start3A_180 = tpu.memref_slice %arg6[%dma_start3A_166, %dma_start3A_178, %dma_start3A_179] : memref<4x168x128xf32, #tpu.memory_space<vmem>> -> memref<1x56x128xf32, #tpu.memory_space<vmem>>
    %dma_start3A_181 = tpu.memref_squeeze %dma_start3A_180 : memref<1x56x128xf32, #tpu.memory_space<vmem>> -> memref<56x128xf32, #tpu.memory_space<vmem>>
    tpu.enqueue_dma source(%dma_start3A_181 : memref<56x128xf32, #tpu.memory_space<vmem>>) target(%dma_start3A_177 : memref<56x128xf32, #tpu.memory_space<hbm>>) target_semaphore(%arg9 : memref<!tpu.dma_semaphore, #tpu.memory_space<semaphore_mem>>)
    %dma_start3A_182 = arith.constant 0 : i32
    %dma_start3A_183 = arith.constant 2 : i32
    %dma_start3A_184 = arith.constant 112 : i32
    %dma_start3A_185 = arith.constant 0 : i32
    %dma_start3A_186 = tpu.memref_slice %arg6[%dma_start3A_182, %dma_start3A_184, %dma_start3A_185] : memref<4x168x128xf32, #tpu.memory_space<vmem>> -> memref<1x56x128xf32, #tpu.memory_space<vmem>>
    %dma_start3A_187 = tpu.memref_squeeze %dma_start3A_186 : memref<1x56x128xf32, #tpu.memory_space<vmem>> -> memref<56x128xf32, #tpu.memory_space<vmem>>
    %dma_start3A_188 = arith.constant 0 : i32
    %dma_start3A_189 = tpu.memref_slice %arg4[%dma_start3A_183, %multiple_of3A_149, %dma_start3A_188] : memref<3x100352x128xf32, #tpu.memory_space<hbm>> -> memref<1x56x128xf32, #tpu.memory_space<hbm>>
    %dma_start3A_190 = tpu.memref_squeeze %dma_start3A_189 : memref<1x56x128xf32, #tpu.memory_space<hbm>> -> memref<56x128xf32, #tpu.memory_space<hbm>>
    %dma_start3A_191 = arith.constant 0 : i32
    %dma_start3A_192 = tpu.memref_slice %arg4[%dma_start3A_183, %multiple_of3A_149, %dma_start3A_191] : memref<3x100352x128xf32, #tpu.memory_space<hbm>> -> memref<1x56x128xf32, #tpu.memory_space<hbm>>
    %dma_start3A_193 = tpu.memref_squeeze %dma_start3A_192 : memref<1x56x128xf32, #tpu.memory_space<hbm>> -> memref<56x128xf32, #tpu.memory_space<hbm>>
    %dma_start3A_194 = arith.constant 112 : i32
    %dma_start3A_195 = arith.constant 0 : i32
    %dma_start3A_196 = tpu.memref_slice %arg6[%dma_start3A_182, %dma_start3A_194, %dma_start3A_195] : memref<4x168x128xf32, #tpu.memory_space<vmem>> -> memref<1x56x128xf32, #tpu.memory_space<vmem>>
    %dma_start3A_197 = tpu.memref_squeeze %dma_start3A_196 : memref<1x56x128xf32, #tpu.memory_space<vmem>> -> memref<56x128xf32, #tpu.memory_space<vmem>>
    tpu.enqueue_dma source(%dma_start3A_197 : memref<56x128xf32, #tpu.memory_space<vmem>>) target(%dma_start3A_193 : memref<56x128xf32, #tpu.memory_space<hbm>>) target_semaphore(%arg9 : memref<!tpu.dma_semaphore, #tpu.memory_space<semaphore_mem>>)
    %dma_wait3A_198 = arith.constant 3 : i32
    %dma_wait3A_199 = arith.constant 1 : i32
    %dma_wait3A_200 = arith.constant 0 : i32
    %dma_wait3A_201 = arith.constant 0 : i32
    %dma_wait3A_202 = tpu.memref_slice %arg6[%dma_wait3A_199, %dma_wait3A_200, %dma_wait3A_201] : memref<4x168x128xf32, #tpu.memory_space<vmem>> -> memref<1x56x128xf32, #tpu.memory_space<vmem>>
    %dma_wait3A_203 = tpu.memref_squeeze %dma_wait3A_202 : memref<1x56x128xf32, #tpu.memory_space<vmem>> -> memref<56x128xf32, #tpu.memory_space<vmem>>
    %dma_wait3A_204 = arith.constant 0 : i32
    %dma_wait3A_205 = tpu.memref_slice %arg5[%dma_wait3A_198, %dma_wait3A_204] : memref<174x56xi32, #tpu.memory_space<vmem>> -> memref<1x56xi32, #tpu.memory_space<vmem>>
    %dma_wait3A_206 = tpu.memref_squeeze %dma_wait3A_205 : memref<1x56xi32, #tpu.memory_space<vmem>> -> memref<56xi32, #tpu.memory_space<vmem>>
    %dma_wait3A_207 = arith.constant 0 : i32
    %dma_wait3A_208 = arith.constant 0 : i32
    %dma_wait3A_209 = tpu.memref_slice %arg7[%dma_wait3A_207, %dma_wait3A_208] : memref<1674x128xf32, #tpu.memory_space<vmem_shared>> -> memref<1674x128xf32, #tpu.memory_space<vmem_shared>>
    tpu.wait_indirect_dma semaphore(%arg8 : memref<!tpu.dma_semaphore, #tpu.memory_space<semaphore_mem>>) src(%dma_wait3A_209 : memref<1674x128xf32, #tpu.memory_space<vmem_shared>>) dst(%dma_wait3A_203 : memref<56x128xf32, #tpu.memory_space<vmem>>)
    %dma_wait3A_210 = arith.constant 4 : i32
    %dma_wait3A_211 = arith.constant 1 : i32
    %dma_wait3A_212 = arith.constant 56 : i32
    %dma_wait3A_213 = arith.constant 0 : i32
    %dma_wait3A_214 = tpu.memref_slice %arg6[%dma_wait3A_211, %dma_wait3A_212, %dma_wait3A_213] : memref<4x168x128xf32, #tpu.memory_space<vmem>> -> memref<1x56x128xf32, #tpu.memory_space<vmem>>
    %dma_wait3A_215 = tpu.memref_squeeze %dma_wait3A_214 : memref<1x56x128xf32, #tpu.memory_space<vmem>> -> memref<56x128xf32, #tpu.memory_space<vmem>>
    %dma_wait3A_216 = arith.constant 0 : i32
    %dma_wait3A_217 = tpu.memref_slice %arg5[%dma_wait3A_210, %dma_wait3A_216] : memref<174x56xi32, #tpu.memory_space<vmem>> -> memref<1x56xi32, #tpu.memory_space<vmem>>
    %dma_wait3A_218 = tpu.memref_squeeze %dma_wait3A_217 : memref<1x56xi32, #tpu.memory_space<vmem>> -> memref<56xi32, #tpu.memory_space<vmem>>
    %dma_wait3A_219 = arith.constant 0 : i32
    %dma_wait3A_220 = arith.constant 0 : i32
    %dma_wait3A_221 = tpu.memref_slice %arg7[%dma_wait3A_219, %dma_wait3A_220] : memref<1674x128xf32, #tpu.memory_space<vmem_shared>> -> memref<1674x128xf32, #tpu.memory_space<vmem_shared>>
    tpu.wait_indirect_dma semaphore(%arg8 : memref<!tpu.dma_semaphore, #tpu.memory_space<semaphore_mem>>) src(%dma_wait3A_221 : memref<1674x128xf32, #tpu.memory_space<vmem_shared>>) dst(%dma_wait3A_215 : memref<56x128xf32, #tpu.memory_space<vmem>>)
    %dma_wait3A_222 = arith.constant 5 : i32
    %dma_wait3A_223 = arith.constant 1 : i32
    %dma_wait3A_224 = arith.constant 112 : i32
    %dma_wait3A_225 = arith.constant 0 : i32
    %dma_wait3A_226 = tpu.memref_slice %arg6[%dma_wait3A_223, %dma_wait3A_224, %dma_wait3A_225] : memref<4x168x128xf32, #tpu.memory_space<vmem>> -> memref<1x56x128xf32, #tpu.memory_space<vmem>>
    %dma_wait3A_227 = tpu.memref_squeeze %dma_wait3A_226 : memref<1x56x128xf32, #tpu.memory_space<vmem>> -> memref<56x128xf32, #tpu.memory_space<vmem>>
    %dma_wait3A_228 = arith.constant 0 : i32
    %dma_wait3A_229 = tpu.memref_slice %arg5[%dma_wait3A_222, %dma_wait3A_228] : memref<174x56xi32, #tpu.memory_space<vmem>> -> memref<1x56xi32, #tpu.memory_space<vmem>>
    %dma_wait3A_230 = tpu.memref_squeeze %dma_wait3A_229 : memref<1x56xi32, #tpu.memory_space<vmem>> -> memref<56xi32, #tpu.memory_space<vmem>>
    %dma_wait3A_231 = arith.constant 0 : i32
    %dma_wait3A_232 = arith.constant 0 : i32
    %dma_wait3A_233 = tpu.memref_slice %arg7[%dma_wait3A_231, %dma_wait3A_232] : memref<1674x128xf32, #tpu.memory_space<vmem_shared>> -> memref<1674x128xf32, #tpu.memory_space<vmem_shared>>
    tpu.wait_indirect_dma semaphore(%arg8 : memref<!tpu.dma_semaphore, #tpu.memory_space<semaphore_mem>>) src(%dma_wait3A_233 : memref<1674x128xf32, #tpu.memory_space<vmem_shared>>) dst(%dma_wait3A_227 : memref<56x128xf32, #tpu.memory_space<vmem>>)
    %dma_start3A_234 = arith.constant 9 : i32
    %dma_start3A_235 = arith.constant 3 : i32
    %dma_start3A_236 = arith.constant 0 : i32
    %dma_start3A_237 = arith.constant 0 : i32
    %dma_start3A_238 = tpu.memref_slice %arg6[%dma_start3A_235, %dma_start3A_236, %dma_start3A_237] : memref<4x168x128xf32, #tpu.memory_space<vmem>> -> memref<1x56x128xf32, #tpu.memory_space<vmem>>
    %dma_start3A_239 = tpu.memref_squeeze %dma_start3A_238 : memref<1x56x128xf32, #tpu.memory_space<vmem>> -> memref<56x128xf32, #tpu.memory_space<vmem>>
    %dma_start3A_240 = arith.constant 0 : i32
    %dma_start3A_241 = tpu.memref_slice %arg5[%dma_start3A_234, %dma_start3A_240] : memref<174x56xi32, #tpu.memory_space<vmem>> -> memref<1x56xi32, #tpu.memory_space<vmem>>
    %dma_start3A_242 = tpu.memref_squeeze %dma_start3A_241 : memref<1x56xi32, #tpu.memory_space<vmem>> -> memref<56xi32, #tpu.memory_space<vmem>>
    %dma_start3A_243 = arith.constant 0 : i32
    %dma_start3A_244 = arith.constant 0 : i32
    %dma_start3A_245 = tpu.memref_slice %arg7[%dma_start3A_243, %dma_start3A_244] : memref<1674x128xf32, #tpu.memory_space<vmem_shared>> -> memref<1674x128xf32, #tpu.memory_space<vmem_shared>>
    tpu.enqueue_indirect_dma source(%dma_start3A_245 : memref<1674x128xf32, #tpu.memory_space<vmem_shared>>) target(%dma_start3A_239 : memref<56x128xf32, #tpu.memory_space<vmem>>) offsets(%dma_start3A_242 : memref<56xi32, #tpu.memory_space<vmem>>) semaphore(%arg8 : memref<!tpu.dma_semaphore, #tpu.memory_space<semaphore_mem>>)
    %dma_start3A_246 = arith.constant 10 : i32
    %dma_start3A_247 = arith.constant 3 : i32
    %dma_start3A_248 = arith.constant 56 : i32
    %dma_start3A_249 = arith.constant 0 : i32
    %dma_start3A_250 = tpu.memref_slice %arg6[%dma_start3A_247, %dma_start3A_248, %dma_start3A_249] : memref<4x168x128xf32, #tpu.memory_space<vmem>> -> memref<1x56x128xf32, #tpu.memory_space<vmem>>
    %dma_start3A_251 = tpu.memref_squeeze %dma_start3A_250 : memref<1x56x128xf32, #tpu.memory_space<vmem>> -> memref<56x128xf32, #tpu.memory_space<vmem>>
    %dma_start3A_252 = arith.constant 0 : i32
    %dma_start3A_253 = tpu.memref_slice %arg5[%dma_start3A_246, %dma_start3A_252] : memref<174x56xi32, #tpu.memory_space<vmem>> -> memref<1x56xi32, #tpu.memory_space<vmem>>
    %dma_start3A_254 = tpu.memref_squeeze %dma_start3A_253 : memref<1x56xi32, #tpu.memory_space<vmem>> -> memref<56xi32, #tpu.memory_space<vmem>>
    %dma_start3A_255 = arith.constant 0 : i32
    %dma_start3A_256 = arith.constant 0 : i32
    %dma_start3A_257 = tpu.memref_slice %arg7[%dma_start3A_255, %dma_start3A_256] : memref<1674x128xf32, #tpu.memory_space<vmem_shared>> -> memref<1674x128xf32, #tpu.memory_space<vmem_shared>>
    tpu.enqueue_indirect_dma source(%dma_start3A_257 : memref<1674x128xf32, #tpu.memory_space<vmem_shared>>) target(%dma_start3A_251 : memref<56x128xf32, #tpu.memory_space<vmem>>) offsets(%dma_start3A_254 : memref<56xi32, #tpu.memory_space<vmem>>) semaphore(%arg8 : memref<!tpu.dma_semaphore, #tpu.memory_space<semaphore_mem>>)
    %dma_start3A_258 = arith.constant 11 : i32
    %dma_start3A_259 = arith.constant 3 : i32
    %dma_start3A_260 = arith.constant 112 : i32
    %dma_start3A_261 = arith.constant 0 : i32
    %dma_start3A_262 = tpu.memref_slice %arg6[%dma_start3A_259, %dma_start3A_260, %dma_start3A_261] : memref<4x168x128xf32, #tpu.memory_space<vmem>> -> memref<1x56x128xf32, #tpu.memory_space<vmem>>
    %dma_start3A_263 = tpu.memref_squeeze %dma_start3A_262 : memref<1x56x128xf32, #tpu.memory_space<vmem>> -> memref<56x128xf32, #tpu.memory_space<vmem>>
    %dma_start3A_264 = arith.constant 0 : i32
    %dma_start3A_265 = tpu.memref_slice %arg5[%dma_start3A_258, %dma_start3A_264] : memref<174x56xi32, #tpu.memory_space<vmem>> -> memref<1x56xi32, #tpu.memory_space<vmem>>
    %dma_start3A_266 = tpu.memref_squeeze %dma_start3A_265 : memref<1x56xi32, #tpu.memory_space<vmem>> -> memref<56xi32, #tpu.memory_space<vmem>>
    %dma_start3A_267 = arith.constant 0 : i32
    %dma_start3A_268 = arith.constant 0 : i32
    %dma_start3A_269 = tpu.memref_slice %arg7[%dma_start3A_267, %dma_start3A_268] : memref<1674x128xf32, #tpu.memory_space<vmem_shared>> -> memref<1674x128xf32, #tpu.memory_space<vmem_shared>>
    tpu.enqueue_indirect_dma source(%dma_start3A_269 : memref<1674x128xf32, #tpu.memory_space<vmem_shared>>) target(%dma_start3A_263 : memref<56x128xf32, #tpu.memory_space<vmem>>) offsets(%dma_start3A_266 : memref<56xi32, #tpu.memory_space<vmem>>) semaphore(%arg8 : memref<!tpu.dma_semaphore, #tpu.memory_space<semaphore_mem>>)
    %add3A_270 = arith.constant 56 : i32
    %add3A_271 = arith.addi %multiple_of3A, %add3A_270 : i32
    %multiple_of3A_272 = tpu.assume_multiple %add3A_271, 56 : i32
    %dma_start3A_273 = arith.constant 1 : i32
    %dma_start3A_274 = arith.constant 0 : i32
    %dma_start3A_275 = arith.constant 0 : i32
    %dma_start3A_276 = arith.constant 0 : i32
    %dma_start3A_277 = tpu.memref_slice %arg6[%dma_start3A_273, %dma_start3A_275, %dma_start3A_276] : memref<4x168x128xf32, #tpu.memory_space<vmem>> -> memref<1x56x128xf32, #tpu.memory_space<vmem>>
    %dma_start3A_278 = tpu.memref_squeeze %dma_start3A_277 : memref<1x56x128xf32, #tpu.memory_space<vmem>> -> memref<56x128xf32, #tpu.memory_space<vmem>>
    %dma_start3A_279 = arith.constant 0 : i32
    %dma_start3A_280 = tpu.memref_slice %arg4[%dma_start3A_274, %multiple_of3A_272, %dma_start3A_279] : memref<3x100352x128xf32, #tpu.memory_space<hbm>> -> memref<1x56x128xf32, #tpu.memory_space<hbm>>
    %dma_start3A_281 = tpu.memref_squeeze %dma_start3A_280 : memref<1x56x128xf32, #tpu.memory_space<hbm>> -> memref<56x128xf32, #tpu.memory_space<hbm>>
    %dma_start3A_282 = arith.constant 0 : i32
    %dma_start3A_283 = tpu.memref_slice %arg4[%dma_start3A_274, %multiple_of3A_272, %dma_start3A_282] : memref<3x100352x128xf32, #tpu.memory_space<hbm>> -> memref<1x56x128xf32, #tpu.memory_space<hbm>>
    %dma_start3A_284 = tpu.memref_squeeze %dma_start3A_283 : memref<1x56x128xf32, #tpu.memory_space<hbm>> -> memref<56x128xf32, #tpu.memory_space<hbm>>
    %dma_start3A_285 = arith.constant 0 : i32
    %dma_start3A_286 = arith.constant 0 : i32
    %dma_start3A_287 = tpu.memref_slice %arg6[%dma_start3A_273, %dma_start3A_285, %dma_start3A_286] : memref<4x168x128xf32, #tpu.memory_space<vmem>> -> memref<1x56x128xf32, #tpu.memory_space<vmem>>
    %dma_start3A_288 = tpu.memref_squeeze %dma_start3A_287 : memref<1x56x128xf32, #tpu.memory_space<vmem>> -> memref<56x128xf32, #tpu.memory_space<vmem>>
    tpu.enqueue_dma source(%dma_start3A_288 : memref<56x128xf32, #tpu.memory_space<vmem>>) target(%dma_start3A_284 : memref<56x128xf32, #tpu.memory_space<hbm>>) target_semaphore(%arg10 : memref<!tpu.dma_semaphore, #tpu.memory_space<semaphore_mem>>)
    %dma_start3A_289 = arith.constant 1 : i32
    %dma_start3A_290 = arith.constant 1 : i32
    %dma_start3A_291 = arith.constant 56 : i32
    %dma_start3A_292 = arith.constant 0 : i32
    %dma_start3A_293 = tpu.memref_slice %arg6[%dma_start3A_289, %dma_start3A_291, %dma_start3A_292] : memref<4x168x128xf32, #tpu.memory_space<vmem>> -> memref<1x56x128xf32, #tpu.memory_space<vmem>>
    %dma_start3A_294 = tpu.memref_squeeze %dma_start3A_293 : memref<1x56x128xf32, #tpu.memory_space<vmem>> -> memref<56x128xf32, #tpu.memory_space<vmem>>
    %dma_start3A_295 = arith.constant 0 : i32
    %dma_start3A_296 = tpu.memref_slice %arg4[%dma_start3A_290, %multiple_of3A_272, %dma_start3A_295] : memref<3x100352x128xf32, #tpu.memory_space<hbm>> -> memref<1x56x128xf32, #tpu.memory_space<hbm>>
    %dma_start3A_297 = tpu.memref_squeeze %dma_start3A_296 : memref<1x56x128xf32, #tpu.memory_space<hbm>> -> memref<56x128xf32, #tpu.memory_space<hbm>>
    %dma_start3A_298 = arith.constant 0 : i32
    %dma_start3A_299 = tpu.memref_slice %arg4[%dma_start3A_290, %multiple_of3A_272, %dma_start3A_298] : memref<3x100352x128xf32, #tpu.memory_space<hbm>> -> memref<1x56x128xf32, #tpu.memory_space<hbm>>
    %dma_start3A_300 = tpu.memref_squeeze %dma_start3A_299 : memref<1x56x128xf32, #tpu.memory_space<hbm>> -> memref<56x128xf32, #tpu.memory_space<hbm>>
    %dma_start3A_301 = arith.constant 56 : i32
    %dma_start3A_302 = arith.constant 0 : i32
    %dma_start3A_303 = tpu.memref_slice %arg6[%dma_start3A_289, %dma_start3A_301, %dma_start3A_302] : memref<4x168x128xf32, #tpu.memory_space<vmem>> -> memref<1x56x128xf32, #tpu.memory_space<vmem>>
    %dma_start3A_304 = tpu.memref_squeeze %dma_start3A_303 : memref<1x56x128xf32, #tpu.memory_space<vmem>> -> memref<56x128xf32, #tpu.memory_space<vmem>>
    tpu.enqueue_dma source(%dma_start3A_304 : memref<56x128xf32, #tpu.memory_space<vmem>>) target(%dma_start3A_300 : memref<56x128xf32, #tpu.memory_space<hbm>>) target_semaphore(%arg10 : memref<!tpu.dma_semaphore, #tpu.memory_space<semaphore_mem>>)
    %dma_start3A_305 = arith.constant 1 : i32
    %dma_start3A_306 = arith.constant 2 : i32
    %dma_start3A_307 = arith.constant 112 : i32
    %dma_start3A_308 = arith.constant 0 : i32
    %dma_start3A_309 = tpu.memref_slice %arg6[%dma_start3A_305, %dma_start3A_307, %dma_start3A_308] : memref<4x168x128xf32, #tpu.memory_space<vmem>> -> memref<1x56x128xf32, #tpu.memory_space<vmem>>
    %dma_start3A_310 = tpu.memref_squeeze %dma_start3A_309 : memref<1x56x128xf32, #tpu.memory_space<vmem>> -> memref<56x128xf32, #tpu.memory_space<vmem>>
    %dma_start3A_311 = arith.constant 0 : i32
    %dma_start3A_312 = tpu.memref_slice %arg4[%dma_start3A_306, %multiple_of3A_272, %dma_start3A_311] : memref<3x100352x128xf32, #tpu.memory_space<hbm>> -> memref<1x56x128xf32, #tpu.memory_space<hbm>>
    %dma_start3A_313 = tpu.memref_squeeze %dma_start3A_312 : memref<1x56x128xf32, #tpu.memory_space<hbm>> -> memref<56x128xf32, #tpu.memory_space<hbm>>
    %dma_start3A_314 = arith.constant 0 : i32
    %dma_start3A_315 = tpu.memref_slice %arg4[%dma_start3A_306, %multiple_of3A_272, %dma_start3A_314] : memref<3x100352x128xf32, #tpu.memory_space<hbm>> -> memref<1x56x128xf32, #tpu.memory_space<hbm>>
    %dma_start3A_316 = tpu.memref_squeeze %dma_start3A_315 : memref<1x56x128xf32, #tpu.memory_space<hbm>> -> memref<56x128xf32, #tpu.memory_space<hbm>>
    %dma_start3A_317 = arith.constant 112 : i32
    %dma_start3A_318 = arith.constant 0 : i32
    %dma_start3A_319 = tpu.memref_slice %arg6[%dma_start3A_305, %dma_start3A_317, %dma_start3A_318] : memref<4x168x128xf32, #tpu.memory_space<vmem>> -> memref<1x56x128xf32, #tpu.memory_space<vmem>>
    %dma_start3A_320 = tpu.memref_squeeze %dma_start3A_319 : memref<1x56x128xf32, #tpu.memory_space<vmem>> -> memref<56x128xf32, #tpu.memory_space<vmem>>
    tpu.enqueue_dma source(%dma_start3A_320 : memref<56x128xf32, #tpu.memory_space<vmem>>) target(%dma_start3A_316 : memref<56x128xf32, #tpu.memory_space<hbm>>) target_semaphore(%arg10 : memref<!tpu.dma_semaphore, #tpu.memory_space<semaphore_mem>>)
    %dma_wait3A_321 = arith.constant 6 : i32
    %dma_wait3A_322 = arith.constant 2 : i32
    %dma_wait3A_323 = arith.constant 0 : i32
    %dma_wait3A_324 = arith.constant 0 : i32
    %dma_wait3A_325 = tpu.memref_slice %arg6[%dma_wait3A_322, %dma_wait3A_323, %dma_wait3A_324] : memref<4x168x128xf32, #tpu.memory_space<vmem>> -> memref<1x56x128xf32, #tpu.memory_space<vmem>>
    %dma_wait3A_326 = tpu.memref_squeeze %dma_wait3A_325 : memref<1x56x128xf32, #tpu.memory_space<vmem>> -> memref<56x128xf32, #tpu.memory_space<vmem>>
    %dma_wait3A_327 = arith.constant 0 : i32
    %dma_wait3A_328 = tpu.memref_slice %arg5[%dma_wait3A_321, %dma_wait3A_327] : memref<174x56xi32, #tpu.memory_space<vmem>> -> memref<1x56xi32, #tpu.memory_space<vmem>>
    %dma_wait3A_329 = tpu.memref_squeeze %dma_wait3A_328 : memref<1x56xi32, #tpu.memory_space<vmem>> -> memref<56xi32, #tpu.memory_space<vmem>>
    %dma_wait3A_330 = arith.constant 0 : i32
    %dma_wait3A_331 = arith.constant 0 : i32
    %dma_wait3A_332 = tpu.memref_slice %arg7[%dma_wait3A_330, %dma_wait3A_331] : memref<1674x128xf32, #tpu.memory_space<vmem_shared>> -> memref<1674x128xf32, #tpu.memory_space<vmem_shared>>
    tpu.wait_indirect_dma semaphore(%arg8 : memref<!tpu.dma_semaphore, #tpu.memory_space<semaphore_mem>>) src(%dma_wait3A_332 : memref<1674x128xf32, #tpu.memory_space<vmem_shared>>) dst(%dma_wait3A_326 : memref<56x128xf32, #tpu.memory_space<vmem>>)
    %dma_wait3A_333 = arith.constant 7 : i32
    %dma_wait3A_334 = arith.constant 2 : i32
    %dma_wait3A_335 = arith.constant 56 : i32
    %dma_wait3A_336 = arith.constant 0 : i32
    %dma_wait3A_337 = tpu.memref_slice %arg6[%dma_wait3A_334, %dma_wait3A_335, %dma_wait3A_336] : memref<4x168x128xf32, #tpu.memory_space<vmem>> -> memref<1x56x128xf32, #tpu.memory_space<vmem>>
    %dma_wait3A_338 = tpu.memref_squeeze %dma_wait3A_337 : memref<1x56x128xf32, #tpu.memory_space<vmem>> -> memref<56x128xf32, #tpu.memory_space<vmem>>
    %dma_wait3A_339 = arith.constant 0 : i32
    %dma_wait3A_340 = tpu.memref_slice %arg5[%dma_wait3A_333, %dma_wait3A_339] : memref<174x56xi32, #tpu.memory_space<vmem>> -> memref<1x56xi32, #tpu.memory_space<vmem>>
    %dma_wait3A_341 = tpu.memref_squeeze %dma_wait3A_340 : memref<1x56xi32, #tpu.memory_space<vmem>> -> memref<56xi32, #tpu.memory_space<vmem>>
    %dma_wait3A_342 = arith.constant 0 : i32
    %dma_wait3A_343 = arith.constant 0 : i32
    %dma_wait3A_344 = tpu.memref_slice %arg7[%dma_wait3A_342, %dma_wait3A_343] : memref<1674x128xf32, #tpu.memory_space<vmem_shared>> -> memref<1674x128xf32, #tpu.memory_space<vmem_shared>>
    tpu.wait_indirect_dma semaphore(%arg8 : memref<!tpu.dma_semaphore, #tpu.memory_space<semaphore_mem>>) src(%dma_wait3A_344 : memref<1674x128xf32, #tpu.memory_space<vmem_shared>>) dst(%dma_wait3A_338 : memref<56x128xf32, #tpu.memory_space<vmem>>)
    %dma_wait3A_345 = arith.constant 8 : i32
    %dma_wait3A_346 = arith.constant 2 : i32
    %dma_wait3A_347 = arith.constant 112 : i32
    %dma_wait3A_348 = arith.constant 0 : i32
    %dma_wait3A_349 = tpu.memref_slice %arg6[%dma_wait3A_346, %dma_wait3A_347, %dma_wait3A_348] : memref<4x168x128xf32, #tpu.memory_space<vmem>> -> memref<1x56x128xf32, #tpu.memory_space<vmem>>
    %dma_wait3A_350 = tpu.memref_squeeze %dma_wait3A_349 : memref<1x56x128xf32, #tpu.memory_space<vmem>> -> memref<56x128xf32, #tpu.memory_space<vmem>>
    %dma_wait3A_351 = arith.constant 0 : i32
    %dma_wait3A_352 = tpu.memref_slice %arg5[%dma_wait3A_345, %dma_wait3A_351] : memref<174x56xi32, #tpu.memory_space<vmem>> -> memref<1x56xi32, #tpu.memory_space<vmem>>
    %dma_wait3A_353 = tpu.memref_squeeze %dma_wait3A_352 : memref<1x56xi32, #tpu.memory_space<vmem>> -> memref<56xi32, #tpu.memory_space<vmem>>
    %dma_wait3A_354 = arith.constant 0 : i32
    %dma_wait3A_355 = arith.constant 0 : i32
    %dma_wait3A_356 = tpu.memref_slice %arg7[%dma_wait3A_354, %dma_wait3A_355] : memref<1674x128xf32, #tpu.memory_space<vmem_shared>> -> memref<1674x128xf32, #tpu.memory_space<vmem_shared>>
    tpu.wait_indirect_dma semaphore(%arg8 : memref<!tpu.dma_semaphore, #tpu.memory_space<semaphore_mem>>) src(%dma_wait3A_356 : memref<1674x128xf32, #tpu.memory_space<vmem_shared>>) dst(%dma_wait3A_350 : memref<56x128xf32, #tpu.memory_space<vmem>>)
    %add3A_357 = arith.constant 0 : i32
    %add3A_358 = arith.addi %multiple_of3A, %add3A_357 : i32
    %multiple_of3A_359 = tpu.assume_multiple %add3A_358, 56 : i32
    %dma_wait3A_360 = arith.constant 0 : i32
    %dma_wait3A_361 = arith.constant 0 : i32
    %dma_wait3A_362 = arith.constant 0 : i32
    %dma_wait3A_363 = arith.constant 0 : i32
    %dma_wait3A_364 = tpu.memref_slice %arg6[%dma_wait3A_360, %dma_wait3A_362, %dma_wait3A_363] : memref<4x168x128xf32, #tpu.memory_space<vmem>> -> memref<1x56x128xf32, #tpu.memory_space<vmem>>
    %dma_wait3A_365 = tpu.memref_squeeze %dma_wait3A_364 : memref<1x56x128xf32, #tpu.memory_space<vmem>> -> memref<56x128xf32, #tpu.memory_space<vmem>>
    %dma_wait3A_366 = arith.constant 0 : i32
    %dma_wait3A_367 = tpu.memref_slice %arg4[%dma_wait3A_361, %multiple_of3A_359, %dma_wait3A_366] : memref<3x100352x128xf32, #tpu.memory_space<hbm>> -> memref<1x56x128xf32, #tpu.memory_space<hbm>>
    %dma_wait3A_368 = tpu.memref_squeeze %dma_wait3A_367 : memref<1x56x128xf32, #tpu.memory_space<hbm>> -> memref<56x128xf32, #tpu.memory_space<hbm>>
    %dma_wait3A_369 = arith.constant 0 : i32
    %dma_wait3A_370 = tpu.memref_slice %arg4[%dma_wait3A_361, %multiple_of3A_359, %dma_wait3A_369] : memref<3x100352x128xf32, #tpu.memory_space<hbm>> -> memref<1x56x128xf32, #tpu.memory_space<hbm>>
    %dma_wait3A_371 = tpu.memref_squeeze %dma_wait3A_370 : memref<1x56x128xf32, #tpu.memory_space<hbm>> -> memref<56x128xf32, #tpu.memory_space<hbm>>
    %dma_wait3A_372 = arith.constant 0 : i32
    %dma_wait3A_373 = arith.constant 0 : i32
    %dma_wait3A_374 = tpu.memref_slice %arg6[%dma_wait3A_360, %dma_wait3A_372, %dma_wait3A_373] : memref<4x168x128xf32, #tpu.memory_space<vmem>> -> memref<1x56x128xf32, #tpu.memory_space<vmem>>
    %dma_wait3A_375 = tpu.memref_squeeze %dma_wait3A_374 : memref<1x56x128xf32, #tpu.memory_space<vmem>> -> memref<56x128xf32, #tpu.memory_space<vmem>>
    tpu.wait_dma2 semaphore(%arg9 : memref<!tpu.dma_semaphore, #tpu.memory_space<semaphore_mem>>) src(%dma_wait3A_375 : memref<56x128xf32, #tpu.memory_space<vmem>>) dst(%dma_wait3A_371 : memref<56x128xf32, #tpu.memory_space<hbm>>)
    %dma_wait3A_376 = arith.constant 0 : i32
    %dma_wait3A_377 = arith.constant 1 : i32
    %dma_wait3A_378 = arith.constant 56 : i32
    %dma_wait3A_379 = arith.constant 0 : i32
    %dma_wait3A_380 = tpu.memref_slice %arg6[%dma_wait3A_376, %dma_wait3A_378, %dma_wait3A_379] : memref<4x168x128xf32, #tpu.memory_space<vmem>> -> memref<1x56x128xf32, #tpu.memory_space<vmem>>
    %dma_wait3A_381 = tpu.memref_squeeze %dma_wait3A_380 : memref<1x56x128xf32, #tpu.memory_space<vmem>> -> memref<56x128xf32, #tpu.memory_space<vmem>>
    %dma_wait3A_382 = arith.constant 0 : i32
    %dma_wait3A_383 = tpu.memref_slice %arg4[%dma_wait3A_377, %multiple_of3A_359, %dma_wait3A_382] : memref<3x100352x128xf32, #tpu.memory_space<hbm>> -> memref<1x56x128xf32, #tpu.memory_space<hbm>>
    %dma_wait3A_384 = tpu.memref_squeeze %dma_wait3A_383 : memref<1x56x128xf32, #tpu.memory_space<hbm>> -> memref<56x128xf32, #tpu.memory_space<hbm>>
    %dma_wait3A_385 = arith.constant 0 : i32
    %dma_wait3A_386 = tpu.memref_slice %arg4[%dma_wait3A_377, %multiple_of3A_359, %dma_wait3A_385] : memref<3x100352x128xf32, #tpu.memory_space<hbm>> -> memref<1x56x128xf32, #tpu.memory_space<hbm>>
    %dma_wait3A_387 = tpu.memref_squeeze %dma_wait3A_386 : memref<1x56x128xf32, #tpu.memory_space<hbm>> -> memref<56x128xf32, #tpu.memory_space<hbm>>
    %dma_wait3A_388 = arith.constant 56 : i32
    %dma_wait3A_389 = arith.constant 0 : i32
    %dma_wait3A_390 = tpu.memref_slice %arg6[%dma_wait3A_376, %dma_wait3A_388, %dma_wait3A_389] : memref<4x168x128xf32, #tpu.memory_space<vmem>> -> memref<1x56x128xf32, #tpu.memory_space<vmem>>
    %dma_wait3A_391 = tpu.memref_squeeze %dma_wait3A_390 : memref<1x56x128xf32, #tpu.memory_space<vmem>> -> memref<56x128xf32, #tpu.memory_space<vmem>>
    tpu.wait_dma2 semaphore(%arg9 : memref<!tpu.dma_semaphore, #tpu.memory_space<semaphore_mem>>) src(%dma_wait3A_391 : memref<56x128xf32, #tpu.memory_space<vmem>>) dst(%dma_wait3A_387 : memref<56x128xf32, #tpu.memory_space<hbm>>)
    %dma_wait3A_392 = arith.constant 0 : i32
    %dma_wait3A_393 = arith.constant 2 : i32
    %dma_wait3A_394 = arith.constant 112 : i32
    %dma_wait3A_395 = arith.constant 0 : i32
    %dma_wait3A_396 = tpu.memref_slice %arg6[%dma_wait3A_392, %dma_wait3A_394, %dma_wait3A_395] : memref<4x168x128xf32, #tpu.memory_space<vmem>> -> memref<1x56x128xf32, #tpu.memory_space<vmem>>
    %dma_wait3A_397 = tpu.memref_squeeze %dma_wait3A_396 : memref<1x56x128xf32, #tpu.memory_space<vmem>> -> memref<56x128xf32, #tpu.memory_space<vmem>>
    %dma_wait3A_398 = arith.constant 0 : i32
    %dma_wait3A_399 = tpu.memref_slice %arg4[%dma_wait3A_393, %multiple_of3A_359, %dma_wait3A_398] : memref<3x100352x128xf32, #tpu.memory_space<hbm>> -> memref<1x56x128xf32, #tpu.memory_space<hbm>>
    %dma_wait3A_400 = tpu.memref_squeeze %dma_wait3A_399 : memref<1x56x128xf32, #tpu.memory_space<hbm>> -> memref<56x128xf32, #tpu.memory_space<hbm>>
    %dma_wait3A_401 = arith.constant 0 : i32
    %dma_wait3A_402 = tpu.memref_slice %arg4[%dma_wait3A_393, %multiple_of3A_359, %dma_wait3A_401] : memref<3x100352x128xf32, #tpu.memory_space<hbm>> -> memref<1x56x128xf32, #tpu.memory_space<hbm>>
    %dma_wait3A_403 = tpu.memref_squeeze %dma_wait3A_402 : memref<1x56x128xf32, #tpu.memory_space<hbm>> -> memref<56x128xf32, #tpu.memory_space<hbm>>
    %dma_wait3A_404 = arith.constant 112 : i32
    %dma_wait3A_405 = arith.constant 0 : i32
    %dma_wait3A_406 = tpu.memref_slice %arg6[%dma_wait3A_392, %dma_wait3A_404, %dma_wait3A_405] : memref<4x168x128xf32, #tpu.memory_space<vmem>> -> memref<1x56x128xf32, #tpu.memory_space<vmem>>
    %dma_wait3A_407 = tpu.memref_squeeze %dma_wait3A_406 : memref<1x56x128xf32, #tpu.memory_space<vmem>> -> memref<56x128xf32, #tpu.memory_space<vmem>>
    tpu.wait_dma2 semaphore(%arg9 : memref<!tpu.dma_semaphore, #tpu.memory_space<semaphore_mem>>) src(%dma_wait3A_407 : memref<56x128xf32, #tpu.memory_space<vmem>>) dst(%dma_wait3A_403 : memref<56x128xf32, #tpu.memory_space<hbm>>)
    %dma_start3A_408 = arith.constant 12 : i32
    %dma_start3A_409 = arith.constant 0 : i32
    %dma_start3A_410 = arith.constant 0 : i32
    %dma_start3A_411 = arith.constant 0 : i32
    %dma_start3A_412 = tpu.memref_slice %arg6[%dma_start3A_409, %dma_start3A_410, %dma_start3A_411] : memref<4x168x128xf32, #tpu.memory_space<vmem>> -> memref<1x56x128xf32, #tpu.memory_space<vmem>>
    %dma_start3A_413 = tpu.memref_squeeze %dma_start3A_412 : memref<1x56x128xf32, #tpu.memory_space<vmem>> -> memref<56x128xf32, #tpu.memory_space<vmem>>
    %dma_start3A_414 = arith.constant 0 : i32
    %dma_start3A_415 = tpu.memref_slice %arg5[%dma_start3A_408, %dma_start3A_414] : memref<174x56xi32, #tpu.memory_space<vmem>> -> memref<1x56xi32, #tpu.memory_space<vmem>>
    %dma_start3A_416 = tpu.memref_squeeze %dma_start3A_415 : memref<1x56xi32, #tpu.memory_space<vmem>> -> memref<56xi32, #tpu.memory_space<vmem>>
    %dma_start3A_417 = arith.constant 0 : i32
    %dma_start3A_418 = arith.constant 0 : i32
    %dma_start3A_419 = tpu.memref_slice %arg7[%dma_start3A_417, %dma_start3A_418] : memref<1674x128xf32, #tpu.memory_space<vmem_shared>> -> memref<1674x128xf32, #tpu.memory_space<vmem_shared>>
    tpu.enqueue_indirect_dma source(%dma_start3A_419 : memref<1674x128xf32, #tpu.memory_space<vmem_shared>>) target(%dma_start3A_413 : memref<56x128xf32, #tpu.memory_space<vmem>>) offsets(%dma_start3A_416 : memref<56xi32, #tpu.memory_space<vmem>>) semaphore(%arg8 : memref<!tpu.dma_semaphore, #tpu.memory_space<semaphore_mem>>)
    %dma_start3A_420 = arith.constant 13 : i32
    %dma_start3A_421 = arith.constant 0 : i32
    %dma_start3A_422 = arith.constant 56 : i32
    %dma_start3A_423 = arith.constant 0 : i32
    %dma_start3A_424 = tpu.memref_slice %arg6[%dma_start3A_421, %dma_start3A_422, %dma_start3A_423] : memref<4x168x128xf32, #tpu.memory_space<vmem>> -> memref<1x56x128xf32, #tpu.memory_space<vmem>>
    %dma_start3A_425 = tpu.memref_squeeze %dma_start3A_424 : memref<1x56x128xf32, #tpu.memory_space<vmem>> -> memref<56x128xf32, #tpu.memory_space<vmem>>
    %dma_start3A_426 = arith.constant 0 : i32
    %dma_start3A_427 = tpu.memref_slice %arg5[%dma_start3A_420, %dma_start3A_426] : memref<174x56xi32, #tpu.memory_space<vmem>> -> memref<1x56xi32, #tpu.memory_space<vmem>>
    %dma_start3A_428 = tpu.memref_squeeze %dma_start3A_427 : memref<1x56xi32, #tpu.memory_space<vmem>> -> memref<56xi32, #tpu.memory_space<vmem>>
    %dma_start3A_429 = arith.constant 0 : i32
    %dma_start3A_430 = arith.constant 0 : i32
    %dma_start3A_431 = tpu.memref_slice %arg7[%dma_start3A_429, %dma_start3A_430] : memref<1674x128xf32, #tpu.memory_space<vmem_shared>> -> memref<1674x128xf32, #tpu.memory_space<vmem_shared>>
    tpu.enqueue_indirect_dma source(%dma_start3A_431 : memref<1674x128xf32, #tpu.memory_space<vmem_shared>>) target(%dma_start3A_425 : memref<56x128xf32, #tpu.memory_space<vmem>>) offsets(%dma_start3A_428 : memref<56xi32, #tpu.memory_space<vmem>>) semaphore(%arg8 : memref<!tpu.dma_semaphore, #tpu.memory_space<semaphore_mem>>)
    %dma_start3A_432 = arith.constant 14 : i32
    %dma_start3A_433 = arith.constant 0 : i32
    %dma_start3A_434 = arith.constant 112 : i32
    %dma_start3A_435 = arith.constant 0 : i32
    %dma_start3A_436 = tpu.memref_slice %arg6[%dma_start3A_433, %dma_start3A_434, %dma_start3A_435] : memref<4x168x128xf32, #tpu.memory_space<vmem>> -> memref<1x56x128xf32, #tpu.memory_space<vmem>>
    %dma_start3A_437 = tpu.memref_squeeze %dma_start3A_436 : memref<1x56x128xf32, #tpu.memory_space<vmem>> -> memref<56x128xf32, #tpu.memory_space<vmem>>
    %dma_start3A_438 = arith.constant 0 : i32
    %dma_start3A_439 = tpu.memref_slice %arg5[%dma_start3A_432, %dma_start3A_438] : memref<174x56xi32, #tpu.memory_space<vmem>> -> memref<1x56xi32, #tpu.memory_space<vmem>>
    %dma_start3A_440 = tpu.memref_squeeze %dma_start3A_439 : memref<1x56xi32, #tpu.memory_space<vmem>> -> memref<56xi32, #tpu.memory_space<vmem>>
    %dma_start3A_441 = arith.constant 0 : i32
    %dma_start3A_442 = arith.constant 0 : i32
    %dma_start3A_443 = tpu.memref_slice %arg7[%dma_start3A_441, %dma_start3A_442] : memref<1674x128xf32, #tpu.memory_space<vmem_shared>> -> memref<1674x128xf32, #tpu.memory_space<vmem_shared>>
    tpu.enqueue_indirect_dma source(%dma_start3A_443 : memref<1674x128xf32, #tpu.memory_space<vmem_shared>>) target(%dma_start3A_437 : memref<56x128xf32, #tpu.memory_space<vmem>>) offsets(%dma_start3A_440 : memref<56xi32, #tpu.memory_space<vmem>>) semaphore(%arg8 : memref<!tpu.dma_semaphore, #tpu.memory_space<semaphore_mem>>)
    %add3A_444 = arith.constant 112 : i32
    %add3A_445 = arith.addi %multiple_of3A, %add3A_444 : i32
    %multiple_of3A_446 = tpu.assume_multiple %add3A_445, 56 : i32
    %dma_start3A_447 = arith.constant 2 : i32
    %dma_start3A_448 = arith.constant 0 : i32
    %dma_start3A_449 = arith.constant 0 : i32
    %dma_start3A_450 = arith.constant 0 : i32
    %dma_start3A_451 = tpu.memref_slice %arg6[%dma_start3A_447, %dma_start3A_449, %dma_start3A_450] : memref<4x168x128xf32, #tpu.memory_space<vmem>> -> memref<1x56x128xf32, #tpu.memory_space<vmem>>
    %dma_start3A_452 = tpu.memref_squeeze %dma_start3A_451 : memref<1x56x128xf32, #tpu.memory_space<vmem>> -> memref<56x128xf32, #tpu.memory_space<vmem>>
    %dma_start3A_453 = arith.constant 0 : i32
    %dma_start3A_454 = tpu.memref_slice %arg4[%dma_start3A_448, %multiple_of3A_446, %dma_start3A_453] : memref<3x100352x128xf32, #tpu.memory_space<hbm>> -> memref<1x56x128xf32, #tpu.memory_space<hbm>>
    %dma_start3A_455 = tpu.memref_squeeze %dma_start3A_454 : memref<1x56x128xf32, #tpu.memory_space<hbm>> -> memref<56x128xf32, #tpu.memory_space<hbm>>
    %dma_start3A_456 = arith.constant 0 : i32
    %dma_start3A_457 = tpu.memref_slice %arg4[%dma_start3A_448, %multiple_of3A_446, %dma_start3A_456] : memref<3x100352x128xf32, #tpu.memory_space<hbm>> -> memref<1x56x128xf32, #tpu.memory_space<hbm>>
    %dma_start3A_458 = tpu.memref_squeeze %dma_start3A_457 : memref<1x56x128xf32, #tpu.memory_space<hbm>> -> memref<56x128xf32, #tpu.memory_space<hbm>>
    %dma_start3A_459 = arith.constant 0 : i32
    %dma_start3A_460 = arith.constant 0 : i32
    %dma_start3A_461 = tpu.memref_slice %arg6[%dma_start3A_447, %dma_start3A_459, %dma_start3A_460] : memref<4x168x128xf32, #tpu.memory_space<vmem>> -> memref<1x56x128xf32, #tpu.memory_space<vmem>>
    %dma_start3A_462 = tpu.memref_squeeze %dma_start3A_461 : memref<1x56x128xf32, #tpu.memory_space<vmem>> -> memref<56x128xf32, #tpu.memory_space<vmem>>
    tpu.enqueue_dma source(%dma_start3A_462 : memref<56x128xf32, #tpu.memory_space<vmem>>) target(%dma_start3A_458 : memref<56x128xf32, #tpu.memory_space<hbm>>) target_semaphore(%arg11 : memref<!tpu.dma_semaphore, #tpu.memory_space<semaphore_mem>>)
    %dma_start3A_463 = arith.constant 2 : i32
    %dma_start3A_464 = arith.constant 1 : i32
    %dma_start3A_465 = arith.constant 56 : i32
    %dma_start3A_466 = arith.constant 0 : i32
    %dma_start3A_467 = tpu.memref_slice %arg6[%dma_start3A_463, %dma_start3A_465, %dma_start3A_466] : memref<4x168x128xf32, #tpu.memory_space<vmem>> -> memref<1x56x128xf32, #tpu.memory_space<vmem>>
    %dma_start3A_468 = tpu.memref_squeeze %dma_start3A_467 : memref<1x56x128xf32, #tpu.memory_space<vmem>> -> memref<56x128xf32, #tpu.memory_space<vmem>>
    %dma_start3A_469 = arith.constant 0 : i32
    %dma_start3A_470 = tpu.memref_slice %arg4[%dma_start3A_464, %multiple_of3A_446, %dma_start3A_469] : memref<3x100352x128xf32, #tpu.memory_space<hbm>> -> memref<1x56x128xf32, #tpu.memory_space<hbm>>
    %dma_start3A_471 = tpu.memref_squeeze %dma_start3A_470 : memref<1x56x128xf32, #tpu.memory_space<hbm>> -> memref<56x128xf32, #tpu.memory_space<hbm>>
    %dma_start3A_472 = arith.constant 0 : i32
    %dma_start3A_473 = tpu.memref_slice %arg4[%dma_start3A_464, %multiple_of3A_446, %dma_start3A_472] : memref<3x100352x128xf32, #tpu.memory_space<hbm>> -> memref<1x56x128xf32, #tpu.memory_space<hbm>>
    %dma_start3A_474 = tpu.memref_squeeze %dma_start3A_473 : memref<1x56x128xf32, #tpu.memory_space<hbm>> -> memref<56x128xf32, #tpu.memory_space<hbm>>
    %dma_start3A_475 = arith.constant 56 : i32
    %dma_start3A_476 = arith.constant 0 : i32
    %dma_start3A_477 = tpu.memref_slice %arg6[%dma_start3A_463, %dma_start3A_475, %dma_start3A_476] : memref<4x168x128xf32, #tpu.memory_space<vmem>> -> memref<1x56x128xf32, #tpu.memory_space<vmem>>
    %dma_start3A_478 = tpu.memref_squeeze %dma_start3A_477 : memref<1x56x128xf32, #tpu.memory_space<vmem>> -> memref<56x128xf32, #tpu.memory_space<vmem>>
    tpu.enqueue_dma source(%dma_start3A_478 : memref<56x128xf32, #tpu.memory_space<vmem>>) target(%dma_start3A_474 : memref<56x128xf32, #tpu.memory_space<hbm>>) target_semaphore(%arg11 : memref<!tpu.dma_semaphore, #tpu.memory_space<semaphore_mem>>)
    %dma_start3A_479 = arith.constant 2 : i32
    %dma_start3A_480 = arith.constant 2 : i32
    %dma_start3A_481 = arith.constant 112 : i32
    %dma_start3A_482 = arith.constant 0 : i32
    %dma_start3A_483 = tpu.memref_slice %arg6[%dma_start3A_479, %dma_start3A_481, %dma_start3A_482] : memref<4x168x128xf32, #tpu.memory_space<vmem>> -> memref<1x56x128xf32, #tpu.memory_space<vmem>>
    %dma_start3A_484 = tpu.memref_squeeze %dma_start3A_483 : memref<1x56x128xf32, #tpu.memory_space<vmem>> -> memref<56x128xf32, #tpu.memory_space<vmem>>
    %dma_start3A_485 = arith.constant 0 : i32
    %dma_start3A_486 = tpu.memref_slice %arg4[%dma_start3A_480, %multiple_of3A_446, %dma_start3A_485] : memref<3x100352x128xf32, #tpu.memory_space<hbm>> -> memref<1x56x128xf32, #tpu.memory_space<hbm>>
    %dma_start3A_487 = tpu.memref_squeeze %dma_start3A_486 : memref<1x56x128xf32, #tpu.memory_space<hbm>> -> memref<56x128xf32, #tpu.memory_space<hbm>>
    %dma_start3A_488 = arith.constant 0 : i32
    %dma_start3A_489 = tpu.memref_slice %arg4[%dma_start3A_480, %multiple_of3A_446, %dma_start3A_488] : memref<3x100352x128xf32, #tpu.memory_space<hbm>> -> memref<1x56x128xf32, #tpu.memory_space<hbm>>
    %dma_start3A_490 = tpu.memref_squeeze %dma_start3A_489 : memref<1x56x128xf32, #tpu.memory_space<hbm>> -> memref<56x128xf32, #tpu.memory_space<hbm>>
    %dma_start3A_491 = arith.constant 112 : i32
    %dma_start3A_492 = arith.constant 0 : i32
    %dma_start3A_493 = tpu.memref_slice %arg6[%dma_start3A_479, %dma_start3A_491, %dma_start3A_492] : memref<4x168x128xf32, #tpu.memory_space<vmem>> -> memref<1x56x128xf32, #tpu.memory_space<vmem>>
    %dma_start3A_494 = tpu.memref_squeeze %dma_start3A_493 : memref<1x56x128xf32, #tpu.memory_space<vmem>> -> memref<56x128xf32, #tpu.memory_space<vmem>>
    tpu.enqueue_dma source(%dma_start3A_494 : memref<56x128xf32, #tpu.memory_space<vmem>>) target(%dma_start3A_490 : memref<56x128xf32, #tpu.memory_space<hbm>>) target_semaphore(%arg11 : memref<!tpu.dma_semaphore, #tpu.memory_space<semaphore_mem>>)
    %dma_wait3A_495 = arith.constant 9 : i32
    %dma_wait3A_496 = arith.constant 3 : i32
    %dma_wait3A_497 = arith.constant 0 : i32
    %dma_wait3A_498 = arith.constant 0 : i32
    %dma_wait3A_499 = tpu.memref_slice %arg6[%dma_wait3A_496, %dma_wait3A_497, %dma_wait3A_498] : memref<4x168x128xf32, #tpu.memory_space<vmem>> -> memref<1x56x128xf32, #tpu.memory_space<vmem>>
    %dma_wait3A_500 = tpu.memref_squeeze %dma_wait3A_499 : memref<1x56x128xf32, #tpu.memory_space<vmem>> -> memref<56x128xf32, #tpu.memory_space<vmem>>
    %dma_wait3A_501 = arith.constant 0 : i32
    %dma_wait3A_502 = tpu.memref_slice %arg5[%dma_wait3A_495, %dma_wait3A_501] : memref<174x56xi32, #tpu.memory_space<vmem>> -> memref<1x56xi32, #tpu.memory_space<vmem>>
    %dma_wait3A_503 = tpu.memref_squeeze %dma_wait3A_502 : memref<1x56xi32, #tpu.memory_space<vmem>> -> memref<56xi32, #tpu.memory_space<vmem>>
    %dma_wait3A_504 = arith.constant 0 : i32
    %dma_wait3A_505 = arith.constant 0 : i32
    %dma_wait3A_506 = tpu.memref_slice %arg7[%dma_wait3A_504, %dma_wait3A_505] : memref<1674x128xf32, #tpu.memory_space<vmem_shared>> -> memref<1674x128xf32, #tpu.memory_space<vmem_shared>>
    tpu.wait_indirect_dma semaphore(%arg8 : memref<!tpu.dma_semaphore, #tpu.memory_space<semaphore_mem>>) src(%dma_wait3A_506 : memref<1674x128xf32, #tpu.memory_space<vmem_shared>>) dst(%dma_wait3A_500 : memref<56x128xf32, #tpu.memory_space<vmem>>)
    %dma_wait3A_507 = arith.constant 10 : i32
    %dma_wait3A_508 = arith.constant 3 : i32
    %dma_wait3A_509 = arith.constant 56 : i32
    %dma_wait3A_510 = arith.constant 0 : i32
    %dma_wait3A_511 = tpu.memref_slice %arg6[%dma_wait3A_508, %dma_wait3A_509, %dma_wait3A_510] : memref<4x168x128xf32, #tpu.memory_space<vmem>> -> memref<1x56x128xf32, #tpu.memory_space<vmem>>
    %dma_wait3A_512 = tpu.memref_squeeze %dma_wait3A_511 : memref<1x56x128xf32, #tpu.memory_space<vmem>> -> memref<56x128xf32, #tpu.memory_space<vmem>>
    %dma_wait3A_513 = arith.constant 0 : i32
    %dma_wait3A_514 = tpu.memref_slice %arg5[%dma_wait3A_507, %dma_wait3A_513] : memref<174x56xi32, #tpu.memory_space<vmem>> -> memref<1x56xi32, #tpu.memory_space<vmem>>
    %dma_wait3A_515 = tpu.memref_squeeze %dma_wait3A_514 : memref<1x56xi32, #tpu.memory_space<vmem>> -> memref<56xi32, #tpu.memory_space<vmem>>
    %dma_wait3A_516 = arith.constant 0 : i32
    %dma_wait3A_517 = arith.constant 0 : i32
    %dma_wait3A_518 = tpu.memref_slice %arg7[%dma_wait3A_516, %dma_wait3A_517] : memref<1674x128xf32, #tpu.memory_space<vmem_shared>> -> memref<1674x128xf32, #tpu.memory_space<vmem_shared>>
    tpu.wait_indirect_dma semaphore(%arg8 : memref<!tpu.dma_semaphore, #tpu.memory_space<semaphore_mem>>) src(%dma_wait3A_518 : memref<1674x128xf32, #tpu.memory_space<vmem_shared>>) dst(%dma_wait3A_512 : memref<56x128xf32, #tpu.memory_space<vmem>>)
    %dma_wait3A_519 = arith.constant 11 : i32
    %dma_wait3A_520 = arith.constant 3 : i32
    %dma_wait3A_521 = arith.constant 112 : i32
    %dma_wait3A_522 = arith.constant 0 : i32
    %dma_wait3A_523 = tpu.memref_slice %arg6[%dma_wait3A_520, %dma_wait3A_521, %dma_wait3A_522] : memref<4x168x128xf32, #tpu.memory_space<vmem>> -> memref<1x56x128xf32, #tpu.memory_space<vmem>>
    %dma_wait3A_524 = tpu.memref_squeeze %dma_wait3A_523 : memref<1x56x128xf32, #tpu.memory_space<vmem>> -> memref<56x128xf32, #tpu.memory_space<vmem>>
    %dma_wait3A_525 = arith.constant 0 : i32
    %dma_wait3A_526 = tpu.memref_slice %arg5[%dma_wait3A_519, %dma_wait3A_525] : memref<174x56xi32, #tpu.memory_space<vmem>> -> memref<1x56xi32, #tpu.memory_space<vmem>>
    %dma_wait3A_527 = tpu.memref_squeeze %dma_wait3A_526 : memref<1x56xi32, #tpu.memory_space<vmem>> -> memref<56xi32, #tpu.memory_space<vmem>>
    %dma_wait3A_528 = arith.constant 0 : i32
    %dma_wait3A_529 = arith.constant 0 : i32
    %dma_wait3A_530 = tpu.memref_slice %arg7[%dma_wait3A_528, %dma_wait3A_529] : memref<1674x128xf32, #tpu.memory_space<vmem_shared>> -> memref<1674x128xf32, #tpu.memory_space<vmem_shared>>
    tpu.wait_indirect_dma semaphore(%arg8 : memref<!tpu.dma_semaphore, #tpu.memory_space<semaphore_mem>>) src(%dma_wait3A_530 : memref<1674x128xf32, #tpu.memory_space<vmem_shared>>) dst(%dma_wait3A_524 : memref<56x128xf32, #tpu.memory_space<vmem>>)
    %add3A_531 = arith.constant 56 : i32
    %add3A_532 = arith.addi %multiple_of3A, %add3A_531 : i32
    %multiple_of3A_533 = tpu.assume_multiple %add3A_532, 56 : i32
    %dma_wait3A_534 = arith.constant 1 : i32
    %dma_wait3A_535 = arith.constant 0 : i32
    %dma_wait3A_536 = arith.constant 0 : i32
    %dma_wait3A_537 = arith.constant 0 : i32
    %dma_wait3A_538 = tpu.memref_slice %arg6[%dma_wait3A_534, %dma_wait3A_536, %dma_wait3A_537] : memref<4x168x128xf32, #tpu.memory_space<vmem>> -> memref<1x56x128xf32, #tpu.memory_space<vmem>>
    %dma_wait3A_539 = tpu.memref_squeeze %dma_wait3A_538 : memref<1x56x128xf32, #tpu.memory_space<vmem>> -> memref<56x128xf32, #tpu.memory_space<vmem>>
    %dma_wait3A_540 = arith.constant 0 : i32
    %dma_wait3A_541 = tpu.memref_slice %arg4[%dma_wait3A_535, %multiple_of3A_533, %dma_wait3A_540] : memref<3x100352x128xf32, #tpu.memory_space<hbm>> -> memref<1x56x128xf32, #tpu.memory_space<hbm>>
    %dma_wait3A_542 = tpu.memref_squeeze %dma_wait3A_541 : memref<1x56x128xf32, #tpu.memory_space<hbm>> -> memref<56x128xf32, #tpu.memory_space<hbm>>
    %dma_wait3A_543 = arith.constant 0 : i32
    %dma_wait3A_544 = tpu.memref_slice %arg4[%dma_wait3A_535, %multiple_of3A_533, %dma_wait3A_543] : memref<3x100352x128xf32, #tpu.memory_space<hbm>> -> memref<1x56x128xf32, #tpu.memory_space<hbm>>
    %dma_wait3A_545 = tpu.memref_squeeze %dma_wait3A_544 : memref<1x56x128xf32, #tpu.memory_space<hbm>> -> memref<56x128xf32, #tpu.memory_space<hbm>>
    %dma_wait3A_546 = arith.constant 0 : i32
    %dma_wait3A_547 = arith.constant 0 : i32
    %dma_wait3A_548 = tpu.memref_slice %arg6[%dma_wait3A_534, %dma_wait3A_546, %dma_wait3A_547] : memref<4x168x128xf32, #tpu.memory_space<vmem>> -> memref<1x56x128xf32, #tpu.memory_space<vmem>>
    %dma_wait3A_549 = tpu.memref_squeeze %dma_wait3A_548 : memref<1x56x128xf32, #tpu.memory_space<vmem>> -> memref<56x128xf32, #tpu.memory_space<vmem>>
    tpu.wait_dma2 semaphore(%arg10 : memref<!tpu.dma_semaphore, #tpu.memory_space<semaphore_mem>>) src(%dma_wait3A_549 : memref<56x128xf32, #tpu.memory_space<vmem>>) dst(%dma_wait3A_545 : memref<56x128xf32, #tpu.memory_space<hbm>>)
    %dma_wait3A_550 = arith.constant 1 : i32
    %dma_wait3A_551 = arith.constant 1 : i32
    %dma_wait3A_552 = arith.constant 56 : i32
    %dma_wait3A_553 = arith.constant 0 : i32
    %dma_wait3A_554 = tpu.memref_slice %arg6[%dma_wait3A_550, %dma_wait3A_552, %dma_wait3A_553] : memref<4x168x128xf32, #tpu.memory_space<vmem>> -> memref<1x56x128xf32, #tpu.memory_space<vmem>>
    %dma_wait3A_555 = tpu.memref_squeeze %dma_wait3A_554 : memref<1x56x128xf32, #tpu.memory_space<vmem>> -> memref<56x128xf32, #tpu.memory_space<vmem>>
    %dma_wait3A_556 = arith.constant 0 : i32
    %dma_wait3A_557 = tpu.memref_slice %arg4[%dma_wait3A_551, %multiple_of3A_533, %dma_wait3A_556] : memref<3x100352x128xf32, #tpu.memory_space<hbm>> -> memref<1x56x128xf32, #tpu.memory_space<hbm>>
    %dma_wait3A_558 = tpu.memref_squeeze %dma_wait3A_557 : memref<1x56x128xf32, #tpu.memory_space<hbm>> -> memref<56x128xf32, #tpu.memory_space<hbm>>
    %dma_wait3A_559 = arith.constant 0 : i32
    %dma_wait3A_560 = tpu.memref_slice %arg4[%dma_wait3A_551, %multiple_of3A_533, %dma_wait3A_559] : memref<3x100352x128xf32, #tpu.memory_space<hbm>> -> memref<1x56x128xf32, #tpu.memory_space<hbm>>
    %dma_wait3A_561 = tpu.memref_squeeze %dma_wait3A_560 : memref<1x56x128xf32, #tpu.memory_space<hbm>> -> memref<56x128xf32, #tpu.memory_space<hbm>>
    %dma_wait3A_562 = arith.constant 56 : i32
    %dma_wait3A_563 = arith.constant 0 : i32
    %dma_wait3A_564 = tpu.memref_slice %arg6[%dma_wait3A_550, %dma_wait3A_562, %dma_wait3A_563] : memref<4x168x128xf32, #tpu.memory_space<vmem>> -> memref<1x56x128xf32, #tpu.memory_space<vmem>>
    %dma_wait3A_565 = tpu.memref_squeeze %dma_wait3A_564 : memref<1x56x128xf32, #tpu.memory_space<vmem>> -> memref<56x128xf32, #tpu.memory_space<vmem>>
    tpu.wait_dma2 semaphore(%arg10 : memref<!tpu.dma_semaphore, #tpu.memory_space<semaphore_mem>>) src(%dma_wait3A_565 : memref<56x128xf32, #tpu.memory_space<vmem>>) dst(%dma_wait3A_561 : memref<56x128xf32, #tpu.memory_space<hbm>>)
    %dma_wait3A_566 = arith.constant 1 : i32
    %dma_wait3A_567 = arith.constant 2 : i32
    %dma_wait3A_568 = arith.constant 112 : i32
    %dma_wait3A_569 = arith.constant 0 : i32
    %dma_wait3A_570 = tpu.memref_slice %arg6[%dma_wait3A_566, %dma_wait3A_568, %dma_wait3A_569] : memref<4x168x128xf32, #tpu.memory_space<vmem>> -> memref<1x56x128xf32, #tpu.memory_space<vmem>>
    %dma_wait3A_571 = tpu.memref_squeeze %dma_wait3A_570 : memref<1x56x128xf32, #tpu.memory_space<vmem>> -> memref<56x128xf32, #tpu.memory_space<vmem>>
    %dma_wait3A_572 = arith.constant 0 : i32
    %dma_wait3A_573 = tpu.memref_slice %arg4[%dma_wait3A_567, %multiple_of3A_533, %dma_wait3A_572] : memref<3x100352x128xf32, #tpu.memory_space<hbm>> -> memref<1x56x128xf32, #tpu.memory_space<hbm>>
    %dma_wait3A_574 = tpu.memref_squeeze %dma_wait3A_573 : memref<1x56x128xf32, #tpu.memory_space<hbm>> -> memref<56x128xf32, #tpu.memory_space<hbm>>
    %dma_wait3A_575 = arith.constant 0 : i32
    %dma_wait3A_576 = tpu.memref_slice %arg4[%dma_wait3A_567, %multiple_of3A_533, %dma_wait3A_575] : memref<3x100352x128xf32, #tpu.memory_space<hbm>> -> memref<1x56x128xf32, #tpu.memory_space<hbm>>
    %dma_wait3A_577 = tpu.memref_squeeze %dma_wait3A_576 : memref<1x56x128xf32, #tpu.memory_space<hbm>> -> memref<56x128xf32, #tpu.memory_space<hbm>>
    %dma_wait3A_578 = arith.constant 112 : i32
    %dma_wait3A_579 = arith.constant 0 : i32
    %dma_wait3A_580 = tpu.memref_slice %arg6[%dma_wait3A_566, %dma_wait3A_578, %dma_wait3A_579] : memref<4x168x128xf32, #tpu.memory_space<vmem>> -> memref<1x56x128xf32, #tpu.memory_space<vmem>>
    %dma_wait3A_581 = tpu.memref_squeeze %dma_wait3A_580 : memref<1x56x128xf32, #tpu.memory_space<vmem>> -> memref<56x128xf32, #tpu.memory_space<vmem>>
    tpu.wait_dma2 semaphore(%arg10 : memref<!tpu.dma_semaphore, #tpu.memory_space<semaphore_mem>>) src(%dma_wait3A_581 : memref<56x128xf32, #tpu.memory_space<vmem>>) dst(%dma_wait3A_577 : memref<56x128xf32, #tpu.memory_space<hbm>>)
    %dma_start3A_582 = arith.constant 15 : i32
    %dma_start3A_583 = arith.constant 1 : i32
    %dma_start3A_584 = arith.constant 0 : i32
    %dma_start3A_585 = arith.constant 0 : i32
    %dma_start3A_586 = tpu.memref_slice %arg6[%dma_start3A_583, %dma_start3A_584, %dma_start3A_585] : memref<4x168x128xf32, #tpu.memory_space<vmem>> -> memref<1x56x128xf32, #tpu.memory_space<vmem>>
    %dma_start3A_587 = tpu.memref_squeeze %dma_start3A_586 : memref<1x56x128xf32, #tpu.memory_space<vmem>> -> memref<56x128xf32, #tpu.memory_space<vmem>>
    %dma_start3A_588 = arith.constant 0 : i32
    %dma_start3A_589 = tpu.memref_slice %arg5[%dma_start3A_582, %dma_start3A_588] : memref<174x56xi32, #tpu.memory_space<vmem>> -> memref<1x56xi32, #tpu.memory_space<vmem>>
    %dma_start3A_590 = tpu.memref_squeeze %dma_start3A_589 : memref<1x56xi32, #tpu.memory_space<vmem>> -> memref<56xi32, #tpu.memory_space<vmem>>
    %dma_start3A_591 = arith.constant 0 : i32
    %dma_start3A_592 = arith.constant 0 : i32
    %dma_start3A_593 = tpu.memref_slice %arg7[%dma_start3A_591, %dma_start3A_592] : memref<1674x128xf32, #tpu.memory_space<vmem_shared>> -> memref<1674x128xf32, #tpu.memory_space<vmem_shared>>
    tpu.enqueue_indirect_dma source(%dma_start3A_593 : memref<1674x128xf32, #tpu.memory_space<vmem_shared>>) target(%dma_start3A_587 : memref<56x128xf32, #tpu.memory_space<vmem>>) offsets(%dma_start3A_590 : memref<56xi32, #tpu.memory_space<vmem>>) semaphore(%arg8 : memref<!tpu.dma_semaphore, #tpu.memory_space<semaphore_mem>>)
    %dma_start3A_594 = arith.constant 16 : i32
    %dma_start3A_595 = arith.constant 1 : i32
    %dma_start3A_596 = arith.constant 56 : i32
    %dma_start3A_597 = arith.constant 0 : i32
    %dma_start3A_598 = tpu.memref_slice %arg6[%dma_start3A_595, %dma_start3A_596, %dma_start3A_597] : memref<4x168x128xf32, #tpu.memory_space<vmem>> -> memref<1x56x128xf32, #tpu.memory_space<vmem>>
    %dma_start3A_599 = tpu.memref_squeeze %dma_start3A_598 : memref<1x56x128xf32, #tpu.memory_space<vmem>> -> memref<56x128xf32, #tpu.memory_space<vmem>>
    %dma_start3A_600 = arith.constant 0 : i32
    %dma_start3A_601 = tpu.memref_slice %arg5[%dma_start3A_594, %dma_start3A_600] : memref<174x56xi32, #tpu.memory_space<vmem>> -> memref<1x56xi32, #tpu.memory_space<vmem>>
    %dma_start3A_602 = tpu.memref_squeeze %dma_start3A_601 : memref<1x56xi32, #tpu.memory_space<vmem>> -> memref<56xi32, #tpu.memory_space<vmem>>
    %dma_start3A_603 = arith.constant 0 : i32
    %dma_start3A_604 = arith.constant 0 : i32
    %dma_start3A_605 = tpu.memref_slice %arg7[%dma_start3A_603, %dma_start3A_604] : memref<1674x128xf32, #tpu.memory_space<vmem_shared>> -> memref<1674x128xf32, #tpu.memory_space<vmem_shared>>
    tpu.enqueue_indirect_dma source(%dma_start3A_605 : memref<1674x128xf32, #tpu.memory_space<vmem_shared>>) target(%dma_start3A_599 : memref<56x128xf32, #tpu.memory_space<vmem>>) offsets(%dma_start3A_602 : memref<56xi32, #tpu.memory_space<vmem>>) semaphore(%arg8 : memref<!tpu.dma_semaphore, #tpu.memory_space<semaphore_mem>>)
    %dma_start3A_606 = arith.constant 17 : i32
    %dma_start3A_607 = arith.constant 1 : i32
    %dma_start3A_608 = arith.constant 112 : i32
    %dma_start3A_609 = arith.constant 0 : i32
    %dma_start3A_610 = tpu.memref_slice %arg6[%dma_start3A_607, %dma_start3A_608, %dma_start3A_609] : memref<4x168x128xf32, #tpu.memory_space<vmem>> -> memref<1x56x128xf32, #tpu.memory_space<vmem>>
    %dma_start3A_611 = tpu.memref_squeeze %dma_start3A_610 : memref<1x56x128xf32, #tpu.memory_space<vmem>> -> memref<56x128xf32, #tpu.memory_space<vmem>>
    %dma_start3A_612 = arith.constant 0 : i32
    %dma_start3A_613 = tpu.memref_slice %arg5[%dma_start3A_606, %dma_start3A_612] : memref<174x56xi32, #tpu.memory_space<vmem>> -> memref<1x56xi32, #tpu.memory_space<vmem>>
    %dma_start3A_614 = tpu.memref_squeeze %dma_start3A_613 : memref<1x56xi32, #tpu.memory_space<vmem>> -> memref<56xi32, #tpu.memory_space<vmem>>
    %dma_start3A_615 = arith.constant 0 : i32
    %dma_start3A_616 = arith.constant 0 : i32
    %dma_start3A_617 = tpu.memref_slice %arg7[%dma_start3A_615, %dma_start3A_616] : memref<1674x128xf32, #tpu.memory_space<vmem_shared>> -> memref<1674x128xf32, #tpu.memory_space<vmem_shared>>
    tpu.enqueue_indirect_dma source(%dma_start3A_617 : memref<1674x128xf32, #tpu.memory_space<vmem_shared>>) target(%dma_start3A_611 : memref<56x128xf32, #tpu.memory_space<vmem>>) offsets(%dma_start3A_614 : memref<56xi32, #tpu.memory_space<vmem>>) semaphore(%arg8 : memref<!tpu.dma_semaphore, #tpu.memory_space<semaphore_mem>>)
    %add3A_618 = arith.constant 168 : i32
    %add3A_619 = arith.addi %multiple_of3A, %add3A_618 : i32
    %multiple_of3A_620 = tpu.assume_multiple %add3A_619, 56 : i32
    %dma_start3A_621 = arith.constant 3 : i32
    %dma_start3A_622 = arith.constant 0 : i32
    %dma_start3A_623 = arith.constant 0 : i32
    %dma_start3A_624 = arith.constant 0 : i32
    %dma_start3A_625 = tpu.memref_slice %arg6[%dma_start3A_621, %dma_start3A_623, %dma_start3A_624] : memref<4x168x128xf32, #tpu.memory_space<vmem>> -> memref<1x56x128xf32, #tpu.memory_space<vmem>>
    %dma_start3A_626 = tpu.memref_squeeze %dma_start3A_625 : memref<1x56x128xf32, #tpu.memory_space<vmem>> -> memref<56x128xf32, #tpu.memory_space<vmem>>
    %dma_start3A_627 = arith.constant 0 : i32
    %dma_start3A_628 = tpu.memref_slice %arg4[%dma_start3A_622, %multiple_of3A_620, %dma_start3A_627] : memref<3x100352x128xf32, #tpu.memory_space<hbm>> -> memref<1x56x128xf32, #tpu.memory_space<hbm>>
    %dma_start3A_629 = tpu.memref_squeeze %dma_start3A_628 : memref<1x56x128xf32, #tpu.memory_space<hbm>> -> memref<56x128xf32, #tpu.memory_space<hbm>>
    %dma_start3A_630 = arith.constant 0 : i32
    %dma_start3A_631 = tpu.memref_slice %arg4[%dma_start3A_622, %multiple_of3A_620, %dma_start3A_630] : memref<3x100352x128xf32, #tpu.memory_space<hbm>> -> memref<1x56x128xf32, #tpu.memory_space<hbm>>
    %dma_start3A_632 = tpu.memref_squeeze %dma_start3A_631 : memref<1x56x128xf32, #tpu.memory_space<hbm>> -> memref<56x128xf32, #tpu.memory_space<hbm>>
    %dma_start3A_633 = arith.constant 0 : i32
    %dma_start3A_634 = arith.constant 0 : i32
    %dma_start3A_635 = tpu.memref_slice %arg6[%dma_start3A_621, %dma_start3A_633, %dma_start3A_634] : memref<4x168x128xf32, #tpu.memory_space<vmem>> -> memref<1x56x128xf32, #tpu.memory_space<vmem>>
    %dma_start3A_636 = tpu.memref_squeeze %dma_start3A_635 : memref<1x56x128xf32, #tpu.memory_space<vmem>> -> memref<56x128xf32, #tpu.memory_space<vmem>>
    tpu.enqueue_dma source(%dma_start3A_636 : memref<56x128xf32, #tpu.memory_space<vmem>>) target(%dma_start3A_632 : memref<56x128xf32, #tpu.memory_space<hbm>>) target_semaphore(%arg12 : memref<!tpu.dma_semaphore, #tpu.memory_space<semaphore_mem>>)
    %dma_start3A_637 = arith.constant 3 : i32
    %dma_start3A_638 = arith.constant 1 : i32
    %dma_start3A_639 = arith.constant 56 : i32
    %dma_start3A_640 = arith.constant 0 : i32
    %dma_start3A_641 = tpu.memref_slice %arg6[%dma_start3A_637, %dma_start3A_639, %dma_start3A_640] : memref<4x168x128xf32, #tpu.memory_space<vmem>> -> memref<1x56x128xf32, #tpu.memory_space<vmem>>
    %dma_start3A_642 = tpu.memref_squeeze %dma_start3A_641 : memref<1x56x128xf32, #tpu.memory_space<vmem>> -> memref<56x128xf32, #tpu.memory_space<vmem>>
    %dma_start3A_643 = arith.constant 0 : i32
    %dma_start3A_644 = tpu.memref_slice %arg4[%dma_start3A_638, %multiple_of3A_620, %dma_start3A_643] : memref<3x100352x128xf32, #tpu.memory_space<hbm>> -> memref<1x56x128xf32, #tpu.memory_space<hbm>>
    %dma_start3A_645 = tpu.memref_squeeze %dma_start3A_644 : memref<1x56x128xf32, #tpu.memory_space<hbm>> -> memref<56x128xf32, #tpu.memory_space<hbm>>
    %dma_start3A_646 = arith.constant 0 : i32
    %dma_start3A_647 = tpu.memref_slice %arg4[%dma_start3A_638, %multiple_of3A_620, %dma_start3A_646] : memref<3x100352x128xf32, #tpu.memory_space<hbm>> -> memref<1x56x128xf32, #tpu.memory_space<hbm>>
    %dma_start3A_648 = tpu.memref_squeeze %dma_start3A_647 : memref<1x56x128xf32, #tpu.memory_space<hbm>> -> memref<56x128xf32, #tpu.memory_space<hbm>>
    %dma_start3A_649 = arith.constant 56 : i32
    %dma_start3A_650 = arith.constant 0 : i32
    %dma_start3A_651 = tpu.memref_slice %arg6[%dma_start3A_637, %dma_start3A_649, %dma_start3A_650] : memref<4x168x128xf32, #tpu.memory_space<vmem>> -> memref<1x56x128xf32, #tpu.memory_space<vmem>>
    %dma_start3A_652 = tpu.memref_squeeze %dma_start3A_651 : memref<1x56x128xf32, #tpu.memory_space<vmem>> -> memref<56x128xf32, #tpu.memory_space<vmem>>
    tpu.enqueue_dma source(%dma_start3A_652 : memref<56x128xf32, #tpu.memory_space<vmem>>) target(%dma_start3A_648 : memref<56x128xf32, #tpu.memory_space<hbm>>) target_semaphore(%arg12 : memref<!tpu.dma_semaphore, #tpu.memory_space<semaphore_mem>>)
    %dma_start3A_653 = arith.constant 3 : i32
    %dma_start3A_654 = arith.constant 2 : i32
    %dma_start3A_655 = arith.constant 112 : i32
    %dma_start3A_656 = arith.constant 0 : i32
    %dma_start3A_657 = tpu.memref_slice %arg6[%dma_start3A_653, %dma_start3A_655, %dma_start3A_656] : memref<4x168x128xf32, #tpu.memory_space<vmem>> -> memref<1x56x128xf32, #tpu.memory_space<vmem>>
    %dma_start3A_658 = tpu.memref_squeeze %dma_start3A_657 : memref<1x56x128xf32, #tpu.memory_space<vmem>> -> memref<56x128xf32, #tpu.memory_space<vmem>>
    %dma_start3A_659 = arith.constant 0 : i32
    %dma_start3A_660 = tpu.memref_slice %arg4[%dma_start3A_654, %multiple_of3A_620, %dma_start3A_659] : memref<3x100352x128xf32, #tpu.memory_space<hbm>> -> memref<1x56x128xf32, #tpu.memory_space<hbm>>
    %dma_start3A_661 = tpu.memref_squeeze %dma_start3A_660 : memref<1x56x128xf32, #tpu.memory_space<hbm>> -> memref<56x128xf32, #tpu.memory_space<hbm>>
    %dma_start3A_662 = arith.constant 0 : i32
    %dma_start3A_663 = tpu.memref_slice %arg4[%dma_start3A_654, %multiple_of3A_620, %dma_start3A_662] : memref<3x100352x128xf32, #tpu.memory_space<hbm>> -> memref<1x56x128xf32, #tpu.memory_space<hbm>>
    %dma_start3A_664 = tpu.memref_squeeze %dma_start3A_663 : memref<1x56x128xf32, #tpu.memory_space<hbm>> -> memref<56x128xf32, #tpu.memory_space<hbm>>
    %dma_start3A_665 = arith.constant 112 : i32
    %dma_start3A_666 = arith.constant 0 : i32
    %dma_start3A_667 = tpu.memref_slice %arg6[%dma_start3A_653, %dma_start3A_665, %dma_start3A_666] : memref<4x168x128xf32, #tpu.memory_space<vmem>> -> memref<1x56x128xf32, #tpu.memory_space<vmem>>
    %dma_start3A_668 = tpu.memref_squeeze %dma_start3A_667 : memref<1x56x128xf32, #tpu.memory_space<vmem>> -> memref<56x128xf32, #tpu.memory_space<vmem>>
    tpu.enqueue_dma source(%dma_start3A_668 : memref<56x128xf32, #tpu.memory_space<vmem>>) target(%dma_start3A_664 : memref<56x128xf32, #tpu.memory_space<hbm>>) target_semaphore(%arg12 : memref<!tpu.dma_semaphore, #tpu.memory_space<semaphore_mem>>)
    %scan3A = arith.constant 0 : i32
    %scan3A_669 = arith.constant 13 : i32
    %scan3A_670 = arith.addi %scan3A, %scan3A_669 : i32
    %scan3A_671 = arith.constant 1 : i32
    scf.for %scan3A_847 = %scan3A to %scan3A_670 step %scan3A_671  : i32 {
      %mul3A_848 = arith.constant 1 : i32
      %mul3A_849 = arith.muli %scan3A_847, %mul3A_848 : i32
      %add3A_850 = arith.constant 1 : i32
      %add3A_851 = arith.addi %add3A_850, %mul3A_849 : i32
      %mul3A_852 = arith.constant 4 : i32
      %mul3A_853 = arith.muli %mul3A_852, %add3A_851 : i32
      %mul3A_854 = arith.constant 3 : i32
      %mul3A_855 = arith.muli %mul3A_854, %mul3A_853 : i32
      %add3A_856 = arith.constant 0 : i32
      %add3A_857 = arith.addi %mul3A_855, %add3A_856 : i32
      %mul3A_858 = arith.constant 3 : i32
      %mul3A_859 = arith.muli %mul3A_858, %mul3A_853 : i32
      %add3A_860 = arith.constant 1 : i32
      %add3A_861 = arith.addi %mul3A_859, %add3A_860 : i32
      %mul3A_862 = arith.constant 3 : i32
      %mul3A_863 = arith.muli %mul3A_862, %mul3A_853 : i32
      %add3A_864 = arith.constant 2 : i32
      %add3A_865 = arith.addi %mul3A_863, %add3A_864 : i32
      %dma_wait3A_866 = arith.constant 0 : i32
      %dma_wait3A_867 = arith.constant 0 : i32
      %dma_wait3A_868 = arith.constant 0 : i32
      %dma_wait3A_869 = tpu.memref_slice %arg6[%dma_wait3A_866, %dma_wait3A_867, %dma_wait3A_868] : memref<4x168x128xf32, #tpu.memory_space<vmem>> -> memref<1x56x128xf32, #tpu.memory_space<vmem>>
      %dma_wait3A_870 = tpu.memref_squeeze %dma_wait3A_869 : memref<1x56x128xf32, #tpu.memory_space<vmem>> -> memref<56x128xf32, #tpu.memory_space<vmem>>
      %dma_wait3A_871 = arith.constant 0 : i32
      %dma_wait3A_872 = tpu.memref_slice %arg5[%add3A_857, %dma_wait3A_871] : memref<174x56xi32, #tpu.memory_space<vmem>> -> memref<1x56xi32, #tpu.memory_space<vmem>>
      %dma_wait3A_873 = tpu.memref_squeeze %dma_wait3A_872 : memref<1x56xi32, #tpu.memory_space<vmem>> -> memref<56xi32, #tpu.memory_space<vmem>>
      %dma_wait3A_874 = arith.constant 0 : i32
      %dma_wait3A_875 = arith.constant 0 : i32
      %dma_wait3A_876 = tpu.memref_slice %arg7[%dma_wait3A_874, %dma_wait3A_875] : memref<1674x128xf32, #tpu.memory_space<vmem_shared>> -> memref<1674x128xf32, #tpu.memory_space<vmem_shared>>
      tpu.wait_indirect_dma semaphore(%arg8 : memref<!tpu.dma_semaphore, #tpu.memory_space<semaphore_mem>>) src(%dma_wait3A_876 : memref<1674x128xf32, #tpu.memory_space<vmem_shared>>) dst(%dma_wait3A_870 : memref<56x128xf32, #tpu.memory_space<vmem>>)
      %dma_wait3A_877 = arith.constant 0 : i32
      %dma_wait3A_878 = arith.constant 56 : i32
      %dma_wait3A_879 = arith.constant 0 : i32
      %dma_wait3A_880 = tpu.memref_slice %arg6[%dma_wait3A_877, %dma_wait3A_878, %dma_wait3A_879] : memref<4x168x128xf32, #tpu.memory_space<vmem>> -> memref<1x56x128xf32, #tpu.memory_space<vmem>>
      %dma_wait3A_881 = tpu.memref_squeeze %dma_wait3A_880 : memref<1x56x128xf32, #tpu.memory_space<vmem>> -> memref<56x128xf32, #tpu.memory_space<vmem>>
      %dma_wait3A_882 = arith.constant 0 : i32
      %dma_wait3A_883 = tpu.memref_slice %arg5[%add3A_861, %dma_wait3A_882] : memref<174x56xi32, #tpu.memory_space<vmem>> -> memref<1x56xi32, #tpu.memory_space<vmem>>
      %dma_wait3A_884 = tpu.memref_squeeze %dma_wait3A_883 : memref<1x56xi32, #tpu.memory_space<vmem>> -> memref<56xi32, #tpu.memory_space<vmem>>
      %dma_wait3A_885 = arith.constant 0 : i32
      %dma_wait3A_886 = arith.constant 0 : i32
      %dma_wait3A_887 = tpu.memref_slice %arg7[%dma_wait3A_885, %dma_wait3A_886] : memref<1674x128xf32, #tpu.memory_space<vmem_shared>> -> memref<1674x128xf32, #tpu.memory_space<vmem_shared>>
      tpu.wait_indirect_dma semaphore(%arg8 : memref<!tpu.dma_semaphore, #tpu.memory_space<semaphore_mem>>) src(%dma_wait3A_887 : memref<1674x128xf32, #tpu.memory_space<vmem_shared>>) dst(%dma_wait3A_881 : memref<56x128xf32, #tpu.memory_space<vmem>>)
      %dma_wait3A_888 = arith.constant 0 : i32
      %dma_wait3A_889 = arith.constant 112 : i32
      %dma_wait3A_890 = arith.constant 0 : i32
      %dma_wait3A_891 = tpu.memref_slice %arg6[%dma_wait3A_888, %dma_wait3A_889, %dma_wait3A_890] : memref<4x168x128xf32, #tpu.memory_space<vmem>> -> memref<1x56x128xf32, #tpu.memory_space<vmem>>
      %dma_wait3A_892 = tpu.memref_squeeze %dma_wait3A_891 : memref<1x56x128xf32, #tpu.memory_space<vmem>> -> memref<56x128xf32, #tpu.memory_space<vmem>>
      %dma_wait3A_893 = arith.constant 0 : i32
      %dma_wait3A_894 = tpu.memref_slice %arg5[%add3A_865, %dma_wait3A_893] : memref<174x56xi32, #tpu.memory_space<vmem>> -> memref<1x56xi32, #tpu.memory_space<vmem>>
      %dma_wait3A_895 = tpu.memref_squeeze %dma_wait3A_894 : memref<1x56xi32, #tpu.memory_space<vmem>> -> memref<56xi32, #tpu.memory_space<vmem>>
      %dma_wait3A_896 = arith.constant 0 : i32
      %dma_wait3A_897 = arith.constant 0 : i32
      %dma_wait3A_898 = tpu.memref_slice %arg7[%dma_wait3A_896, %dma_wait3A_897] : memref<1674x128xf32, #tpu.memory_space<vmem_shared>> -> memref<1674x128xf32, #tpu.memory_space<vmem_shared>>
      tpu.wait_indirect_dma semaphore(%arg8 : memref<!tpu.dma_semaphore, #tpu.memory_space<semaphore_mem>>) src(%dma_wait3A_898 : memref<1674x128xf32, #tpu.memory_space<vmem_shared>>) dst(%dma_wait3A_892 : memref<56x128xf32, #tpu.memory_space<vmem>>)
      %sub3A = arith.constant 2 : i32
      %sub3A_899 = arith.subi %mul3A_853, %sub3A : i32
      %mul3A_900 = arith.constant 56 : i32
      %mul3A_901 = arith.muli %sub3A_899, %mul3A_900 : i32
      %add3A_902 = arith.addi %multiple_of3A, %mul3A_901 : i32
      %multiple_of3A_903 = tpu.assume_multiple %add3A_902, 56 : i32
      %dma_wait3A_904 = arith.constant 2 : i32
      %dma_wait3A_905 = arith.constant 0 : i32
      %dma_wait3A_906 = arith.constant 0 : i32
      %dma_wait3A_907 = arith.constant 0 : i32
      %dma_wait3A_908 = tpu.memref_slice %arg6[%dma_wait3A_904, %dma_wait3A_906, %dma_wait3A_907] : memref<4x168x128xf32, #tpu.memory_space<vmem>> -> memref<1x56x128xf32, #tpu.memory_space<vmem>>
      %dma_wait3A_909 = tpu.memref_squeeze %dma_wait3A_908 : memref<1x56x128xf32, #tpu.memory_space<vmem>> -> memref<56x128xf32, #tpu.memory_space<vmem>>
      %dma_wait3A_910 = arith.constant 0 : i32
      %dma_wait3A_911 = tpu.memref_slice %arg4[%dma_wait3A_905, %multiple_of3A_903, %dma_wait3A_910] : memref<3x100352x128xf32, #tpu.memory_space<hbm>> -> memref<1x56x128xf32, #tpu.memory_space<hbm>>
      %dma_wait3A_912 = tpu.memref_squeeze %dma_wait3A_911 : memref<1x56x128xf32, #tpu.memory_space<hbm>> -> memref<56x128xf32, #tpu.memory_space<hbm>>
      %dma_wait3A_913 = arith.constant 0 : i32
      %dma_wait3A_914 = tpu.memref_slice %arg4[%dma_wait3A_905, %multiple_of3A_903, %dma_wait3A_913] : memref<3x100352x128xf32, #tpu.memory_space<hbm>> -> memref<1x56x128xf32, #tpu.memory_space<hbm>>
      %dma_wait3A_915 = tpu.memref_squeeze %dma_wait3A_914 : memref<1x56x128xf32, #tpu.memory_space<hbm>> -> memref<56x128xf32, #tpu.memory_space<hbm>>
      %dma_wait3A_916 = arith.constant 0 : i32
      %dma_wait3A_917 = arith.constant 0 : i32
      %dma_wait3A_918 = tpu.memref_slice %arg6[%dma_wait3A_904, %dma_wait3A_916, %dma_wait3A_917] : memref<4x168x128xf32, #tpu.memory_space<vmem>> -> memref<1x56x128xf32, #tpu.memory_space<vmem>>
      %dma_wait3A_919 = tpu.memref_squeeze %dma_wait3A_918 : memref<1x56x128xf32, #tpu.memory_space<vmem>> -> memref<56x128xf32, #tpu.memory_space<vmem>>
      tpu.wait_dma2 semaphore(%arg11 : memref<!tpu.dma_semaphore, #tpu.memory_space<semaphore_mem>>) src(%dma_wait3A_919 : memref<56x128xf32, #tpu.memory_space<vmem>>) dst(%dma_wait3A_915 : memref<56x128xf32, #tpu.memory_space<hbm>>)
      %dma_wait3A_920 = arith.constant 2 : i32
      %dma_wait3A_921 = arith.constant 1 : i32
      %dma_wait3A_922 = arith.constant 56 : i32
      %dma_wait3A_923 = arith.constant 0 : i32
      %dma_wait3A_924 = tpu.memref_slice %arg6[%dma_wait3A_920, %dma_wait3A_922, %dma_wait3A_923] : memref<4x168x128xf32, #tpu.memory_space<vmem>> -> memref<1x56x128xf32, #tpu.memory_space<vmem>>
      %dma_wait3A_925 = tpu.memref_squeeze %dma_wait3A_924 : memref<1x56x128xf32, #tpu.memory_space<vmem>> -> memref<56x128xf32, #tpu.memory_space<vmem>>
      %dma_wait3A_926 = arith.constant 0 : i32
      %dma_wait3A_927 = tpu.memref_slice %arg4[%dma_wait3A_921, %multiple_of3A_903, %dma_wait3A_926] : memref<3x100352x128xf32, #tpu.memory_space<hbm>> -> memref<1x56x128xf32, #tpu.memory_space<hbm>>
      %dma_wait3A_928 = tpu.memref_squeeze %dma_wait3A_927 : memref<1x56x128xf32, #tpu.memory_space<hbm>> -> memref<56x128xf32, #tpu.memory_space<hbm>>
      %dma_wait3A_929 = arith.constant 0 : i32
      %dma_wait3A_930 = tpu.memref_slice %arg4[%dma_wait3A_921, %multiple_of3A_903, %dma_wait3A_929] : memref<3x100352x128xf32, #tpu.memory_space<hbm>> -> memref<1x56x128xf32, #tpu.memory_space<hbm>>
      %dma_wait3A_931 = tpu.memref_squeeze %dma_wait3A_930 : memref<1x56x128xf32, #tpu.memory_space<hbm>> -> memref<56x128xf32, #tpu.memory_space<hbm>>
      %dma_wait3A_932 = arith.constant 56 : i32
      %dma_wait3A_933 = arith.constant 0 : i32
      %dma_wait3A_934 = tpu.memref_slice %arg6[%dma_wait3A_920, %dma_wait3A_932, %dma_wait3A_933] : memref<4x168x128xf32, #tpu.memory_space<vmem>> -> memref<1x56x128xf32, #tpu.memory_space<vmem>>
      %dma_wait3A_935 = tpu.memref_squeeze %dma_wait3A_934 : memref<1x56x128xf32, #tpu.memory_space<vmem>> -> memref<56x128xf32, #tpu.memory_space<vmem>>
      tpu.wait_dma2 semaphore(%arg11 : memref<!tpu.dma_semaphore, #tpu.memory_space<semaphore_mem>>) src(%dma_wait3A_935 : memref<56x128xf32, #tpu.memory_space<vmem>>) dst(%dma_wait3A_931 : memref<56x128xf32, #tpu.memory_space<hbm>>)
      %dma_wait3A_936 = arith.constant 2 : i32
      %dma_wait3A_937 = arith.constant 2 : i32
      %dma_wait3A_938 = arith.constant 112 : i32
      %dma_wait3A_939 = arith.constant 0 : i32
      %dma_wait3A_940 = tpu.memref_slice %arg6[%dma_wait3A_936, %dma_wait3A_938, %dma_wait3A_939] : memref<4x168x128xf32, #tpu.memory_space<vmem>> -> memref<1x56x128xf32, #tpu.memory_space<vmem>>
      %dma_wait3A_941 = tpu.memref_squeeze %dma_wait3A_940 : memref<1x56x128xf32, #tpu.memory_space<vmem>> -> memref<56x128xf32, #tpu.memory_space<vmem>>
      %dma_wait3A_942 = arith.constant 0 : i32
      %dma_wait3A_943 = tpu.memref_slice %arg4[%dma_wait3A_937, %multiple_of3A_903, %dma_wait3A_942] : memref<3x100352x128xf32, #tpu.memory_space<hbm>> -> memref<1x56x128xf32, #tpu.memory_space<hbm>>
      %dma_wait3A_944 = tpu.memref_squeeze %dma_wait3A_943 : memref<1x56x128xf32, #tpu.memory_space<hbm>> -> memref<56x128xf32, #tpu.memory_space<hbm>>
      %dma_wait3A_945 = arith.constant 0 : i32
      %dma_wait3A_946 = tpu.memref_slice %arg4[%dma_wait3A_937, %multiple_of3A_903, %dma_wait3A_945] : memref<3x100352x128xf32, #tpu.memory_space<hbm>> -> memref<1x56x128xf32, #tpu.memory_space<hbm>>
      %dma_wait3A_947 = tpu.memref_squeeze %dma_wait3A_946 : memref<1x56x128xf32, #tpu.memory_space<hbm>> -> memref<56x128xf32, #tpu.memory_space<hbm>>
      %dma_wait3A_948 = arith.constant 112 : i32
      %dma_wait3A_949 = arith.constant 0 : i32
      %dma_wait3A_950 = tpu.memref_slice %arg6[%dma_wait3A_936, %dma_wait3A_948, %dma_wait3A_949] : memref<4x168x128xf32, #tpu.memory_space<vmem>> -> memref<1x56x128xf32, #tpu.memory_space<vmem>>
      %dma_wait3A_951 = tpu.memref_squeeze %dma_wait3A_950 : memref<1x56x128xf32, #tpu.memory_space<vmem>> -> memref<56x128xf32, #tpu.memory_space<vmem>>
      tpu.wait_dma2 semaphore(%arg11 : memref<!tpu.dma_semaphore, #tpu.memory_space<semaphore_mem>>) src(%dma_wait3A_951 : memref<56x128xf32, #tpu.memory_space<vmem>>) dst(%dma_wait3A_947 : memref<56x128xf32, #tpu.memory_space<hbm>>)
      %add3A_952 = arith.constant 2 : i32
      %add3A_953 = arith.addi %mul3A_853, %add3A_952 : i32
      %mul3A_954 = arith.constant 3 : i32
      %mul3A_955 = arith.muli %mul3A_954, %add3A_953 : i32
      %add3A_956 = arith.constant 0 : i32
      %add3A_957 = arith.addi %mul3A_955, %add3A_956 : i32
      %mul3A_958 = arith.constant 3 : i32
      %mul3A_959 = arith.muli %mul3A_958, %add3A_953 : i32
      %add3A_960 = arith.constant 1 : i32
      %add3A_961 = arith.addi %mul3A_959, %add3A_960 : i32
      %mul3A_962 = arith.constant 3 : i32
      %mul3A_963 = arith.muli %mul3A_962, %add3A_953 : i32
      %add3A_964 = arith.constant 2 : i32
      %add3A_965 = arith.addi %mul3A_963, %add3A_964 : i32
      %dma_start3A_966 = arith.constant 2 : i32
      %dma_start3A_967 = arith.constant 0 : i32
      %dma_start3A_968 = arith.constant 0 : i32
      %dma_start3A_969 = tpu.memref_slice %arg6[%dma_start3A_966, %dma_start3A_967, %dma_start3A_968] : memref<4x168x128xf32, #tpu.memory_space<vmem>> -> memref<1x56x128xf32, #tpu.memory_space<vmem>>
      %dma_start3A_970 = tpu.memref_squeeze %dma_start3A_969 : memref<1x56x128xf32, #tpu.memory_space<vmem>> -> memref<56x128xf32, #tpu.memory_space<vmem>>
      %dma_start3A_971 = arith.constant 0 : i32
      %dma_start3A_972 = tpu.memref_slice %arg5[%add3A_957, %dma_start3A_971] : memref<174x56xi32, #tpu.memory_space<vmem>> -> memref<1x56xi32, #tpu.memory_space<vmem>>
      %dma_start3A_973 = tpu.memref_squeeze %dma_start3A_972 : memref<1x56xi32, #tpu.memory_space<vmem>> -> memref<56xi32, #tpu.memory_space<vmem>>
      %dma_start3A_974 = arith.constant 0 : i32
      %dma_start3A_975 = arith.constant 0 : i32
      %dma_start3A_976 = tpu.memref_slice %arg7[%dma_start3A_974, %dma_start3A_975] : memref<1674x128xf32, #tpu.memory_space<vmem_shared>> -> memref<1674x128xf32, #tpu.memory_space<vmem_shared>>
      tpu.enqueue_indirect_dma source(%dma_start3A_976 : memref<1674x128xf32, #tpu.memory_space<vmem_shared>>) target(%dma_start3A_970 : memref<56x128xf32, #tpu.memory_space<vmem>>) offsets(%dma_start3A_973 : memref<56xi32, #tpu.memory_space<vmem>>) semaphore(%arg8 : memref<!tpu.dma_semaphore, #tpu.memory_space<semaphore_mem>>)
      %dma_start3A_977 = arith.constant 2 : i32
      %dma_start3A_978 = arith.constant 56 : i32
      %dma_start3A_979 = arith.constant 0 : i32
      %dma_start3A_980 = tpu.memref_slice %arg6[%dma_start3A_977, %dma_start3A_978, %dma_start3A_979] : memref<4x168x128xf32, #tpu.memory_space<vmem>> -> memref<1x56x128xf32, #tpu.memory_space<vmem>>
      %dma_start3A_981 = tpu.memref_squeeze %dma_start3A_980 : memref<1x56x128xf32, #tpu.memory_space<vmem>> -> memref<56x128xf32, #tpu.memory_space<vmem>>
      %dma_start3A_982 = arith.constant 0 : i32
      %dma_start3A_983 = tpu.memref_slice %arg5[%add3A_961, %dma_start3A_982] : memref<174x56xi32, #tpu.memory_space<vmem>> -> memref<1x56xi32, #tpu.memory_space<vmem>>
      %dma_start3A_984 = tpu.memref_squeeze %dma_start3A_983 : memref<1x56xi32, #tpu.memory_space<vmem>> -> memref<56xi32, #tpu.memory_space<vmem>>
      %dma_start3A_985 = arith.constant 0 : i32
      %dma_start3A_986 = arith.constant 0 : i32
      %dma_start3A_987 = tpu.memref_slice %arg7[%dma_start3A_985, %dma_start3A_986] : memref<1674x128xf32, #tpu.memory_space<vmem_shared>> -> memref<1674x128xf32, #tpu.memory_space<vmem_shared>>
      tpu.enqueue_indirect_dma source(%dma_start3A_987 : memref<1674x128xf32, #tpu.memory_space<vmem_shared>>) target(%dma_start3A_981 : memref<56x128xf32, #tpu.memory_space<vmem>>) offsets(%dma_start3A_984 : memref<56xi32, #tpu.memory_space<vmem>>) semaphore(%arg8 : memref<!tpu.dma_semaphore, #tpu.memory_space<semaphore_mem>>)
      %dma_start3A_988 = arith.constant 2 : i32
      %dma_start3A_989 = arith.constant 112 : i32
      %dma_start3A_990 = arith.constant 0 : i32
      %dma_start3A_991 = tpu.memref_slice %arg6[%dma_start3A_988, %dma_start3A_989, %dma_start3A_990] : memref<4x168x128xf32, #tpu.memory_space<vmem>> -> memref<1x56x128xf32, #tpu.memory_space<vmem>>
      %dma_start3A_992 = tpu.memref_squeeze %dma_start3A_991 : memref<1x56x128xf32, #tpu.memory_space<vmem>> -> memref<56x128xf32, #tpu.memory_space<vmem>>
      %dma_start3A_993 = arith.constant 0 : i32
      %dma_start3A_994 = tpu.memref_slice %arg5[%add3A_965, %dma_start3A_993] : memref<174x56xi32, #tpu.memory_space<vmem>> -> memref<1x56xi32, #tpu.memory_space<vmem>>
      %dma_start3A_995 = tpu.memref_squeeze %dma_start3A_994 : memref<1x56xi32, #tpu.memory_space<vmem>> -> memref<56xi32, #tpu.memory_space<vmem>>
      %dma_start3A_996 = arith.constant 0 : i32
      %dma_start3A_997 = arith.constant 0 : i32
      %dma_start3A_998 = tpu.memref_slice %arg7[%dma_start3A_996, %dma_start3A_997] : memref<1674x128xf32, #tpu.memory_space<vmem_shared>> -> memref<1674x128xf32, #tpu.memory_space<vmem_shared>>
      tpu.enqueue_indirect_dma source(%dma_start3A_998 : memref<1674x128xf32, #tpu.memory_space<vmem_shared>>) target(%dma_start3A_992 : memref<56x128xf32, #tpu.memory_space<vmem>>) offsets(%dma_start3A_995 : memref<56xi32, #tpu.memory_space<vmem>>) semaphore(%arg8 : memref<!tpu.dma_semaphore, #tpu.memory_space<semaphore_mem>>)
      %mul3A_999 = arith.constant 56 : i32
      %mul3A_1000 = arith.muli %mul3A_853, %mul3A_999 : i32
      %add3A_1001 = arith.addi %multiple_of3A, %mul3A_1000 : i32
      %multiple_of3A_1002 = tpu.assume_multiple %add3A_1001, 56 : i32
      %dma_start3A_1003 = arith.constant 0 : i32
      %dma_start3A_1004 = arith.constant 0 : i32
      %dma_start3A_1005 = arith.constant 0 : i32
      %dma_start3A_1006 = arith.constant 0 : i32
      %dma_start3A_1007 = tpu.memref_slice %arg6[%dma_start3A_1003, %dma_start3A_1005, %dma_start3A_1006] : memref<4x168x128xf32, #tpu.memory_space<vmem>> -> memref<1x56x128xf32, #tpu.memory_space<vmem>>
      %dma_start3A_1008 = tpu.memref_squeeze %dma_start3A_1007 : memref<1x56x128xf32, #tpu.memory_space<vmem>> -> memref<56x128xf32, #tpu.memory_space<vmem>>
      %dma_start3A_1009 = arith.constant 0 : i32
      %dma_start3A_1010 = tpu.memref_slice %arg4[%dma_start3A_1004, %multiple_of3A_1002, %dma_start3A_1009] : memref<3x100352x128xf32, #tpu.memory_space<hbm>> -> memref<1x56x128xf32, #tpu.memory_space<hbm>>
      %dma_start3A_1011 = tpu.memref_squeeze %dma_start3A_1010 : memref<1x56x128xf32, #tpu.memory_space<hbm>> -> memref<56x128xf32, #tpu.memory_space<hbm>>
      %dma_start3A_1012 = arith.constant 0 : i32
      %dma_start3A_1013 = tpu.memref_slice %arg4[%dma_start3A_1004, %multiple_of3A_1002, %dma_start3A_1012] : memref<3x100352x128xf32, #tpu.memory_space<hbm>> -> memref<1x56x128xf32, #tpu.memory_space<hbm>>
      %dma_start3A_1014 = tpu.memref_squeeze %dma_start3A_1013 : memref<1x56x128xf32, #tpu.memory_space<hbm>> -> memref<56x128xf32, #tpu.memory_space<hbm>>
      %dma_start3A_1015 = arith.constant 0 : i32
      %dma_start3A_1016 = arith.constant 0 : i32
      %dma_start3A_1017 = tpu.memref_slice %arg6[%dma_start3A_1003, %dma_start3A_1015, %dma_start3A_1016] : memref<4x168x128xf32, #tpu.memory_space<vmem>> -> memref<1x56x128xf32, #tpu.memory_space<vmem>>
      %dma_start3A_1018 = tpu.memref_squeeze %dma_start3A_1017 : memref<1x56x128xf32, #tpu.memory_space<vmem>> -> memref<56x128xf32, #tpu.memory_space<vmem>>
      tpu.enqueue_dma source(%dma_start3A_1018 : memref<56x128xf32, #tpu.memory_space<vmem>>) target(%dma_start3A_1014 : memref<56x128xf32, #tpu.memory_space<hbm>>) target_semaphore(%arg9 : memref<!tpu.dma_semaphore, #tpu.memory_space<semaphore_mem>>)
      %dma_start3A_1019 = arith.constant 0 : i32
      %dma_start3A_1020 = arith.constant 1 : i32
      %dma_start3A_1021 = arith.constant 56 : i32
      %dma_start3A_1022 = arith.constant 0 : i32
      %dma_start3A_1023 = tpu.memref_slice %arg6[%dma_start3A_1019, %dma_start3A_1021, %dma_start3A_1022] : memref<4x168x128xf32, #tpu.memory_space<vmem>> -> memref<1x56x128xf32, #tpu.memory_space<vmem>>
      %dma_start3A_1024 = tpu.memref_squeeze %dma_start3A_1023 : memref<1x56x128xf32, #tpu.memory_space<vmem>> -> memref<56x128xf32, #tpu.memory_space<vmem>>
      %dma_start3A_1025 = arith.constant 0 : i32
      %dma_start3A_1026 = tpu.memref_slice %arg4[%dma_start3A_1020, %multiple_of3A_1002, %dma_start3A_1025] : memref<3x100352x128xf32, #tpu.memory_space<hbm>> -> memref<1x56x128xf32, #tpu.memory_space<hbm>>
      %dma_start3A_1027 = tpu.memref_squeeze %dma_start3A_1026 : memref<1x56x128xf32, #tpu.memory_space<hbm>> -> memref<56x128xf32, #tpu.memory_space<hbm>>
      %dma_start3A_1028 = arith.constant 0 : i32
      %dma_start3A_1029 = tpu.memref_slice %arg4[%dma_start3A_1020, %multiple_of3A_1002, %dma_start3A_1028] : memref<3x100352x128xf32, #tpu.memory_space<hbm>> -> memref<1x56x128xf32, #tpu.memory_space<hbm>>
      %dma_start3A_1030 = tpu.memref_squeeze %dma_start3A_1029 : memref<1x56x128xf32, #tpu.memory_space<hbm>> -> memref<56x128xf32, #tpu.memory_space<hbm>>
      %dma_start3A_1031 = arith.constant 56 : i32
      %dma_start3A_1032 = arith.constant 0 : i32
      %dma_start3A_1033 = tpu.memref_slice %arg6[%dma_start3A_1019, %dma_start3A_1031, %dma_start3A_1032] : memref<4x168x128xf32, #tpu.memory_space<vmem>> -> memref<1x56x128xf32, #tpu.memory_space<vmem>>
      %dma_start3A_1034 = tpu.memref_squeeze %dma_start3A_1033 : memref<1x56x128xf32, #tpu.memory_space<vmem>> -> memref<56x128xf32, #tpu.memory_space<vmem>>
      tpu.enqueue_dma source(%dma_start3A_1034 : memref<56x128xf32, #tpu.memory_space<vmem>>) target(%dma_start3A_1030 : memref<56x128xf32, #tpu.memory_space<hbm>>) target_semaphore(%arg9 : memref<!tpu.dma_semaphore, #tpu.memory_space<semaphore_mem>>)
      %dma_start3A_1035 = arith.constant 0 : i32
      %dma_start3A_1036 = arith.constant 2 : i32
      %dma_start3A_1037 = arith.constant 112 : i32
      %dma_start3A_1038 = arith.constant 0 : i32
      %dma_start3A_1039 = tpu.memref_slice %arg6[%dma_start3A_1035, %dma_start3A_1037, %dma_start3A_1038] : memref<4x168x128xf32, #tpu.memory_space<vmem>> -> memref<1x56x128xf32, #tpu.memory_space<vmem>>
      %dma_start3A_1040 = tpu.memref_squeeze %dma_start3A_1039 : memref<1x56x128xf32, #tpu.memory_space<vmem>> -> memref<56x128xf32, #tpu.memory_space<vmem>>
      %dma_start3A_1041 = arith.constant 0 : i32
      %dma_start3A_1042 = tpu.memref_slice %arg4[%dma_start3A_1036, %multiple_of3A_1002, %dma_start3A_1041] : memref<3x100352x128xf32, #tpu.memory_space<hbm>> -> memref<1x56x128xf32, #tpu.memory_space<hbm>>
      %dma_start3A_1043 = tpu.memref_squeeze %dma_start3A_1042 : memref<1x56x128xf32, #tpu.memory_space<hbm>> -> memref<56x128xf32, #tpu.memory_space<hbm>>
      %dma_start3A_1044 = arith.constant 0 : i32
      %dma_start3A_1045 = tpu.memref_slice %arg4[%dma_start3A_1036, %multiple_of3A_1002, %dma_start3A_1044] : memref<3x100352x128xf32, #tpu.memory_space<hbm>> -> memref<1x56x128xf32, #tpu.memory_space<hbm>>
      %dma_start3A_1046 = tpu.memref_squeeze %dma_start3A_1045 : memref<1x56x128xf32, #tpu.memory_space<hbm>> -> memref<56x128xf32, #tpu.memory_space<hbm>>
      %dma_start3A_1047 = arith.constant 112 : i32
      %dma_start3A_1048 = arith.constant 0 : i32
      %dma_start3A_1049 = tpu.memref_slice %arg6[%dma_start3A_1035, %dma_start3A_1047, %dma_start3A_1048] : memref<4x168x128xf32, #tpu.memory_space<vmem>> -> memref<1x56x128xf32, #tpu.memory_space<vmem>>
      %dma_start3A_1050 = tpu.memref_squeeze %dma_start3A_1049 : memref<1x56x128xf32, #tpu.memory_space<vmem>> -> memref<56x128xf32, #tpu.memory_space<vmem>>
      tpu.enqueue_dma source(%dma_start3A_1050 : memref<56x128xf32, #tpu.memory_space<vmem>>) target(%dma_start3A_1046 : memref<56x128xf32, #tpu.memory_space<hbm>>) target_semaphore(%arg9 : memref<!tpu.dma_semaphore, #tpu.memory_space<semaphore_mem>>)
      %mul3A_1051 = arith.constant 4 : i32
      %mul3A_1052 = arith.muli %mul3A_1051, %add3A_851 : i32
      %add3A_1053 = arith.constant 1 : i32
      %add3A_1054 = arith.addi %mul3A_1052, %add3A_1053 : i32
      %mul3A_1055 = arith.constant 3 : i32
      %mul3A_1056 = arith.muli %mul3A_1055, %add3A_1054 : i32
      %add3A_1057 = arith.constant 0 : i32
      %add3A_1058 = arith.addi %mul3A_1056, %add3A_1057 : i32
      %mul3A_1059 = arith.constant 3 : i32
      %mul3A_1060 = arith.muli %mul3A_1059, %add3A_1054 : i32
      %add3A_1061 = arith.constant 1 : i32
      %add3A_1062 = arith.addi %mul3A_1060, %add3A_1061 : i32
      %mul3A_1063 = arith.constant 3 : i32
      %mul3A_1064 = arith.muli %mul3A_1063, %add3A_1054 : i32
      %add3A_1065 = arith.constant 2 : i32
      %add3A_1066 = arith.addi %mul3A_1064, %add3A_1065 : i32
      %dma_wait3A_1067 = arith.constant 1 : i32
      %dma_wait3A_1068 = arith.constant 0 : i32
      %dma_wait3A_1069 = arith.constant 0 : i32
      %dma_wait3A_1070 = tpu.memref_slice %arg6[%dma_wait3A_1067, %dma_wait3A_1068, %dma_wait3A_1069] : memref<4x168x128xf32, #tpu.memory_space<vmem>> -> memref<1x56x128xf32, #tpu.memory_space<vmem>>
      %dma_wait3A_1071 = tpu.memref_squeeze %dma_wait3A_1070 : memref<1x56x128xf32, #tpu.memory_space<vmem>> -> memref<56x128xf32, #tpu.memory_space<vmem>>
      %dma_wait3A_1072 = arith.constant 0 : i32
      %dma_wait3A_1073 = tpu.memref_slice %arg5[%add3A_1058, %dma_wait3A_1072] : memref<174x56xi32, #tpu.memory_space<vmem>> -> memref<1x56xi32, #tpu.memory_space<vmem>>
      %dma_wait3A_1074 = tpu.memref_squeeze %dma_wait3A_1073 : memref<1x56xi32, #tpu.memory_space<vmem>> -> memref<56xi32, #tpu.memory_space<vmem>>
      %dma_wait3A_1075 = arith.constant 0 : i32
      %dma_wait3A_1076 = arith.constant 0 : i32
      %dma_wait3A_1077 = tpu.memref_slice %arg7[%dma_wait3A_1075, %dma_wait3A_1076] : memref<1674x128xf32, #tpu.memory_space<vmem_shared>> -> memref<1674x128xf32, #tpu.memory_space<vmem_shared>>
      tpu.wait_indirect_dma semaphore(%arg8 : memref<!tpu.dma_semaphore, #tpu.memory_space<semaphore_mem>>) src(%dma_wait3A_1077 : memref<1674x128xf32, #tpu.memory_space<vmem_shared>>) dst(%dma_wait3A_1071 : memref<56x128xf32, #tpu.memory_space<vmem>>)
      %dma_wait3A_1078 = arith.constant 1 : i32
      %dma_wait3A_1079 = arith.constant 56 : i32
      %dma_wait3A_1080 = arith.constant 0 : i32
      %dma_wait3A_1081 = tpu.memref_slice %arg6[%dma_wait3A_1078, %dma_wait3A_1079, %dma_wait3A_1080] : memref<4x168x128xf32, #tpu.memory_space<vmem>> -> memref<1x56x128xf32, #tpu.memory_space<vmem>>
      %dma_wait3A_1082 = tpu.memref_squeeze %dma_wait3A_1081 : memref<1x56x128xf32, #tpu.memory_space<vmem>> -> memref<56x128xf32, #tpu.memory_space<vmem>>
      %dma_wait3A_1083 = arith.constant 0 : i32
      %dma_wait3A_1084 = tpu.memref_slice %arg5[%add3A_1062, %dma_wait3A_1083] : memref<174x56xi32, #tpu.memory_space<vmem>> -> memref<1x56xi32, #tpu.memory_space<vmem>>
      %dma_wait3A_1085 = tpu.memref_squeeze %dma_wait3A_1084 : memref<1x56xi32, #tpu.memory_space<vmem>> -> memref<56xi32, #tpu.memory_space<vmem>>
      %dma_wait3A_1086 = arith.constant 0 : i32
      %dma_wait3A_1087 = arith.constant 0 : i32
      %dma_wait3A_1088 = tpu.memref_slice %arg7[%dma_wait3A_1086, %dma_wait3A_1087] : memref<1674x128xf32, #tpu.memory_space<vmem_shared>> -> memref<1674x128xf32, #tpu.memory_space<vmem_shared>>
      tpu.wait_indirect_dma semaphore(%arg8 : memref<!tpu.dma_semaphore, #tpu.memory_space<semaphore_mem>>) src(%dma_wait3A_1088 : memref<1674x128xf32, #tpu.memory_space<vmem_shared>>) dst(%dma_wait3A_1082 : memref<56x128xf32, #tpu.memory_space<vmem>>)
      %dma_wait3A_1089 = arith.constant 1 : i32
      %dma_wait3A_1090 = arith.constant 112 : i32
      %dma_wait3A_1091 = arith.constant 0 : i32
      %dma_wait3A_1092 = tpu.memref_slice %arg6[%dma_wait3A_1089, %dma_wait3A_1090, %dma_wait3A_1091] : memref<4x168x128xf32, #tpu.memory_space<vmem>> -> memref<1x56x128xf32, #tpu.memory_space<vmem>>
      %dma_wait3A_1093 = tpu.memref_squeeze %dma_wait3A_1092 : memref<1x56x128xf32, #tpu.memory_space<vmem>> -> memref<56x128xf32, #tpu.memory_space<vmem>>
      %dma_wait3A_1094 = arith.constant 0 : i32
      %dma_wait3A_1095 = tpu.memref_slice %arg5[%add3A_1066, %dma_wait3A_1094] : memref<174x56xi32, #tpu.memory_space<vmem>> -> memref<1x56xi32, #tpu.memory_space<vmem>>
      %dma_wait3A_1096 = tpu.memref_squeeze %dma_wait3A_1095 : memref<1x56xi32, #tpu.memory_space<vmem>> -> memref<56xi32, #tpu.memory_space<vmem>>
      %dma_wait3A_1097 = arith.constant 0 : i32
      %dma_wait3A_1098 = arith.constant 0 : i32
      %dma_wait3A_1099 = tpu.memref_slice %arg7[%dma_wait3A_1097, %dma_wait3A_1098] : memref<1674x128xf32, #tpu.memory_space<vmem_shared>> -> memref<1674x128xf32, #tpu.memory_space<vmem_shared>>
      tpu.wait_indirect_dma semaphore(%arg8 : memref<!tpu.dma_semaphore, #tpu.memory_space<semaphore_mem>>) src(%dma_wait3A_1099 : memref<1674x128xf32, #tpu.memory_space<vmem_shared>>) dst(%dma_wait3A_1093 : memref<56x128xf32, #tpu.memory_space<vmem>>)
      %sub3A_1100 = arith.constant 2 : i32
      %sub3A_1101 = arith.subi %add3A_1054, %sub3A_1100 : i32
      %mul3A_1102 = arith.constant 56 : i32
      %mul3A_1103 = arith.muli %sub3A_1101, %mul3A_1102 : i32
      %add3A_1104 = arith.addi %multiple_of3A, %mul3A_1103 : i32
      %multiple_of3A_1105 = tpu.assume_multiple %add3A_1104, 56 : i32
      %dma_wait3A_1106 = arith.constant 3 : i32
      %dma_wait3A_1107 = arith.constant 0 : i32
      %dma_wait3A_1108 = arith.constant 0 : i32
      %dma_wait3A_1109 = arith.constant 0 : i32
      %dma_wait3A_1110 = tpu.memref_slice %arg6[%dma_wait3A_1106, %dma_wait3A_1108, %dma_wait3A_1109] : memref<4x168x128xf32, #tpu.memory_space<vmem>> -> memref<1x56x128xf32, #tpu.memory_space<vmem>>
      %dma_wait3A_1111 = tpu.memref_squeeze %dma_wait3A_1110 : memref<1x56x128xf32, #tpu.memory_space<vmem>> -> memref<56x128xf32, #tpu.memory_space<vmem>>
      %dma_wait3A_1112 = arith.constant 0 : i32
      %dma_wait3A_1113 = tpu.memref_slice %arg4[%dma_wait3A_1107, %multiple_of3A_1105, %dma_wait3A_1112] : memref<3x100352x128xf32, #tpu.memory_space<hbm>> -> memref<1x56x128xf32, #tpu.memory_space<hbm>>
      %dma_wait3A_1114 = tpu.memref_squeeze %dma_wait3A_1113 : memref<1x56x128xf32, #tpu.memory_space<hbm>> -> memref<56x128xf32, #tpu.memory_space<hbm>>
      %dma_wait3A_1115 = arith.constant 0 : i32
      %dma_wait3A_1116 = tpu.memref_slice %arg4[%dma_wait3A_1107, %multiple_of3A_1105, %dma_wait3A_1115] : memref<3x100352x128xf32, #tpu.memory_space<hbm>> -> memref<1x56x128xf32, #tpu.memory_space<hbm>>
      %dma_wait3A_1117 = tpu.memref_squeeze %dma_wait3A_1116 : memref<1x56x128xf32, #tpu.memory_space<hbm>> -> memref<56x128xf32, #tpu.memory_space<hbm>>
      %dma_wait3A_1118 = arith.constant 0 : i32
      %dma_wait3A_1119 = arith.constant 0 : i32
      %dma_wait3A_1120 = tpu.memref_slice %arg6[%dma_wait3A_1106, %dma_wait3A_1118, %dma_wait3A_1119] : memref<4x168x128xf32, #tpu.memory_space<vmem>> -> memref<1x56x128xf32, #tpu.memory_space<vmem>>
      %dma_wait3A_1121 = tpu.memref_squeeze %dma_wait3A_1120 : memref<1x56x128xf32, #tpu.memory_space<vmem>> -> memref<56x128xf32, #tpu.memory_space<vmem>>
      tpu.wait_dma2 semaphore(%arg12 : memref<!tpu.dma_semaphore, #tpu.memory_space<semaphore_mem>>) src(%dma_wait3A_1121 : memref<56x128xf32, #tpu.memory_space<vmem>>) dst(%dma_wait3A_1117 : memref<56x128xf32, #tpu.memory_space<hbm>>)
      %dma_wait3A_1122 = arith.constant 3 : i32
      %dma_wait3A_1123 = arith.constant 1 : i32
      %dma_wait3A_1124 = arith.constant 56 : i32
      %dma_wait3A_1125 = arith.constant 0 : i32
      %dma_wait3A_1126 = tpu.memref_slice %arg6[%dma_wait3A_1122, %dma_wait3A_1124, %dma_wait3A_1125] : memref<4x168x128xf32, #tpu.memory_space<vmem>> -> memref<1x56x128xf32, #tpu.memory_space<vmem>>
      %dma_wait3A_1127 = tpu.memref_squeeze %dma_wait3A_1126 : memref<1x56x128xf32, #tpu.memory_space<vmem>> -> memref<56x128xf32, #tpu.memory_space<vmem>>
      %dma_wait3A_1128 = arith.constant 0 : i32
      %dma_wait3A_1129 = tpu.memref_slice %arg4[%dma_wait3A_1123, %multiple_of3A_1105, %dma_wait3A_1128] : memref<3x100352x128xf32, #tpu.memory_space<hbm>> -> memref<1x56x128xf32, #tpu.memory_space<hbm>>
      %dma_wait3A_1130 = tpu.memref_squeeze %dma_wait3A_1129 : memref<1x56x128xf32, #tpu.memory_space<hbm>> -> memref<56x128xf32, #tpu.memory_space<hbm>>
      %dma_wait3A_1131 = arith.constant 0 : i32
      %dma_wait3A_1132 = tpu.memref_slice %arg4[%dma_wait3A_1123, %multiple_of3A_1105, %dma_wait3A_1131] : memref<3x100352x128xf32, #tpu.memory_space<hbm>> -> memref<1x56x128xf32, #tpu.memory_space<hbm>>
      %dma_wait3A_1133 = tpu.memref_squeeze %dma_wait3A_1132 : memref<1x56x128xf32, #tpu.memory_space<hbm>> -> memref<56x128xf32, #tpu.memory_space<hbm>>
      %dma_wait3A_1134 = arith.constant 56 : i32
      %dma_wait3A_1135 = arith.constant 0 : i32
      %dma_wait3A_1136 = tpu.memref_slice %arg6[%dma_wait3A_1122, %dma_wait3A_1134, %dma_wait3A_1135] : memref<4x168x128xf32, #tpu.memory_space<vmem>> -> memref<1x56x128xf32, #tpu.memory_space<vmem>>
      %dma_wait3A_1137 = tpu.memref_squeeze %dma_wait3A_1136 : memref<1x56x128xf32, #tpu.memory_space<vmem>> -> memref<56x128xf32, #tpu.memory_space<vmem>>
      tpu.wait_dma2 semaphore(%arg12 : memref<!tpu.dma_semaphore, #tpu.memory_space<semaphore_mem>>) src(%dma_wait3A_1137 : memref<56x128xf32, #tpu.memory_space<vmem>>) dst(%dma_wait3A_1133 : memref<56x128xf32, #tpu.memory_space<hbm>>)
      %dma_wait3A_1138 = arith.constant 3 : i32
      %dma_wait3A_1139 = arith.constant 2 : i32
      %dma_wait3A_1140 = arith.constant 112 : i32
      %dma_wait3A_1141 = arith.constant 0 : i32
      %dma_wait3A_1142 = tpu.memref_slice %arg6[%dma_wait3A_1138, %dma_wait3A_1140, %dma_wait3A_1141] : memref<4x168x128xf32, #tpu.memory_space<vmem>> -> memref<1x56x128xf32, #tpu.memory_space<vmem>>
      %dma_wait3A_1143 = tpu.memref_squeeze %dma_wait3A_1142 : memref<1x56x128xf32, #tpu.memory_space<vmem>> -> memref<56x128xf32, #tpu.memory_space<vmem>>
      %dma_wait3A_1144 = arith.constant 0 : i32
      %dma_wait3A_1145 = tpu.memref_slice %arg4[%dma_wait3A_1139, %multiple_of3A_1105, %dma_wait3A_1144] : memref<3x100352x128xf32, #tpu.memory_space<hbm>> -> memref<1x56x128xf32, #tpu.memory_space<hbm>>
      %dma_wait3A_1146 = tpu.memref_squeeze %dma_wait3A_1145 : memref<1x56x128xf32, #tpu.memory_space<hbm>> -> memref<56x128xf32, #tpu.memory_space<hbm>>
      %dma_wait3A_1147 = arith.constant 0 : i32
      %dma_wait3A_1148 = tpu.memref_slice %arg4[%dma_wait3A_1139, %multiple_of3A_1105, %dma_wait3A_1147] : memref<3x100352x128xf32, #tpu.memory_space<hbm>> -> memref<1x56x128xf32, #tpu.memory_space<hbm>>
      %dma_wait3A_1149 = tpu.memref_squeeze %dma_wait3A_1148 : memref<1x56x128xf32, #tpu.memory_space<hbm>> -> memref<56x128xf32, #tpu.memory_space<hbm>>
      %dma_wait3A_1150 = arith.constant 112 : i32
      %dma_wait3A_1151 = arith.constant 0 : i32
      %dma_wait3A_1152 = tpu.memref_slice %arg6[%dma_wait3A_1138, %dma_wait3A_1150, %dma_wait3A_1151] : memref<4x168x128xf32, #tpu.memory_space<vmem>> -> memref<1x56x128xf32, #tpu.memory_space<vmem>>
      %dma_wait3A_1153 = tpu.memref_squeeze %dma_wait3A_1152 : memref<1x56x128xf32, #tpu.memory_space<vmem>> -> memref<56x128xf32, #tpu.memory_space<vmem>>
      tpu.wait_dma2 semaphore(%arg12 : memref<!tpu.dma_semaphore, #tpu.memory_space<semaphore_mem>>) src(%dma_wait3A_1153 : memref<56x128xf32, #tpu.memory_space<vmem>>) dst(%dma_wait3A_1149 : memref<56x128xf32, #tpu.memory_space<hbm>>)
      %add3A_1154 = arith.constant 2 : i32
      %add3A_1155 = arith.addi %add3A_1054, %add3A_1154 : i32
      %mul3A_1156 = arith.constant 3 : i32
      %mul3A_1157 = arith.muli %mul3A_1156, %add3A_1155 : i32
      %add3A_1158 = arith.constant 0 : i32
      %add3A_1159 = arith.addi %mul3A_1157, %add3A_1158 : i32
      %mul3A_1160 = arith.constant 3 : i32
      %mul3A_1161 = arith.muli %mul3A_1160, %add3A_1155 : i32
      %add3A_1162 = arith.constant 1 : i32
      %add3A_1163 = arith.addi %mul3A_1161, %add3A_1162 : i32
      %mul3A_1164 = arith.constant 3 : i32
      %mul3A_1165 = arith.muli %mul3A_1164, %add3A_1155 : i32
      %add3A_1166 = arith.constant 2 : i32
      %add3A_1167 = arith.addi %mul3A_1165, %add3A_1166 : i32
      %dma_start3A_1168 = arith.constant 3 : i32
      %dma_start3A_1169 = arith.constant 0 : i32
      %dma_start3A_1170 = arith.constant 0 : i32
      %dma_start3A_1171 = tpu.memref_slice %arg6[%dma_start3A_1168, %dma_start3A_1169, %dma_start3A_1170] : memref<4x168x128xf32, #tpu.memory_space<vmem>> -> memref<1x56x128xf32, #tpu.memory_space<vmem>>
      %dma_start3A_1172 = tpu.memref_squeeze %dma_start3A_1171 : memref<1x56x128xf32, #tpu.memory_space<vmem>> -> memref<56x128xf32, #tpu.memory_space<vmem>>
      %dma_start3A_1173 = arith.constant 0 : i32
      %dma_start3A_1174 = tpu.memref_slice %arg5[%add3A_1159, %dma_start3A_1173] : memref<174x56xi32, #tpu.memory_space<vmem>> -> memref<1x56xi32, #tpu.memory_space<vmem>>
      %dma_start3A_1175 = tpu.memref_squeeze %dma_start3A_1174 : memref<1x56xi32, #tpu.memory_space<vmem>> -> memref<56xi32, #tpu.memory_space<vmem>>
      %dma_start3A_1176 = arith.constant 0 : i32
      %dma_start3A_1177 = arith.constant 0 : i32
      %dma_start3A_1178 = tpu.memref_slice %arg7[%dma_start3A_1176, %dma_start3A_1177] : memref<1674x128xf32, #tpu.memory_space<vmem_shared>> -> memref<1674x128xf32, #tpu.memory_space<vmem_shared>>
      tpu.enqueue_indirect_dma source(%dma_start3A_1178 : memref<1674x128xf32, #tpu.memory_space<vmem_shared>>) target(%dma_start3A_1172 : memref<56x128xf32, #tpu.memory_space<vmem>>) offsets(%dma_start3A_1175 : memref<56xi32, #tpu.memory_space<vmem>>) semaphore(%arg8 : memref<!tpu.dma_semaphore, #tpu.memory_space<semaphore_mem>>)
      %dma_start3A_1179 = arith.constant 3 : i32
      %dma_start3A_1180 = arith.constant 56 : i32
      %dma_start3A_1181 = arith.constant 0 : i32
      %dma_start3A_1182 = tpu.memref_slice %arg6[%dma_start3A_1179, %dma_start3A_1180, %dma_start3A_1181] : memref<4x168x128xf32, #tpu.memory_space<vmem>> -> memref<1x56x128xf32, #tpu.memory_space<vmem>>
      %dma_start3A_1183 = tpu.memref_squeeze %dma_start3A_1182 : memref<1x56x128xf32, #tpu.memory_space<vmem>> -> memref<56x128xf32, #tpu.memory_space<vmem>>
      %dma_start3A_1184 = arith.constant 0 : i32
      %dma_start3A_1185 = tpu.memref_slice %arg5[%add3A_1163, %dma_start3A_1184] : memref<174x56xi32, #tpu.memory_space<vmem>> -> memref<1x56xi32, #tpu.memory_space<vmem>>
      %dma_start3A_1186 = tpu.memref_squeeze %dma_start3A_1185 : memref<1x56xi32, #tpu.memory_space<vmem>> -> memref<56xi32, #tpu.memory_space<vmem>>
      %dma_start3A_1187 = arith.constant 0 : i32
      %dma_start3A_1188 = arith.constant 0 : i32
      %dma_start3A_1189 = tpu.memref_slice %arg7[%dma_start3A_1187, %dma_start3A_1188] : memref<1674x128xf32, #tpu.memory_space<vmem_shared>> -> memref<1674x128xf32, #tpu.memory_space<vmem_shared>>
      tpu.enqueue_indirect_dma source(%dma_start3A_1189 : memref<1674x128xf32, #tpu.memory_space<vmem_shared>>) target(%dma_start3A_1183 : memref<56x128xf32, #tpu.memory_space<vmem>>) offsets(%dma_start3A_1186 : memref<56xi32, #tpu.memory_space<vmem>>) semaphore(%arg8 : memref<!tpu.dma_semaphore, #tpu.memory_space<semaphore_mem>>)
      %dma_start3A_1190 = arith.constant 3 : i32
      %dma_start3A_1191 = arith.constant 112 : i32
      %dma_start3A_1192 = arith.constant 0 : i32
      %dma_start3A_1193 = tpu.memref_slice %arg6[%dma_start3A_1190, %dma_start3A_1191, %dma_start3A_1192] : memref<4x168x128xf32, #tpu.memory_space<vmem>> -> memref<1x56x128xf32, #tpu.memory_space<vmem>>
      %dma_start3A_1194 = tpu.memref_squeeze %dma_start3A_1193 : memref<1x56x128xf32, #tpu.memory_space<vmem>> -> memref<56x128xf32, #tpu.memory_space<vmem>>
      %dma_start3A_1195 = arith.constant 0 : i32
      %dma_start3A_1196 = tpu.memref_slice %arg5[%add3A_1167, %dma_start3A_1195] : memref<174x56xi32, #tpu.memory_space<vmem>> -> memref<1x56xi32, #tpu.memory_space<vmem>>
      %dma_start3A_1197 = tpu.memref_squeeze %dma_start3A_1196 : memref<1x56xi32, #tpu.memory_space<vmem>> -> memref<56xi32, #tpu.memory_space<vmem>>
      %dma_start3A_1198 = arith.constant 0 : i32
      %dma_start3A_1199 = arith.constant 0 : i32
      %dma_start3A_1200 = tpu.memref_slice %arg7[%dma_start3A_1198, %dma_start3A_1199] : memref<1674x128xf32, #tpu.memory_space<vmem_shared>> -> memref<1674x128xf32, #tpu.memory_space<vmem_shared>>
      tpu.enqueue_indirect_dma source(%dma_start3A_1200 : memref<1674x128xf32, #tpu.memory_space<vmem_shared>>) target(%dma_start3A_1194 : memref<56x128xf32, #tpu.memory_space<vmem>>) offsets(%dma_start3A_1197 : memref<56xi32, #tpu.memory_space<vmem>>) semaphore(%arg8 : memref<!tpu.dma_semaphore, #tpu.memory_space<semaphore_mem>>)
      %mul3A_1201 = arith.constant 56 : i32
      %mul3A_1202 = arith.muli %add3A_1054, %mul3A_1201 : i32
      %add3A_1203 = arith.addi %multiple_of3A, %mul3A_1202 : i32
      %multiple_of3A_1204 = tpu.assume_multiple %add3A_1203, 56 : i32
      %dma_start3A_1205 = arith.constant 1 : i32
      %dma_start3A_1206 = arith.constant 0 : i32
      %dma_start3A_1207 = arith.constant 0 : i32
      %dma_start3A_1208 = arith.constant 0 : i32
      %dma_start3A_1209 = tpu.memref_slice %arg6[%dma_start3A_1205, %dma_start3A_1207, %dma_start3A_1208] : memref<4x168x128xf32, #tpu.memory_space<vmem>> -> memref<1x56x128xf32, #tpu.memory_space<vmem>>
      %dma_start3A_1210 = tpu.memref_squeeze %dma_start3A_1209 : memref<1x56x128xf32, #tpu.memory_space<vmem>> -> memref<56x128xf32, #tpu.memory_space<vmem>>
      %dma_start3A_1211 = arith.constant 0 : i32
      %dma_start3A_1212 = tpu.memref_slice %arg4[%dma_start3A_1206, %multiple_of3A_1204, %dma_start3A_1211] : memref<3x100352x128xf32, #tpu.memory_space<hbm>> -> memref<1x56x128xf32, #tpu.memory_space<hbm>>
      %dma_start3A_1213 = tpu.memref_squeeze %dma_start3A_1212 : memref<1x56x128xf32, #tpu.memory_space<hbm>> -> memref<56x128xf32, #tpu.memory_space<hbm>>
      %dma_start3A_1214 = arith.constant 0 : i32
      %dma_start3A_1215 = tpu.memref_slice %arg4[%dma_start3A_1206, %multiple_of3A_1204, %dma_start3A_1214] : memref<3x100352x128xf32, #tpu.memory_space<hbm>> -> memref<1x56x128xf32, #tpu.memory_space<hbm>>
      %dma_start3A_1216 = tpu.memref_squeeze %dma_start3A_1215 : memref<1x56x128xf32, #tpu.memory_space<hbm>> -> memref<56x128xf32, #tpu.memory_space<hbm>>
      %dma_start3A_1217 = arith.constant 0 : i32
      %dma_start3A_1218 = arith.constant 0 : i32
      %dma_start3A_1219 = tpu.memref_slice %arg6[%dma_start3A_1205, %dma_start3A_1217, %dma_start3A_1218] : memref<4x168x128xf32, #tpu.memory_space<vmem>> -> memref<1x56x128xf32, #tpu.memory_space<vmem>>
      %dma_start3A_1220 = tpu.memref_squeeze %dma_start3A_1219 : memref<1x56x128xf32, #tpu.memory_space<vmem>> -> memref<56x128xf32, #tpu.memory_space<vmem>>
      tpu.enqueue_dma source(%dma_start3A_1220 : memref<56x128xf32, #tpu.memory_space<vmem>>) target(%dma_start3A_1216 : memref<56x128xf32, #tpu.memory_space<hbm>>) target_semaphore(%arg10 : memref<!tpu.dma_semaphore, #tpu.memory_space<semaphore_mem>>)
      %dma_start3A_1221 = arith.constant 1 : i32
      %dma_start3A_1222 = arith.constant 1 : i32
      %dma_start3A_1223 = arith.constant 56 : i32
      %dma_start3A_1224 = arith.constant 0 : i32
      %dma_start3A_1225 = tpu.memref_slice %arg6[%dma_start3A_1221, %dma_start3A_1223, %dma_start3A_1224] : memref<4x168x128xf32, #tpu.memory_space<vmem>> -> memref<1x56x128xf32, #tpu.memory_space<vmem>>
      %dma_start3A_1226 = tpu.memref_squeeze %dma_start3A_1225 : memref<1x56x128xf32, #tpu.memory_space<vmem>> -> memref<56x128xf32, #tpu.memory_space<vmem>>
      %dma_start3A_1227 = arith.constant 0 : i32
      %dma_start3A_1228 = tpu.memref_slice %arg4[%dma_start3A_1222, %multiple_of3A_1204, %dma_start3A_1227] : memref<3x100352x128xf32, #tpu.memory_space<hbm>> -> memref<1x56x128xf32, #tpu.memory_space<hbm>>
      %dma_start3A_1229 = tpu.memref_squeeze %dma_start3A_1228 : memref<1x56x128xf32, #tpu.memory_space<hbm>> -> memref<56x128xf32, #tpu.memory_space<hbm>>
      %dma_start3A_1230 = arith.constant 0 : i32
      %dma_start3A_1231 = tpu.memref_slice %arg4[%dma_start3A_1222, %multiple_of3A_1204, %dma_start3A_1230] : memref<3x100352x128xf32, #tpu.memory_space<hbm>> -> memref<1x56x128xf32, #tpu.memory_space<hbm>>
      %dma_start3A_1232 = tpu.memref_squeeze %dma_start3A_1231 : memref<1x56x128xf32, #tpu.memory_space<hbm>> -> memref<56x128xf32, #tpu.memory_space<hbm>>
      %dma_start3A_1233 = arith.constant 56 : i32
      %dma_start3A_1234 = arith.constant 0 : i32
      %dma_start3A_1235 = tpu.memref_slice %arg6[%dma_start3A_1221, %dma_start3A_1233, %dma_start3A_1234] : memref<4x168x128xf32, #tpu.memory_space<vmem>> -> memref<1x56x128xf32, #tpu.memory_space<vmem>>
      %dma_start3A_1236 = tpu.memref_squeeze %dma_start3A_1235 : memref<1x56x128xf32, #tpu.memory_space<vmem>> -> memref<56x128xf32, #tpu.memory_space<vmem>>
      tpu.enqueue_dma source(%dma_start3A_1236 : memref<56x128xf32, #tpu.memory_space<vmem>>) target(%dma_start3A_1232 : memref<56x128xf32, #tpu.memory_space<hbm>>) target_semaphore(%arg10 : memref<!tpu.dma_semaphore, #tpu.memory_space<semaphore_mem>>)
      %dma_start3A_1237 = arith.constant 1 : i32
      %dma_start3A_1238 = arith.constant 2 : i32
      %dma_start3A_1239 = arith.constant 112 : i32
      %dma_start3A_1240 = arith.constant 0 : i32
      %dma_start3A_1241 = tpu.memref_slice %arg6[%dma_start3A_1237, %dma_start3A_1239, %dma_start3A_1240] : memref<4x168x128xf32, #tpu.memory_space<vmem>> -> memref<1x56x128xf32, #tpu.memory_space<vmem>>
      %dma_start3A_1242 = tpu.memref_squeeze %dma_start3A_1241 : memref<1x56x128xf32, #tpu.memory_space<vmem>> -> memref<56x128xf32, #tpu.memory_space<vmem>>
      %dma_start3A_1243 = arith.constant 0 : i32
      %dma_start3A_1244 = tpu.memref_slice %arg4[%dma_start3A_1238, %multiple_of3A_1204, %dma_start3A_1243] : memref<3x100352x128xf32, #tpu.memory_space<hbm>> -> memref<1x56x128xf32, #tpu.memory_space<hbm>>
      %dma_start3A_1245 = tpu.memref_squeeze %dma_start3A_1244 : memref<1x56x128xf32, #tpu.memory_space<hbm>> -> memref<56x128xf32, #tpu.memory_space<hbm>>
      %dma_start3A_1246 = arith.constant 0 : i32
      %dma_start3A_1247 = tpu.memref_slice %arg4[%dma_start3A_1238, %multiple_of3A_1204, %dma_start3A_1246] : memref<3x100352x128xf32, #tpu.memory_space<hbm>> -> memref<1x56x128xf32, #tpu.memory_space<hbm>>
      %dma_start3A_1248 = tpu.memref_squeeze %dma_start3A_1247 : memref<1x56x128xf32, #tpu.memory_space<hbm>> -> memref<56x128xf32, #tpu.memory_space<hbm>>
      %dma_start3A_1249 = arith.constant 112 : i32
      %dma_start3A_1250 = arith.constant 0 : i32
      %dma_start3A_1251 = tpu.memref_slice %arg6[%dma_start3A_1237, %dma_start3A_1249, %dma_start3A_1250] : memref<4x168x128xf32, #tpu.memory_space<vmem>> -> memref<1x56x128xf32, #tpu.memory_space<vmem>>
      %dma_start3A_1252 = tpu.memref_squeeze %dma_start3A_1251 : memref<1x56x128xf32, #tpu.memory_space<vmem>> -> memref<56x128xf32, #tpu.memory_space<vmem>>
      tpu.enqueue_dma source(%dma_start3A_1252 : memref<56x128xf32, #tpu.memory_space<vmem>>) target(%dma_start3A_1248 : memref<56x128xf32, #tpu.memory_space<hbm>>) target_semaphore(%arg10 : memref<!tpu.dma_semaphore, #tpu.memory_space<semaphore_mem>>)
      %mul3A_1253 = arith.constant 4 : i32
      %mul3A_1254 = arith.muli %mul3A_1253, %add3A_851 : i32
      %add3A_1255 = arith.constant 2 : i32
      %add3A_1256 = arith.addi %mul3A_1254, %add3A_1255 : i32
      %mul3A_1257 = arith.constant 3 : i32
      %mul3A_1258 = arith.muli %mul3A_1257, %add3A_1256 : i32
      %add3A_1259 = arith.constant 0 : i32
      %add3A_1260 = arith.addi %mul3A_1258, %add3A_1259 : i32
      %mul3A_1261 = arith.constant 3 : i32
      %mul3A_1262 = arith.muli %mul3A_1261, %add3A_1256 : i32
      %add3A_1263 = arith.constant 1 : i32
      %add3A_1264 = arith.addi %mul3A_1262, %add3A_1263 : i32
      %mul3A_1265 = arith.constant 3 : i32
      %mul3A_1266 = arith.muli %mul3A_1265, %add3A_1256 : i32
      %add3A_1267 = arith.constant 2 : i32
      %add3A_1268 = arith.addi %mul3A_1266, %add3A_1267 : i32
      %dma_wait3A_1269 = arith.constant 2 : i32
      %dma_wait3A_1270 = arith.constant 0 : i32
      %dma_wait3A_1271 = arith.constant 0 : i32
      %dma_wait3A_1272 = tpu.memref_slice %arg6[%dma_wait3A_1269, %dma_wait3A_1270, %dma_wait3A_1271] : memref<4x168x128xf32, #tpu.memory_space<vmem>> -> memref<1x56x128xf32, #tpu.memory_space<vmem>>
      %dma_wait3A_1273 = tpu.memref_squeeze %dma_wait3A_1272 : memref<1x56x128xf32, #tpu.memory_space<vmem>> -> memref<56x128xf32, #tpu.memory_space<vmem>>
      %dma_wait3A_1274 = arith.constant 0 : i32
      %dma_wait3A_1275 = tpu.memref_slice %arg5[%add3A_1260, %dma_wait3A_1274] : memref<174x56xi32, #tpu.memory_space<vmem>> -> memref<1x56xi32, #tpu.memory_space<vmem>>
      %dma_wait3A_1276 = tpu.memref_squeeze %dma_wait3A_1275 : memref<1x56xi32, #tpu.memory_space<vmem>> -> memref<56xi32, #tpu.memory_space<vmem>>
      %dma_wait3A_1277 = arith.constant 0 : i32
      %dma_wait3A_1278 = arith.constant 0 : i32
      %dma_wait3A_1279 = tpu.memref_slice %arg7[%dma_wait3A_1277, %dma_wait3A_1278] : memref<1674x128xf32, #tpu.memory_space<vmem_shared>> -> memref<1674x128xf32, #tpu.memory_space<vmem_shared>>
      tpu.wait_indirect_dma semaphore(%arg8 : memref<!tpu.dma_semaphore, #tpu.memory_space<semaphore_mem>>) src(%dma_wait3A_1279 : memref<1674x128xf32, #tpu.memory_space<vmem_shared>>) dst(%dma_wait3A_1273 : memref<56x128xf32, #tpu.memory_space<vmem>>)
      %dma_wait3A_1280 = arith.constant 2 : i32
      %dma_wait3A_1281 = arith.constant 56 : i32
      %dma_wait3A_1282 = arith.constant 0 : i32
      %dma_wait3A_1283 = tpu.memref_slice %arg6[%dma_wait3A_1280, %dma_wait3A_1281, %dma_wait3A_1282] : memref<4x168x128xf32, #tpu.memory_space<vmem>> -> memref<1x56x128xf32, #tpu.memory_space<vmem>>
      %dma_wait3A_1284 = tpu.memref_squeeze %dma_wait3A_1283 : memref<1x56x128xf32, #tpu.memory_space<vmem>> -> memref<56x128xf32, #tpu.memory_space<vmem>>
      %dma_wait3A_1285 = arith.constant 0 : i32
      %dma_wait3A_1286 = tpu.memref_slice %arg5[%add3A_1264, %dma_wait3A_1285] : memref<174x56xi32, #tpu.memory_space<vmem>> -> memref<1x56xi32, #tpu.memory_space<vmem>>
      %dma_wait3A_1287 = tpu.memref_squeeze %dma_wait3A_1286 : memref<1x56xi32, #tpu.memory_space<vmem>> -> memref<56xi32, #tpu.memory_space<vmem>>
      %dma_wait3A_1288 = arith.constant 0 : i32
      %dma_wait3A_1289 = arith.constant 0 : i32
      %dma_wait3A_1290 = tpu.memref_slice %arg7[%dma_wait3A_1288, %dma_wait3A_1289] : memref<1674x128xf32, #tpu.memory_space<vmem_shared>> -> memref<1674x128xf32, #tpu.memory_space<vmem_shared>>
      tpu.wait_indirect_dma semaphore(%arg8 : memref<!tpu.dma_semaphore, #tpu.memory_space<semaphore_mem>>) src(%dma_wait3A_1290 : memref<1674x128xf32, #tpu.memory_space<vmem_shared>>) dst(%dma_wait3A_1284 : memref<56x128xf32, #tpu.memory_space<vmem>>)
      %dma_wait3A_1291 = arith.constant 2 : i32
      %dma_wait3A_1292 = arith.constant 112 : i32
      %dma_wait3A_1293 = arith.constant 0 : i32
      %dma_wait3A_1294 = tpu.memref_slice %arg6[%dma_wait3A_1291, %dma_wait3A_1292, %dma_wait3A_1293] : memref<4x168x128xf32, #tpu.memory_space<vmem>> -> memref<1x56x128xf32, #tpu.memory_space<vmem>>
      %dma_wait3A_1295 = tpu.memref_squeeze %dma_wait3A_1294 : memref<1x56x128xf32, #tpu.memory_space<vmem>> -> memref<56x128xf32, #tpu.memory_space<vmem>>
      %dma_wait3A_1296 = arith.constant 0 : i32
      %dma_wait3A_1297 = tpu.memref_slice %arg5[%add3A_1268, %dma_wait3A_1296] : memref<174x56xi32, #tpu.memory_space<vmem>> -> memref<1x56xi32, #tpu.memory_space<vmem>>
      %dma_wait3A_1298 = tpu.memref_squeeze %dma_wait3A_1297 : memref<1x56xi32, #tpu.memory_space<vmem>> -> memref<56xi32, #tpu.memory_space<vmem>>
      %dma_wait3A_1299 = arith.constant 0 : i32
      %dma_wait3A_1300 = arith.constant 0 : i32
      %dma_wait3A_1301 = tpu.memref_slice %arg7[%dma_wait3A_1299, %dma_wait3A_1300] : memref<1674x128xf32, #tpu.memory_space<vmem_shared>> -> memref<1674x128xf32, #tpu.memory_space<vmem_shared>>
      tpu.wait_indirect_dma semaphore(%arg8 : memref<!tpu.dma_semaphore, #tpu.memory_space<semaphore_mem>>) src(%dma_wait3A_1301 : memref<1674x128xf32, #tpu.memory_space<vmem_shared>>) dst(%dma_wait3A_1295 : memref<56x128xf32, #tpu.memory_space<vmem>>)
      %sub3A_1302 = arith.constant 2 : i32
      %sub3A_1303 = arith.subi %add3A_1256, %sub3A_1302 : i32
      %mul3A_1304 = arith.constant 56 : i32
      %mul3A_1305 = arith.muli %sub3A_1303, %mul3A_1304 : i32
      %add3A_1306 = arith.addi %multiple_of3A, %mul3A_1305 : i32
      %multiple_of3A_1307 = tpu.assume_multiple %add3A_1306, 56 : i32
      %dma_wait3A_1308 = arith.constant 0 : i32
      %dma_wait3A_1309 = arith.constant 0 : i32
      %dma_wait3A_1310 = arith.constant 0 : i32
      %dma_wait3A_1311 = arith.constant 0 : i32
      %dma_wait3A_1312 = tpu.memref_slice %arg6[%dma_wait3A_1308, %dma_wait3A_1310, %dma_wait3A_1311] : memref<4x168x128xf32, #tpu.memory_space<vmem>> -> memref<1x56x128xf32, #tpu.memory_space<vmem>>
      %dma_wait3A_1313 = tpu.memref_squeeze %dma_wait3A_1312 : memref<1x56x128xf32, #tpu.memory_space<vmem>> -> memref<56x128xf32, #tpu.memory_space<vmem>>
      %dma_wait3A_1314 = arith.constant 0 : i32
      %dma_wait3A_1315 = tpu.memref_slice %arg4[%dma_wait3A_1309, %multiple_of3A_1307, %dma_wait3A_1314] : memref<3x100352x128xf32, #tpu.memory_space<hbm>> -> memref<1x56x128xf32, #tpu.memory_space<hbm>>
      %dma_wait3A_1316 = tpu.memref_squeeze %dma_wait3A_1315 : memref<1x56x128xf32, #tpu.memory_space<hbm>> -> memref<56x128xf32, #tpu.memory_space<hbm>>
      %dma_wait3A_1317 = arith.constant 0 : i32
      %dma_wait3A_1318 = tpu.memref_slice %arg4[%dma_wait3A_1309, %multiple_of3A_1307, %dma_wait3A_1317] : memref<3x100352x128xf32, #tpu.memory_space<hbm>> -> memref<1x56x128xf32, #tpu.memory_space<hbm>>
      %dma_wait3A_1319 = tpu.memref_squeeze %dma_wait3A_1318 : memref<1x56x128xf32, #tpu.memory_space<hbm>> -> memref<56x128xf32, #tpu.memory_space<hbm>>
      %dma_wait3A_1320 = arith.constant 0 : i32
      %dma_wait3A_1321 = arith.constant 0 : i32
      %dma_wait3A_1322 = tpu.memref_slice %arg6[%dma_wait3A_1308, %dma_wait3A_1320, %dma_wait3A_1321] : memref<4x168x128xf32, #tpu.memory_space<vmem>> -> memref<1x56x128xf32, #tpu.memory_space<vmem>>
      %dma_wait3A_1323 = tpu.memref_squeeze %dma_wait3A_1322 : memref<1x56x128xf32, #tpu.memory_space<vmem>> -> memref<56x128xf32, #tpu.memory_space<vmem>>
      tpu.wait_dma2 semaphore(%arg9 : memref<!tpu.dma_semaphore, #tpu.memory_space<semaphore_mem>>) src(%dma_wait3A_1323 : memref<56x128xf32, #tpu.memory_space<vmem>>) dst(%dma_wait3A_1319 : memref<56x128xf32, #tpu.memory_space<hbm>>)
      %dma_wait3A_1324 = arith.constant 0 : i32
      %dma_wait3A_1325 = arith.constant 1 : i32
      %dma_wait3A_1326 = arith.constant 56 : i32
      %dma_wait3A_1327 = arith.constant 0 : i32
      %dma_wait3A_1328 = tpu.memref_slice %arg6[%dma_wait3A_1324, %dma_wait3A_1326, %dma_wait3A_1327] : memref<4x168x128xf32, #tpu.memory_space<vmem>> -> memref<1x56x128xf32, #tpu.memory_space<vmem>>
      %dma_wait3A_1329 = tpu.memref_squeeze %dma_wait3A_1328 : memref<1x56x128xf32, #tpu.memory_space<vmem>> -> memref<56x128xf32, #tpu.memory_space<vmem>>
      %dma_wait3A_1330 = arith.constant 0 : i32
      %dma_wait3A_1331 = tpu.memref_slice %arg4[%dma_wait3A_1325, %multiple_of3A_1307, %dma_wait3A_1330] : memref<3x100352x128xf32, #tpu.memory_space<hbm>> -> memref<1x56x128xf32, #tpu.memory_space<hbm>>
      %dma_wait3A_1332 = tpu.memref_squeeze %dma_wait3A_1331 : memref<1x56x128xf32, #tpu.memory_space<hbm>> -> memref<56x128xf32, #tpu.memory_space<hbm>>
      %dma_wait3A_1333 = arith.constant 0 : i32
      %dma_wait3A_1334 = tpu.memref_slice %arg4[%dma_wait3A_1325, %multiple_of3A_1307, %dma_wait3A_1333] : memref<3x100352x128xf32, #tpu.memory_space<hbm>> -> memref<1x56x128xf32, #tpu.memory_space<hbm>>
      %dma_wait3A_1335 = tpu.memref_squeeze %dma_wait3A_1334 : memref<1x56x128xf32, #tpu.memory_space<hbm>> -> memref<56x128xf32, #tpu.memory_space<hbm>>
      %dma_wait3A_1336 = arith.constant 56 : i32
      %dma_wait3A_1337 = arith.constant 0 : i32
      %dma_wait3A_1338 = tpu.memref_slice %arg6[%dma_wait3A_1324, %dma_wait3A_1336, %dma_wait3A_1337] : memref<4x168x128xf32, #tpu.memory_space<vmem>> -> memref<1x56x128xf32, #tpu.memory_space<vmem>>
      %dma_wait3A_1339 = tpu.memref_squeeze %dma_wait3A_1338 : memref<1x56x128xf32, #tpu.memory_space<vmem>> -> memref<56x128xf32, #tpu.memory_space<vmem>>
      tpu.wait_dma2 semaphore(%arg9 : memref<!tpu.dma_semaphore, #tpu.memory_space<semaphore_mem>>) src(%dma_wait3A_1339 : memref<56x128xf32, #tpu.memory_space<vmem>>) dst(%dma_wait3A_1335 : memref<56x128xf32, #tpu.memory_space<hbm>>)
      %dma_wait3A_1340 = arith.constant 0 : i32
      %dma_wait3A_1341 = arith.constant 2 : i32
      %dma_wait3A_1342 = arith.constant 112 : i32
      %dma_wait3A_1343 = arith.constant 0 : i32
      %dma_wait3A_1344 = tpu.memref_slice %arg6[%dma_wait3A_1340, %dma_wait3A_1342, %dma_wait3A_1343] : memref<4x168x128xf32, #tpu.memory_space<vmem>> -> memref<1x56x128xf32, #tpu.memory_space<vmem>>
      %dma_wait3A_1345 = tpu.memref_squeeze %dma_wait3A_1344 : memref<1x56x128xf32, #tpu.memory_space<vmem>> -> memref<56x128xf32, #tpu.memory_space<vmem>>
      %dma_wait3A_1346 = arith.constant 0 : i32
      %dma_wait3A_1347 = tpu.memref_slice %arg4[%dma_wait3A_1341, %multiple_of3A_1307, %dma_wait3A_1346] : memref<3x100352x128xf32, #tpu.memory_space<hbm>> -> memref<1x56x128xf32, #tpu.memory_space<hbm>>
      %dma_wait3A_1348 = tpu.memref_squeeze %dma_wait3A_1347 : memref<1x56x128xf32, #tpu.memory_space<hbm>> -> memref<56x128xf32, #tpu.memory_space<hbm>>
      %dma_wait3A_1349 = arith.constant 0 : i32
      %dma_wait3A_1350 = tpu.memref_slice %arg4[%dma_wait3A_1341, %multiple_of3A_1307, %dma_wait3A_1349] : memref<3x100352x128xf32, #tpu.memory_space<hbm>> -> memref<1x56x128xf32, #tpu.memory_space<hbm>>
      %dma_wait3A_1351 = tpu.memref_squeeze %dma_wait3A_1350 : memref<1x56x128xf32, #tpu.memory_space<hbm>> -> memref<56x128xf32, #tpu.memory_space<hbm>>
      %dma_wait3A_1352 = arith.constant 112 : i32
      %dma_wait3A_1353 = arith.constant 0 : i32
      %dma_wait3A_1354 = tpu.memref_slice %arg6[%dma_wait3A_1340, %dma_wait3A_1352, %dma_wait3A_1353] : memref<4x168x128xf32, #tpu.memory_space<vmem>> -> memref<1x56x128xf32, #tpu.memory_space<vmem>>
      %dma_wait3A_1355 = tpu.memref_squeeze %dma_wait3A_1354 : memref<1x56x128xf32, #tpu.memory_space<vmem>> -> memref<56x128xf32, #tpu.memory_space<vmem>>
      tpu.wait_dma2 semaphore(%arg9 : memref<!tpu.dma_semaphore, #tpu.memory_space<semaphore_mem>>) src(%dma_wait3A_1355 : memref<56x128xf32, #tpu.memory_space<vmem>>) dst(%dma_wait3A_1351 : memref<56x128xf32, #tpu.memory_space<hbm>>)
      %add3A_1356 = arith.constant 2 : i32
      %add3A_1357 = arith.addi %add3A_1256, %add3A_1356 : i32
      %mul3A_1358 = arith.constant 3 : i32
      %mul3A_1359 = arith.muli %mul3A_1358, %add3A_1357 : i32
      %add3A_1360 = arith.constant 0 : i32
      %add3A_1361 = arith.addi %mul3A_1359, %add3A_1360 : i32
      %mul3A_1362 = arith.constant 3 : i32
      %mul3A_1363 = arith.muli %mul3A_1362, %add3A_1357 : i32
      %add3A_1364 = arith.constant 1 : i32
      %add3A_1365 = arith.addi %mul3A_1363, %add3A_1364 : i32
      %mul3A_1366 = arith.constant 3 : i32
      %mul3A_1367 = arith.muli %mul3A_1366, %add3A_1357 : i32
      %add3A_1368 = arith.constant 2 : i32
      %add3A_1369 = arith.addi %mul3A_1367, %add3A_1368 : i32
      %dma_start3A_1370 = arith.constant 0 : i32
      %dma_start3A_1371 = arith.constant 0 : i32
      %dma_start3A_1372 = arith.constant 0 : i32
      %dma_start3A_1373 = tpu.memref_slice %arg6[%dma_start3A_1370, %dma_start3A_1371, %dma_start3A_1372] : memref<4x168x128xf32, #tpu.memory_space<vmem>> -> memref<1x56x128xf32, #tpu.memory_space<vmem>>
      %dma_start3A_1374 = tpu.memref_squeeze %dma_start3A_1373 : memref<1x56x128xf32, #tpu.memory_space<vmem>> -> memref<56x128xf32, #tpu.memory_space<vmem>>
      %dma_start3A_1375 = arith.constant 0 : i32
      %dma_start3A_1376 = tpu.memref_slice %arg5[%add3A_1361, %dma_start3A_1375] : memref<174x56xi32, #tpu.memory_space<vmem>> -> memref<1x56xi32, #tpu.memory_space<vmem>>
      %dma_start3A_1377 = tpu.memref_squeeze %dma_start3A_1376 : memref<1x56xi32, #tpu.memory_space<vmem>> -> memref<56xi32, #tpu.memory_space<vmem>>
      %dma_start3A_1378 = arith.constant 0 : i32
      %dma_start3A_1379 = arith.constant 0 : i32
      %dma_start3A_1380 = tpu.memref_slice %arg7[%dma_start3A_1378, %dma_start3A_1379] : memref<1674x128xf32, #tpu.memory_space<vmem_shared>> -> memref<1674x128xf32, #tpu.memory_space<vmem_shared>>
      tpu.enqueue_indirect_dma source(%dma_start3A_1380 : memref<1674x128xf32, #tpu.memory_space<vmem_shared>>) target(%dma_start3A_1374 : memref<56x128xf32, #tpu.memory_space<vmem>>) offsets(%dma_start3A_1377 : memref<56xi32, #tpu.memory_space<vmem>>) semaphore(%arg8 : memref<!tpu.dma_semaphore, #tpu.memory_space<semaphore_mem>>)
      %dma_start3A_1381 = arith.constant 0 : i32
      %dma_start3A_1382 = arith.constant 56 : i32
      %dma_start3A_1383 = arith.constant 0 : i32
      %dma_start3A_1384 = tpu.memref_slice %arg6[%dma_start3A_1381, %dma_start3A_1382, %dma_start3A_1383] : memref<4x168x128xf32, #tpu.memory_space<vmem>> -> memref<1x56x128xf32, #tpu.memory_space<vmem>>
      %dma_start3A_1385 = tpu.memref_squeeze %dma_start3A_1384 : memref<1x56x128xf32, #tpu.memory_space<vmem>> -> memref<56x128xf32, #tpu.memory_space<vmem>>
      %dma_start3A_1386 = arith.constant 0 : i32
      %dma_start3A_1387 = tpu.memref_slice %arg5[%add3A_1365, %dma_start3A_1386] : memref<174x56xi32, #tpu.memory_space<vmem>> -> memref<1x56xi32, #tpu.memory_space<vmem>>
      %dma_start3A_1388 = tpu.memref_squeeze %dma_start3A_1387 : memref<1x56xi32, #tpu.memory_space<vmem>> -> memref<56xi32, #tpu.memory_space<vmem>>
      %dma_start3A_1389 = arith.constant 0 : i32
      %dma_start3A_1390 = arith.constant 0 : i32
      %dma_start3A_1391 = tpu.memref_slice %arg7[%dma_start3A_1389, %dma_start3A_1390] : memref<1674x128xf32, #tpu.memory_space<vmem_shared>> -> memref<1674x128xf32, #tpu.memory_space<vmem_shared>>
      tpu.enqueue_indirect_dma source(%dma_start3A_1391 : memref<1674x128xf32, #tpu.memory_space<vmem_shared>>) target(%dma_start3A_1385 : memref<56x128xf32, #tpu.memory_space<vmem>>) offsets(%dma_start3A_1388 : memref<56xi32, #tpu.memory_space<vmem>>) semaphore(%arg8 : memref<!tpu.dma_semaphore, #tpu.memory_space<semaphore_mem>>)
      %dma_start3A_1392 = arith.constant 0 : i32
      %dma_start3A_1393 = arith.constant 112 : i32
      %dma_start3A_1394 = arith.constant 0 : i32
      %dma_start3A_1395 = tpu.memref_slice %arg6[%dma_start3A_1392, %dma_start3A_1393, %dma_start3A_1394] : memref<4x168x128xf32, #tpu.memory_space<vmem>> -> memref<1x56x128xf32, #tpu.memory_space<vmem>>
      %dma_start3A_1396 = tpu.memref_squeeze %dma_start3A_1395 : memref<1x56x128xf32, #tpu.memory_space<vmem>> -> memref<56x128xf32, #tpu.memory_space<vmem>>
      %dma_start3A_1397 = arith.constant 0 : i32
      %dma_start3A_1398 = tpu.memref_slice %arg5[%add3A_1369, %dma_start3A_1397] : memref<174x56xi32, #tpu.memory_space<vmem>> -> memref<1x56xi32, #tpu.memory_space<vmem>>
      %dma_start3A_1399 = tpu.memref_squeeze %dma_start3A_1398 : memref<1x56xi32, #tpu.memory_space<vmem>> -> memref<56xi32, #tpu.memory_space<vmem>>
      %dma_start3A_1400 = arith.constant 0 : i32
      %dma_start3A_1401 = arith.constant 0 : i32
      %dma_start3A_1402 = tpu.memref_slice %arg7[%dma_start3A_1400, %dma_start3A_1401] : memref<1674x128xf32, #tpu.memory_space<vmem_shared>> -> memref<1674x128xf32, #tpu.memory_space<vmem_shared>>
      tpu.enqueue_indirect_dma source(%dma_start3A_1402 : memref<1674x128xf32, #tpu.memory_space<vmem_shared>>) target(%dma_start3A_1396 : memref<56x128xf32, #tpu.memory_space<vmem>>) offsets(%dma_start3A_1399 : memref<56xi32, #tpu.memory_space<vmem>>) semaphore(%arg8 : memref<!tpu.dma_semaphore, #tpu.memory_space<semaphore_mem>>)
      %mul3A_1403 = arith.constant 56 : i32
      %mul3A_1404 = arith.muli %add3A_1256, %mul3A_1403 : i32
      %add3A_1405 = arith.addi %multiple_of3A, %mul3A_1404 : i32
      %multiple_of3A_1406 = tpu.assume_multiple %add3A_1405, 56 : i32
      %dma_start3A_1407 = arith.constant 2 : i32
      %dma_start3A_1408 = arith.constant 0 : i32
      %dma_start3A_1409 = arith.constant 0 : i32
      %dma_start3A_1410 = arith.constant 0 : i32
      %dma_start3A_1411 = tpu.memref_slice %arg6[%dma_start3A_1407, %dma_start3A_1409, %dma_start3A_1410] : memref<4x168x128xf32, #tpu.memory_space<vmem>> -> memref<1x56x128xf32, #tpu.memory_space<vmem>>
      %dma_start3A_1412 = tpu.memref_squeeze %dma_start3A_1411 : memref<1x56x128xf32, #tpu.memory_space<vmem>> -> memref<56x128xf32, #tpu.memory_space<vmem>>
      %dma_start3A_1413 = arith.constant 0 : i32
      %dma_start3A_1414 = tpu.memref_slice %arg4[%dma_start3A_1408, %multiple_of3A_1406, %dma_start3A_1413] : memref<3x100352x128xf32, #tpu.memory_space<hbm>> -> memref<1x56x128xf32, #tpu.memory_space<hbm>>
      %dma_start3A_1415 = tpu.memref_squeeze %dma_start3A_1414 : memref<1x56x128xf32, #tpu.memory_space<hbm>> -> memref<56x128xf32, #tpu.memory_space<hbm>>
      %dma_start3A_1416 = arith.constant 0 : i32
      %dma_start3A_1417 = tpu.memref_slice %arg4[%dma_start3A_1408, %multiple_of3A_1406, %dma_start3A_1416] : memref<3x100352x128xf32, #tpu.memory_space<hbm>> -> memref<1x56x128xf32, #tpu.memory_space<hbm>>
      %dma_start3A_1418 = tpu.memref_squeeze %dma_start3A_1417 : memref<1x56x128xf32, #tpu.memory_space<hbm>> -> memref<56x128xf32, #tpu.memory_space<hbm>>
      %dma_start3A_1419 = arith.constant 0 : i32
      %dma_start3A_1420 = arith.constant 0 : i32
      %dma_start3A_1421 = tpu.memref_slice %arg6[%dma_start3A_1407, %dma_start3A_1419, %dma_start3A_1420] : memref<4x168x128xf32, #tpu.memory_space<vmem>> -> memref<1x56x128xf32, #tpu.memory_space<vmem>>
      %dma_start3A_1422 = tpu.memref_squeeze %dma_start3A_1421 : memref<1x56x128xf32, #tpu.memory_space<vmem>> -> memref<56x128xf32, #tpu.memory_space<vmem>>
      tpu.enqueue_dma source(%dma_start3A_1422 : memref<56x128xf32, #tpu.memory_space<vmem>>) target(%dma_start3A_1418 : memref<56x128xf32, #tpu.memory_space<hbm>>) target_semaphore(%arg11 : memref<!tpu.dma_semaphore, #tpu.memory_space<semaphore_mem>>)
      %dma_start3A_1423 = arith.constant 2 : i32
      %dma_start3A_1424 = arith.constant 1 : i32
      %dma_start3A_1425 = arith.constant 56 : i32
      %dma_start3A_1426 = arith.constant 0 : i32
      %dma_start3A_1427 = tpu.memref_slice %arg6[%dma_start3A_1423, %dma_start3A_1425, %dma_start3A_1426] : memref<4x168x128xf32, #tpu.memory_space<vmem>> -> memref<1x56x128xf32, #tpu.memory_space<vmem>>
      %dma_start3A_1428 = tpu.memref_squeeze %dma_start3A_1427 : memref<1x56x128xf32, #tpu.memory_space<vmem>> -> memref<56x128xf32, #tpu.memory_space<vmem>>
      %dma_start3A_1429 = arith.constant 0 : i32
      %dma_start3A_1430 = tpu.memref_slice %arg4[%dma_start3A_1424, %multiple_of3A_1406, %dma_start3A_1429] : memref<3x100352x128xf32, #tpu.memory_space<hbm>> -> memref<1x56x128xf32, #tpu.memory_space<hbm>>
      %dma_start3A_1431 = tpu.memref_squeeze %dma_start3A_1430 : memref<1x56x128xf32, #tpu.memory_space<hbm>> -> memref<56x128xf32, #tpu.memory_space<hbm>>
      %dma_start3A_1432 = arith.constant 0 : i32
      %dma_start3A_1433 = tpu.memref_slice %arg4[%dma_start3A_1424, %multiple_of3A_1406, %dma_start3A_1432] : memref<3x100352x128xf32, #tpu.memory_space<hbm>> -> memref<1x56x128xf32, #tpu.memory_space<hbm>>
      %dma_start3A_1434 = tpu.memref_squeeze %dma_start3A_1433 : memref<1x56x128xf32, #tpu.memory_space<hbm>> -> memref<56x128xf32, #tpu.memory_space<hbm>>
      %dma_start3A_1435 = arith.constant 56 : i32
      %dma_start3A_1436 = arith.constant 0 : i32
      %dma_start3A_1437 = tpu.memref_slice %arg6[%dma_start3A_1423, %dma_start3A_1435, %dma_start3A_1436] : memref<4x168x128xf32, #tpu.memory_space<vmem>> -> memref<1x56x128xf32, #tpu.memory_space<vmem>>
      %dma_start3A_1438 = tpu.memref_squeeze %dma_start3A_1437 : memref<1x56x128xf32, #tpu.memory_space<vmem>> -> memref<56x128xf32, #tpu.memory_space<vmem>>
      tpu.enqueue_dma source(%dma_start3A_1438 : memref<56x128xf32, #tpu.memory_space<vmem>>) target(%dma_start3A_1434 : memref<56x128xf32, #tpu.memory_space<hbm>>) target_semaphore(%arg11 : memref<!tpu.dma_semaphore, #tpu.memory_space<semaphore_mem>>)
      %dma_start3A_1439 = arith.constant 2 : i32
      %dma_start3A_1440 = arith.constant 2 : i32
      %dma_start3A_1441 = arith.constant 112 : i32
      %dma_start3A_1442 = arith.constant 0 : i32
      %dma_start3A_1443 = tpu.memref_slice %arg6[%dma_start3A_1439, %dma_start3A_1441, %dma_start3A_1442] : memref<4x168x128xf32, #tpu.memory_space<vmem>> -> memref<1x56x128xf32, #tpu.memory_space<vmem>>
      %dma_start3A_1444 = tpu.memref_squeeze %dma_start3A_1443 : memref<1x56x128xf32, #tpu.memory_space<vmem>> -> memref<56x128xf32, #tpu.memory_space<vmem>>
      %dma_start3A_1445 = arith.constant 0 : i32
      %dma_start3A_1446 = tpu.memref_slice %arg4[%dma_start3A_1440, %multiple_of3A_1406, %dma_start3A_1445] : memref<3x100352x128xf32, #tpu.memory_space<hbm>> -> memref<1x56x128xf32, #tpu.memory_space<hbm>>
      %dma_start3A_1447 = tpu.memref_squeeze %dma_start3A_1446 : memref<1x56x128xf32, #tpu.memory_space<hbm>> -> memref<56x128xf32, #tpu.memory_space<hbm>>
      %dma_start3A_1448 = arith.constant 0 : i32
      %dma_start3A_1449 = tpu.memref_slice %arg4[%dma_start3A_1440, %multiple_of3A_1406, %dma_start3A_1448] : memref<3x100352x128xf32, #tpu.memory_space<hbm>> -> memref<1x56x128xf32, #tpu.memory_space<hbm>>
      %dma_start3A_1450 = tpu.memref_squeeze %dma_start3A_1449 : memref<1x56x128xf32, #tpu.memory_space<hbm>> -> memref<56x128xf32, #tpu.memory_space<hbm>>
      %dma_start3A_1451 = arith.constant 112 : i32
      %dma_start3A_1452 = arith.constant 0 : i32
      %dma_start3A_1453 = tpu.memref_slice %arg6[%dma_start3A_1439, %dma_start3A_1451, %dma_start3A_1452] : memref<4x168x128xf32, #tpu.memory_space<vmem>> -> memref<1x56x128xf32, #tpu.memory_space<vmem>>
      %dma_start3A_1454 = tpu.memref_squeeze %dma_start3A_1453 : memref<1x56x128xf32, #tpu.memory_space<vmem>> -> memref<56x128xf32, #tpu.memory_space<vmem>>
      tpu.enqueue_dma source(%dma_start3A_1454 : memref<56x128xf32, #tpu.memory_space<vmem>>) target(%dma_start3A_1450 : memref<56x128xf32, #tpu.memory_space<hbm>>) target_semaphore(%arg11 : memref<!tpu.dma_semaphore, #tpu.memory_space<semaphore_mem>>)
      %mul3A_1455 = arith.constant 4 : i32
      %mul3A_1456 = arith.muli %mul3A_1455, %add3A_851 : i32
      %add3A_1457 = arith.constant 3 : i32
      %add3A_1458 = arith.addi %mul3A_1456, %add3A_1457 : i32
      %mul3A_1459 = arith.constant 3 : i32
      %mul3A_1460 = arith.muli %mul3A_1459, %add3A_1458 : i32
      %add3A_1461 = arith.constant 0 : i32
      %add3A_1462 = arith.addi %mul3A_1460, %add3A_1461 : i32
      %mul3A_1463 = arith.constant 3 : i32
      %mul3A_1464 = arith.muli %mul3A_1463, %add3A_1458 : i32
      %add3A_1465 = arith.constant 1 : i32
      %add3A_1466 = arith.addi %mul3A_1464, %add3A_1465 : i32
      %mul3A_1467 = arith.constant 3 : i32
      %mul3A_1468 = arith.muli %mul3A_1467, %add3A_1458 : i32
      %add3A_1469 = arith.constant 2 : i32
      %add3A_1470 = arith.addi %mul3A_1468, %add3A_1469 : i32
      %dma_wait3A_1471 = arith.constant 3 : i32
      %dma_wait3A_1472 = arith.constant 0 : i32
      %dma_wait3A_1473 = arith.constant 0 : i32
      %dma_wait3A_1474 = tpu.memref_slice %arg6[%dma_wait3A_1471, %dma_wait3A_1472, %dma_wait3A_1473] : memref<4x168x128xf32, #tpu.memory_space<vmem>> -> memref<1x56x128xf32, #tpu.memory_space<vmem>>
      %dma_wait3A_1475 = tpu.memref_squeeze %dma_wait3A_1474 : memref<1x56x128xf32, #tpu.memory_space<vmem>> -> memref<56x128xf32, #tpu.memory_space<vmem>>
      %dma_wait3A_1476 = arith.constant 0 : i32
      %dma_wait3A_1477 = tpu.memref_slice %arg5[%add3A_1462, %dma_wait3A_1476] : memref<174x56xi32, #tpu.memory_space<vmem>> -> memref<1x56xi32, #tpu.memory_space<vmem>>
      %dma_wait3A_1478 = tpu.memref_squeeze %dma_wait3A_1477 : memref<1x56xi32, #tpu.memory_space<vmem>> -> memref<56xi32, #tpu.memory_space<vmem>>
      %dma_wait3A_1479 = arith.constant 0 : i32
      %dma_wait3A_1480 = arith.constant 0 : i32
      %dma_wait3A_1481 = tpu.memref_slice %arg7[%dma_wait3A_1479, %dma_wait3A_1480] : memref<1674x128xf32, #tpu.memory_space<vmem_shared>> -> memref<1674x128xf32, #tpu.memory_space<vmem_shared>>
      tpu.wait_indirect_dma semaphore(%arg8 : memref<!tpu.dma_semaphore, #tpu.memory_space<semaphore_mem>>) src(%dma_wait3A_1481 : memref<1674x128xf32, #tpu.memory_space<vmem_shared>>) dst(%dma_wait3A_1475 : memref<56x128xf32, #tpu.memory_space<vmem>>)
      %dma_wait3A_1482 = arith.constant 3 : i32
      %dma_wait3A_1483 = arith.constant 56 : i32
      %dma_wait3A_1484 = arith.constant 0 : i32
      %dma_wait3A_1485 = tpu.memref_slice %arg6[%dma_wait3A_1482, %dma_wait3A_1483, %dma_wait3A_1484] : memref<4x168x128xf32, #tpu.memory_space<vmem>> -> memref<1x56x128xf32, #tpu.memory_space<vmem>>
      %dma_wait3A_1486 = tpu.memref_squeeze %dma_wait3A_1485 : memref<1x56x128xf32, #tpu.memory_space<vmem>> -> memref<56x128xf32, #tpu.memory_space<vmem>>
      %dma_wait3A_1487 = arith.constant 0 : i32
      %dma_wait3A_1488 = tpu.memref_slice %arg5[%add3A_1466, %dma_wait3A_1487] : memref<174x56xi32, #tpu.memory_space<vmem>> -> memref<1x56xi32, #tpu.memory_space<vmem>>
      %dma_wait3A_1489 = tpu.memref_squeeze %dma_wait3A_1488 : memref<1x56xi32, #tpu.memory_space<vmem>> -> memref<56xi32, #tpu.memory_space<vmem>>
      %dma_wait3A_1490 = arith.constant 0 : i32
      %dma_wait3A_1491 = arith.constant 0 : i32
      %dma_wait3A_1492 = tpu.memref_slice %arg7[%dma_wait3A_1490, %dma_wait3A_1491] : memref<1674x128xf32, #tpu.memory_space<vmem_shared>> -> memref<1674x128xf32, #tpu.memory_space<vmem_shared>>
      tpu.wait_indirect_dma semaphore(%arg8 : memref<!tpu.dma_semaphore, #tpu.memory_space<semaphore_mem>>) src(%dma_wait3A_1492 : memref<1674x128xf32, #tpu.memory_space<vmem_shared>>) dst(%dma_wait3A_1486 : memref<56x128xf32, #tpu.memory_space<vmem>>)
      %dma_wait3A_1493 = arith.constant 3 : i32
      %dma_wait3A_1494 = arith.constant 112 : i32
      %dma_wait3A_1495 = arith.constant 0 : i32
      %dma_wait3A_1496 = tpu.memref_slice %arg6[%dma_wait3A_1493, %dma_wait3A_1494, %dma_wait3A_1495] : memref<4x168x128xf32, #tpu.memory_space<vmem>> -> memref<1x56x128xf32, #tpu.memory_space<vmem>>
      %dma_wait3A_1497 = tpu.memref_squeeze %dma_wait3A_1496 : memref<1x56x128xf32, #tpu.memory_space<vmem>> -> memref<56x128xf32, #tpu.memory_space<vmem>>
      %dma_wait3A_1498 = arith.constant 0 : i32
      %dma_wait3A_1499 = tpu.memref_slice %arg5[%add3A_1470, %dma_wait3A_1498] : memref<174x56xi32, #tpu.memory_space<vmem>> -> memref<1x56xi32, #tpu.memory_space<vmem>>
      %dma_wait3A_1500 = tpu.memref_squeeze %dma_wait3A_1499 : memref<1x56xi32, #tpu.memory_space<vmem>> -> memref<56xi32, #tpu.memory_space<vmem>>
      %dma_wait3A_1501 = arith.constant 0 : i32
      %dma_wait3A_1502 = arith.constant 0 : i32
      %dma_wait3A_1503 = tpu.memref_slice %arg7[%dma_wait3A_1501, %dma_wait3A_1502] : memref<1674x128xf32, #tpu.memory_space<vmem_shared>> -> memref<1674x128xf32, #tpu.memory_space<vmem_shared>>
      tpu.wait_indirect_dma semaphore(%arg8 : memref<!tpu.dma_semaphore, #tpu.memory_space<semaphore_mem>>) src(%dma_wait3A_1503 : memref<1674x128xf32, #tpu.memory_space<vmem_shared>>) dst(%dma_wait3A_1497 : memref<56x128xf32, #tpu.memory_space<vmem>>)
      %sub3A_1504 = arith.constant 2 : i32
      %sub3A_1505 = arith.subi %add3A_1458, %sub3A_1504 : i32
      %mul3A_1506 = arith.constant 56 : i32
      %mul3A_1507 = arith.muli %sub3A_1505, %mul3A_1506 : i32
      %add3A_1508 = arith.addi %multiple_of3A, %mul3A_1507 : i32
      %multiple_of3A_1509 = tpu.assume_multiple %add3A_1508, 56 : i32
      %dma_wait3A_1510 = arith.constant 1 : i32
      %dma_wait3A_1511 = arith.constant 0 : i32
      %dma_wait3A_1512 = arith.constant 0 : i32
      %dma_wait3A_1513 = arith.constant 0 : i32
      %dma_wait3A_1514 = tpu.memref_slice %arg6[%dma_wait3A_1510, %dma_wait3A_1512, %dma_wait3A_1513] : memref<4x168x128xf32, #tpu.memory_space<vmem>> -> memref<1x56x128xf32, #tpu.memory_space<vmem>>
      %dma_wait3A_1515 = tpu.memref_squeeze %dma_wait3A_1514 : memref<1x56x128xf32, #tpu.memory_space<vmem>> -> memref<56x128xf32, #tpu.memory_space<vmem>>
      %dma_wait3A_1516 = arith.constant 0 : i32
      %dma_wait3A_1517 = tpu.memref_slice %arg4[%dma_wait3A_1511, %multiple_of3A_1509, %dma_wait3A_1516] : memref<3x100352x128xf32, #tpu.memory_space<hbm>> -> memref<1x56x128xf32, #tpu.memory_space<hbm>>
      %dma_wait3A_1518 = tpu.memref_squeeze %dma_wait3A_1517 : memref<1x56x128xf32, #tpu.memory_space<hbm>> -> memref<56x128xf32, #tpu.memory_space<hbm>>
      %dma_wait3A_1519 = arith.constant 0 : i32
      %dma_wait3A_1520 = tpu.memref_slice %arg4[%dma_wait3A_1511, %multiple_of3A_1509, %dma_wait3A_1519] : memref<3x100352x128xf32, #tpu.memory_space<hbm>> -> memref<1x56x128xf32, #tpu.memory_space<hbm>>
      %dma_wait3A_1521 = tpu.memref_squeeze %dma_wait3A_1520 : memref<1x56x128xf32, #tpu.memory_space<hbm>> -> memref<56x128xf32, #tpu.memory_space<hbm>>
      %dma_wait3A_1522 = arith.constant 0 : i32
      %dma_wait3A_1523 = arith.constant 0 : i32
      %dma_wait3A_1524 = tpu.memref_slice %arg6[%dma_wait3A_1510, %dma_wait3A_1522, %dma_wait3A_1523] : memref<4x168x128xf32, #tpu.memory_space<vmem>> -> memref<1x56x128xf32, #tpu.memory_space<vmem>>
      %dma_wait3A_1525 = tpu.memref_squeeze %dma_wait3A_1524 : memref<1x56x128xf32, #tpu.memory_space<vmem>> -> memref<56x128xf32, #tpu.memory_space<vmem>>
      tpu.wait_dma2 semaphore(%arg10 : memref<!tpu.dma_semaphore, #tpu.memory_space<semaphore_mem>>) src(%dma_wait3A_1525 : memref<56x128xf32, #tpu.memory_space<vmem>>) dst(%dma_wait3A_1521 : memref<56x128xf32, #tpu.memory_space<hbm>>)
      %dma_wait3A_1526 = arith.constant 1 : i32
      %dma_wait3A_1527 = arith.constant 1 : i32
      %dma_wait3A_1528 = arith.constant 56 : i32
      %dma_wait3A_1529 = arith.constant 0 : i32
      %dma_wait3A_1530 = tpu.memref_slice %arg6[%dma_wait3A_1526, %dma_wait3A_1528, %dma_wait3A_1529] : memref<4x168x128xf32, #tpu.memory_space<vmem>> -> memref<1x56x128xf32, #tpu.memory_space<vmem>>
      %dma_wait3A_1531 = tpu.memref_squeeze %dma_wait3A_1530 : memref<1x56x128xf32, #tpu.memory_space<vmem>> -> memref<56x128xf32, #tpu.memory_space<vmem>>
      %dma_wait3A_1532 = arith.constant 0 : i32
      %dma_wait3A_1533 = tpu.memref_slice %arg4[%dma_wait3A_1527, %multiple_of3A_1509, %dma_wait3A_1532] : memref<3x100352x128xf32, #tpu.memory_space<hbm>> -> memref<1x56x128xf32, #tpu.memory_space<hbm>>
      %dma_wait3A_1534 = tpu.memref_squeeze %dma_wait3A_1533 : memref<1x56x128xf32, #tpu.memory_space<hbm>> -> memref<56x128xf32, #tpu.memory_space<hbm>>
      %dma_wait3A_1535 = arith.constant 0 : i32
      %dma_wait3A_1536 = tpu.memref_slice %arg4[%dma_wait3A_1527, %multiple_of3A_1509, %dma_wait3A_1535] : memref<3x100352x128xf32, #tpu.memory_space<hbm>> -> memref<1x56x128xf32, #tpu.memory_space<hbm>>
      %dma_wait3A_1537 = tpu.memref_squeeze %dma_wait3A_1536 : memref<1x56x128xf32, #tpu.memory_space<hbm>> -> memref<56x128xf32, #tpu.memory_space<hbm>>
      %dma_wait3A_1538 = arith.constant 56 : i32
      %dma_wait3A_1539 = arith.constant 0 : i32
      %dma_wait3A_1540 = tpu.memref_slice %arg6[%dma_wait3A_1526, %dma_wait3A_1538, %dma_wait3A_1539] : memref<4x168x128xf32, #tpu.memory_space<vmem>> -> memref<1x56x128xf32, #tpu.memory_space<vmem>>
      %dma_wait3A_1541 = tpu.memref_squeeze %dma_wait3A_1540 : memref<1x56x128xf32, #tpu.memory_space<vmem>> -> memref<56x128xf32, #tpu.memory_space<vmem>>
      tpu.wait_dma2 semaphore(%arg10 : memref<!tpu.dma_semaphore, #tpu.memory_space<semaphore_mem>>) src(%dma_wait3A_1541 : memref<56x128xf32, #tpu.memory_space<vmem>>) dst(%dma_wait3A_1537 : memref<56x128xf32, #tpu.memory_space<hbm>>)
      %dma_wait3A_1542 = arith.constant 1 : i32
      %dma_wait3A_1543 = arith.constant 2 : i32
      %dma_wait3A_1544 = arith.constant 112 : i32
      %dma_wait3A_1545 = arith.constant 0 : i32
      %dma_wait3A_1546 = tpu.memref_slice %arg6[%dma_wait3A_1542, %dma_wait3A_1544, %dma_wait3A_1545] : memref<4x168x128xf32, #tpu.memory_space<vmem>> -> memref<1x56x128xf32, #tpu.memory_space<vmem>>
      %dma_wait3A_1547 = tpu.memref_squeeze %dma_wait3A_1546 : memref<1x56x128xf32, #tpu.memory_space<vmem>> -> memref<56x128xf32, #tpu.memory_space<vmem>>
      %dma_wait3A_1548 = arith.constant 0 : i32
      %dma_wait3A_1549 = tpu.memref_slice %arg4[%dma_wait3A_1543, %multiple_of3A_1509, %dma_wait3A_1548] : memref<3x100352x128xf32, #tpu.memory_space<hbm>> -> memref<1x56x128xf32, #tpu.memory_space<hbm>>
      %dma_wait3A_1550 = tpu.memref_squeeze %dma_wait3A_1549 : memref<1x56x128xf32, #tpu.memory_space<hbm>> -> memref<56x128xf32, #tpu.memory_space<hbm>>
      %dma_wait3A_1551 = arith.constant 0 : i32
      %dma_wait3A_1552 = tpu.memref_slice %arg4[%dma_wait3A_1543, %multiple_of3A_1509, %dma_wait3A_1551] : memref<3x100352x128xf32, #tpu.memory_space<hbm>> -> memref<1x56x128xf32, #tpu.memory_space<hbm>>
      %dma_wait3A_1553 = tpu.memref_squeeze %dma_wait3A_1552 : memref<1x56x128xf32, #tpu.memory_space<hbm>> -> memref<56x128xf32, #tpu.memory_space<hbm>>
      %dma_wait3A_1554 = arith.constant 112 : i32
      %dma_wait3A_1555 = arith.constant 0 : i32
      %dma_wait3A_1556 = tpu.memref_slice %arg6[%dma_wait3A_1542, %dma_wait3A_1554, %dma_wait3A_1555] : memref<4x168x128xf32, #tpu.memory_space<vmem>> -> memref<1x56x128xf32, #tpu.memory_space<vmem>>
      %dma_wait3A_1557 = tpu.memref_squeeze %dma_wait3A_1556 : memref<1x56x128xf32, #tpu.memory_space<vmem>> -> memref<56x128xf32, #tpu.memory_space<vmem>>
      tpu.wait_dma2 semaphore(%arg10 : memref<!tpu.dma_semaphore, #tpu.memory_space<semaphore_mem>>) src(%dma_wait3A_1557 : memref<56x128xf32, #tpu.memory_space<vmem>>) dst(%dma_wait3A_1553 : memref<56x128xf32, #tpu.memory_space<hbm>>)
      %add3A_1558 = arith.constant 2 : i32
      %add3A_1559 = arith.addi %add3A_1458, %add3A_1558 : i32
      %mul3A_1560 = arith.constant 3 : i32
      %mul3A_1561 = arith.muli %mul3A_1560, %add3A_1559 : i32
      %add3A_1562 = arith.constant 0 : i32
      %add3A_1563 = arith.addi %mul3A_1561, %add3A_1562 : i32
      %mul3A_1564 = arith.constant 3 : i32
      %mul3A_1565 = arith.muli %mul3A_1564, %add3A_1559 : i32
      %add3A_1566 = arith.constant 1 : i32
      %add3A_1567 = arith.addi %mul3A_1565, %add3A_1566 : i32
      %mul3A_1568 = arith.constant 3 : i32
      %mul3A_1569 = arith.muli %mul3A_1568, %add3A_1559 : i32
      %add3A_1570 = arith.constant 2 : i32
      %add3A_1571 = arith.addi %mul3A_1569, %add3A_1570 : i32
      %dma_start3A_1572 = arith.constant 1 : i32
      %dma_start3A_1573 = arith.constant 0 : i32
      %dma_start3A_1574 = arith.constant 0 : i32
      %dma_start3A_1575 = tpu.memref_slice %arg6[%dma_start3A_1572, %dma_start3A_1573, %dma_start3A_1574] : memref<4x168x128xf32, #tpu.memory_space<vmem>> -> memref<1x56x128xf32, #tpu.memory_space<vmem>>
      %dma_start3A_1576 = tpu.memref_squeeze %dma_start3A_1575 : memref<1x56x128xf32, #tpu.memory_space<vmem>> -> memref<56x128xf32, #tpu.memory_space<vmem>>
      %dma_start3A_1577 = arith.constant 0 : i32
      %dma_start3A_1578 = tpu.memref_slice %arg5[%add3A_1563, %dma_start3A_1577] : memref<174x56xi32, #tpu.memory_space<vmem>> -> memref<1x56xi32, #tpu.memory_space<vmem>>
      %dma_start3A_1579 = tpu.memref_squeeze %dma_start3A_1578 : memref<1x56xi32, #tpu.memory_space<vmem>> -> memref<56xi32, #tpu.memory_space<vmem>>
      %dma_start3A_1580 = arith.constant 0 : i32
      %dma_start3A_1581 = arith.constant 0 : i32
      %dma_start3A_1582 = tpu.memref_slice %arg7[%dma_start3A_1580, %dma_start3A_1581] : memref<1674x128xf32, #tpu.memory_space<vmem_shared>> -> memref<1674x128xf32, #tpu.memory_space<vmem_shared>>
      tpu.enqueue_indirect_dma source(%dma_start3A_1582 : memref<1674x128xf32, #tpu.memory_space<vmem_shared>>) target(%dma_start3A_1576 : memref<56x128xf32, #tpu.memory_space<vmem>>) offsets(%dma_start3A_1579 : memref<56xi32, #tpu.memory_space<vmem>>) semaphore(%arg8 : memref<!tpu.dma_semaphore, #tpu.memory_space<semaphore_mem>>)
      %dma_start3A_1583 = arith.constant 1 : i32
      %dma_start3A_1584 = arith.constant 56 : i32
      %dma_start3A_1585 = arith.constant 0 : i32
      %dma_start3A_1586 = tpu.memref_slice %arg6[%dma_start3A_1583, %dma_start3A_1584, %dma_start3A_1585] : memref<4x168x128xf32, #tpu.memory_space<vmem>> -> memref<1x56x128xf32, #tpu.memory_space<vmem>>
      %dma_start3A_1587 = tpu.memref_squeeze %dma_start3A_1586 : memref<1x56x128xf32, #tpu.memory_space<vmem>> -> memref<56x128xf32, #tpu.memory_space<vmem>>
      %dma_start3A_1588 = arith.constant 0 : i32
      %dma_start3A_1589 = tpu.memref_slice %arg5[%add3A_1567, %dma_start3A_1588] : memref<174x56xi32, #tpu.memory_space<vmem>> -> memref<1x56xi32, #tpu.memory_space<vmem>>
      %dma_start3A_1590 = tpu.memref_squeeze %dma_start3A_1589 : memref<1x56xi32, #tpu.memory_space<vmem>> -> memref<56xi32, #tpu.memory_space<vmem>>
      %dma_start3A_1591 = arith.constant 0 : i32
      %dma_start3A_1592 = arith.constant 0 : i32
      %dma_start3A_1593 = tpu.memref_slice %arg7[%dma_start3A_1591, %dma_start3A_1592] : memref<1674x128xf32, #tpu.memory_space<vmem_shared>> -> memref<1674x128xf32, #tpu.memory_space<vmem_shared>>
      tpu.enqueue_indirect_dma source(%dma_start3A_1593 : memref<1674x128xf32, #tpu.memory_space<vmem_shared>>) target(%dma_start3A_1587 : memref<56x128xf32, #tpu.memory_space<vmem>>) offsets(%dma_start3A_1590 : memref<56xi32, #tpu.memory_space<vmem>>) semaphore(%arg8 : memref<!tpu.dma_semaphore, #tpu.memory_space<semaphore_mem>>)
      %dma_start3A_1594 = arith.constant 1 : i32
      %dma_start3A_1595 = arith.constant 112 : i32
      %dma_start3A_1596 = arith.constant 0 : i32
      %dma_start3A_1597 = tpu.memref_slice %arg6[%dma_start3A_1594, %dma_start3A_1595, %dma_start3A_1596] : memref<4x168x128xf32, #tpu.memory_space<vmem>> -> memref<1x56x128xf32, #tpu.memory_space<vmem>>
      %dma_start3A_1598 = tpu.memref_squeeze %dma_start3A_1597 : memref<1x56x128xf32, #tpu.memory_space<vmem>> -> memref<56x128xf32, #tpu.memory_space<vmem>>
      %dma_start3A_1599 = arith.constant 0 : i32
      %dma_start3A_1600 = tpu.memref_slice %arg5[%add3A_1571, %dma_start3A_1599] : memref<174x56xi32, #tpu.memory_space<vmem>> -> memref<1x56xi32, #tpu.memory_space<vmem>>
      %dma_start3A_1601 = tpu.memref_squeeze %dma_start3A_1600 : memref<1x56xi32, #tpu.memory_space<vmem>> -> memref<56xi32, #tpu.memory_space<vmem>>
      %dma_start3A_1602 = arith.constant 0 : i32
      %dma_start3A_1603 = arith.constant 0 : i32
      %dma_start3A_1604 = tpu.memref_slice %arg7[%dma_start3A_1602, %dma_start3A_1603] : memref<1674x128xf32, #tpu.memory_space<vmem_shared>> -> memref<1674x128xf32, #tpu.memory_space<vmem_shared>>
      tpu.enqueue_indirect_dma source(%dma_start3A_1604 : memref<1674x128xf32, #tpu.memory_space<vmem_shared>>) target(%dma_start3A_1598 : memref<56x128xf32, #tpu.memory_space<vmem>>) offsets(%dma_start3A_1601 : memref<56xi32, #tpu.memory_space<vmem>>) semaphore(%arg8 : memref<!tpu.dma_semaphore, #tpu.memory_space<semaphore_mem>>)
      %mul3A_1605 = arith.constant 56 : i32
      %mul3A_1606 = arith.muli %add3A_1458, %mul3A_1605 : i32
      %add3A_1607 = arith.addi %multiple_of3A, %mul3A_1606 : i32
      %multiple_of3A_1608 = tpu.assume_multiple %add3A_1607, 56 : i32
      %dma_start3A_1609 = arith.constant 3 : i32
      %dma_start3A_1610 = arith.constant 0 : i32
      %dma_start3A_1611 = arith.constant 0 : i32
      %dma_start3A_1612 = arith.constant 0 : i32
      %dma_start3A_1613 = tpu.memref_slice %arg6[%dma_start3A_1609, %dma_start3A_1611, %dma_start3A_1612] : memref<4x168x128xf32, #tpu.memory_space<vmem>> -> memref<1x56x128xf32, #tpu.memory_space<vmem>>
      %dma_start3A_1614 = tpu.memref_squeeze %dma_start3A_1613 : memref<1x56x128xf32, #tpu.memory_space<vmem>> -> memref<56x128xf32, #tpu.memory_space<vmem>>
      %dma_start3A_1615 = arith.constant 0 : i32
      %dma_start3A_1616 = tpu.memref_slice %arg4[%dma_start3A_1610, %multiple_of3A_1608, %dma_start3A_1615] : memref<3x100352x128xf32, #tpu.memory_space<hbm>> -> memref<1x56x128xf32, #tpu.memory_space<hbm>>
      %dma_start3A_1617 = tpu.memref_squeeze %dma_start3A_1616 : memref<1x56x128xf32, #tpu.memory_space<hbm>> -> memref<56x128xf32, #tpu.memory_space<hbm>>
      %dma_start3A_1618 = arith.constant 0 : i32
      %dma_start3A_1619 = tpu.memref_slice %arg4[%dma_start3A_1610, %multiple_of3A_1608, %dma_start3A_1618] : memref<3x100352x128xf32, #tpu.memory_space<hbm>> -> memref<1x56x128xf32, #tpu.memory_space<hbm>>
      %dma_start3A_1620 = tpu.memref_squeeze %dma_start3A_1619 : memref<1x56x128xf32, #tpu.memory_space<hbm>> -> memref<56x128xf32, #tpu.memory_space<hbm>>
      %dma_start3A_1621 = arith.constant 0 : i32
      %dma_start3A_1622 = arith.constant 0 : i32
      %dma_start3A_1623 = tpu.memref_slice %arg6[%dma_start3A_1609, %dma_start3A_1621, %dma_start3A_1622] : memref<4x168x128xf32, #tpu.memory_space<vmem>> -> memref<1x56x128xf32, #tpu.memory_space<vmem>>
      %dma_start3A_1624 = tpu.memref_squeeze %dma_start3A_1623 : memref<1x56x128xf32, #tpu.memory_space<vmem>> -> memref<56x128xf32, #tpu.memory_space<vmem>>
      tpu.enqueue_dma source(%dma_start3A_1624 : memref<56x128xf32, #tpu.memory_space<vmem>>) target(%dma_start3A_1620 : memref<56x128xf32, #tpu.memory_space<hbm>>) target_semaphore(%arg12 : memref<!tpu.dma_semaphore, #tpu.memory_space<semaphore_mem>>)
      %dma_start3A_1625 = arith.constant 3 : i32
      %dma_start3A_1626 = arith.constant 1 : i32
      %dma_start3A_1627 = arith.constant 56 : i32
      %dma_start3A_1628 = arith.constant 0 : i32
      %dma_start3A_1629 = tpu.memref_slice %arg6[%dma_start3A_1625, %dma_start3A_1627, %dma_start3A_1628] : memref<4x168x128xf32, #tpu.memory_space<vmem>> -> memref<1x56x128xf32, #tpu.memory_space<vmem>>
      %dma_start3A_1630 = tpu.memref_squeeze %dma_start3A_1629 : memref<1x56x128xf32, #tpu.memory_space<vmem>> -> memref<56x128xf32, #tpu.memory_space<vmem>>
      %dma_start3A_1631 = arith.constant 0 : i32
      %dma_start3A_1632 = tpu.memref_slice %arg4[%dma_start3A_1626, %multiple_of3A_1608, %dma_start3A_1631] : memref<3x100352x128xf32, #tpu.memory_space<hbm>> -> memref<1x56x128xf32, #tpu.memory_space<hbm>>
      %dma_start3A_1633 = tpu.memref_squeeze %dma_start3A_1632 : memref<1x56x128xf32, #tpu.memory_space<hbm>> -> memref<56x128xf32, #tpu.memory_space<hbm>>
      %dma_start3A_1634 = arith.constant 0 : i32
      %dma_start3A_1635 = tpu.memref_slice %arg4[%dma_start3A_1626, %multiple_of3A_1608, %dma_start3A_1634] : memref<3x100352x128xf32, #tpu.memory_space<hbm>> -> memref<1x56x128xf32, #tpu.memory_space<hbm>>
      %dma_start3A_1636 = tpu.memref_squeeze %dma_start3A_1635 : memref<1x56x128xf32, #tpu.memory_space<hbm>> -> memref<56x128xf32, #tpu.memory_space<hbm>>
      %dma_start3A_1637 = arith.constant 56 : i32
      %dma_start3A_1638 = arith.constant 0 : i32
      %dma_start3A_1639 = tpu.memref_slice %arg6[%dma_start3A_1625, %dma_start3A_1637, %dma_start3A_1638] : memref<4x168x128xf32, #tpu.memory_space<vmem>> -> memref<1x56x128xf32, #tpu.memory_space<vmem>>
      %dma_start3A_1640 = tpu.memref_squeeze %dma_start3A_1639 : memref<1x56x128xf32, #tpu.memory_space<vmem>> -> memref<56x128xf32, #tpu.memory_space<vmem>>
      tpu.enqueue_dma source(%dma_start3A_1640 : memref<56x128xf32, #tpu.memory_space<vmem>>) target(%dma_start3A_1636 : memref<56x128xf32, #tpu.memory_space<hbm>>) target_semaphore(%arg12 : memref<!tpu.dma_semaphore, #tpu.memory_space<semaphore_mem>>)
      %dma_start3A_1641 = arith.constant 3 : i32
      %dma_start3A_1642 = arith.constant 2 : i32
      %dma_start3A_1643 = arith.constant 112 : i32
      %dma_start3A_1644 = arith.constant 0 : i32
      %dma_start3A_1645 = tpu.memref_slice %arg6[%dma_start3A_1641, %dma_start3A_1643, %dma_start3A_1644] : memref<4x168x128xf32, #tpu.memory_space<vmem>> -> memref<1x56x128xf32, #tpu.memory_space<vmem>>
      %dma_start3A_1646 = tpu.memref_squeeze %dma_start3A_1645 : memref<1x56x128xf32, #tpu.memory_space<vmem>> -> memref<56x128xf32, #tpu.memory_space<vmem>>
      %dma_start3A_1647 = arith.constant 0 : i32
      %dma_start3A_1648 = tpu.memref_slice %arg4[%dma_start3A_1642, %multiple_of3A_1608, %dma_start3A_1647] : memref<3x100352x128xf32, #tpu.memory_space<hbm>> -> memref<1x56x128xf32, #tpu.memory_space<hbm>>
      %dma_start3A_1649 = tpu.memref_squeeze %dma_start3A_1648 : memref<1x56x128xf32, #tpu.memory_space<hbm>> -> memref<56x128xf32, #tpu.memory_space<hbm>>
      %dma_start3A_1650 = arith.constant 0 : i32
      %dma_start3A_1651 = tpu.memref_slice %arg4[%dma_start3A_1642, %multiple_of3A_1608, %dma_start3A_1650] : memref<3x100352x128xf32, #tpu.memory_space<hbm>> -> memref<1x56x128xf32, #tpu.memory_space<hbm>>
      %dma_start3A_1652 = tpu.memref_squeeze %dma_start3A_1651 : memref<1x56x128xf32, #tpu.memory_space<hbm>> -> memref<56x128xf32, #tpu.memory_space<hbm>>
      %dma_start3A_1653 = arith.constant 112 : i32
      %dma_start3A_1654 = arith.constant 0 : i32
      %dma_start3A_1655 = tpu.memref_slice %arg6[%dma_start3A_1641, %dma_start3A_1653, %dma_start3A_1654] : memref<4x168x128xf32, #tpu.memory_space<vmem>> -> memref<1x56x128xf32, #tpu.memory_space<vmem>>
      %dma_start3A_1656 = tpu.memref_squeeze %dma_start3A_1655 : memref<1x56x128xf32, #tpu.memory_space<vmem>> -> memref<56x128xf32, #tpu.memory_space<vmem>>
      tpu.enqueue_dma source(%dma_start3A_1656 : memref<56x128xf32, #tpu.memory_space<vmem>>) target(%dma_start3A_1652 : memref<56x128xf32, #tpu.memory_space<hbm>>) target_semaphore(%arg12 : memref<!tpu.dma_semaphore, #tpu.memory_space<semaphore_mem>>)
    }
    %scan3A_672 = arith.constant 13 : i32
    %dma_wait3A_673 = arith.constant 168 : i32
    %dma_wait3A_674 = arith.constant 0 : i32
    %dma_wait3A_675 = arith.constant 0 : i32
    %dma_wait3A_676 = arith.constant 0 : i32
    %dma_wait3A_677 = tpu.memref_slice %arg6[%dma_wait3A_674, %dma_wait3A_675, %dma_wait3A_676] : memref<4x168x128xf32, #tpu.memory_space<vmem>> -> memref<1x56x128xf32, #tpu.memory_space<vmem>>
    %dma_wait3A_678 = tpu.memref_squeeze %dma_wait3A_677 : memref<1x56x128xf32, #tpu.memory_space<vmem>> -> memref<56x128xf32, #tpu.memory_space<vmem>>
    %dma_wait3A_679 = arith.constant 0 : i32
    %dma_wait3A_680 = tpu.memref_slice %arg5[%dma_wait3A_673, %dma_wait3A_679] : memref<174x56xi32, #tpu.memory_space<vmem>> -> memref<1x56xi32, #tpu.memory_space<vmem>>
    %dma_wait3A_681 = tpu.memref_squeeze %dma_wait3A_680 : memref<1x56xi32, #tpu.memory_space<vmem>> -> memref<56xi32, #tpu.memory_space<vmem>>
    %dma_wait3A_682 = arith.constant 0 : i32
    %dma_wait3A_683 = arith.constant 0 : i32
    %dma_wait3A_684 = tpu.memref_slice %arg7[%dma_wait3A_682, %dma_wait3A_683] : memref<1674x128xf32, #tpu.memory_space<vmem_shared>> -> memref<1674x128xf32, #tpu.memory_space<vmem_shared>>
    tpu.wait_indirect_dma semaphore(%arg8 : memref<!tpu.dma_semaphore, #tpu.memory_space<semaphore_mem>>) src(%dma_wait3A_684 : memref<1674x128xf32, #tpu.memory_space<vmem_shared>>) dst(%dma_wait3A_678 : memref<56x128xf32, #tpu.memory_space<vmem>>)
    %dma_wait3A_685 = arith.constant 169 : i32
    %dma_wait3A_686 = arith.constant 0 : i32
    %dma_wait3A_687 = arith.constant 56 : i32
    %dma_wait3A_688 = arith.constant 0 : i32
    %dma_wait3A_689 = tpu.memref_slice %arg6[%dma_wait3A_686, %dma_wait3A_687, %dma_wait3A_688] : memref<4x168x128xf32, #tpu.memory_space<vmem>> -> memref<1x56x128xf32, #tpu.memory_space<vmem>>
    %dma_wait3A_690 = tpu.memref_squeeze %dma_wait3A_689 : memref<1x56x128xf32, #tpu.memory_space<vmem>> -> memref<56x128xf32, #tpu.memory_space<vmem>>
    %dma_wait3A_691 = arith.constant 0 : i32
    %dma_wait3A_692 = tpu.memref_slice %arg5[%dma_wait3A_685, %dma_wait3A_691] : memref<174x56xi32, #tpu.memory_space<vmem>> -> memref<1x56xi32, #tpu.memory_space<vmem>>
    %dma_wait3A_693 = tpu.memref_squeeze %dma_wait3A_692 : memref<1x56xi32, #tpu.memory_space<vmem>> -> memref<56xi32, #tpu.memory_space<vmem>>
    %dma_wait3A_694 = arith.constant 0 : i32
    %dma_wait3A_695 = arith.constant 0 : i32
    %dma_wait3A_696 = tpu.memref_slice %arg7[%dma_wait3A_694, %dma_wait3A_695] : memref<1674x128xf32, #tpu.memory_space<vmem_shared>> -> memref<1674x128xf32, #tpu.memory_space<vmem_shared>>
    tpu.wait_indirect_dma semaphore(%arg8 : memref<!tpu.dma_semaphore, #tpu.memory_space<semaphore_mem>>) src(%dma_wait3A_696 : memref<1674x128xf32, #tpu.memory_space<vmem_shared>>) dst(%dma_wait3A_690 : memref<56x128xf32, #tpu.memory_space<vmem>>)
    %dma_wait3A_697 = arith.constant 170 : i32
    %dma_wait3A_698 = arith.constant 0 : i32
    %dma_wait3A_699 = arith.constant 112 : i32
    %dma_wait3A_700 = arith.constant 0 : i32
    %dma_wait3A_701 = tpu.memref_slice %arg6[%dma_wait3A_698, %dma_wait3A_699, %dma_wait3A_700] : memref<4x168x128xf32, #tpu.memory_space<vmem>> -> memref<1x56x128xf32, #tpu.memory_space<vmem>>
    %dma_wait3A_702 = tpu.memref_squeeze %dma_wait3A_701 : memref<1x56x128xf32, #tpu.memory_space<vmem>> -> memref<56x128xf32, #tpu.memory_space<vmem>>
    %dma_wait3A_703 = arith.constant 0 : i32
    %dma_wait3A_704 = tpu.memref_slice %arg5[%dma_wait3A_697, %dma_wait3A_703] : memref<174x56xi32, #tpu.memory_space<vmem>> -> memref<1x56xi32, #tpu.memory_space<vmem>>
    %dma_wait3A_705 = tpu.memref_squeeze %dma_wait3A_704 : memref<1x56xi32, #tpu.memory_space<vmem>> -> memref<56xi32, #tpu.memory_space<vmem>>
    %dma_wait3A_706 = arith.constant 0 : i32
    %dma_wait3A_707 = arith.constant 0 : i32
    %dma_wait3A_708 = tpu.memref_slice %arg7[%dma_wait3A_706, %dma_wait3A_707] : memref<1674x128xf32, #tpu.memory_space<vmem_shared>> -> memref<1674x128xf32, #tpu.memory_space<vmem_shared>>
    tpu.wait_indirect_dma semaphore(%arg8 : memref<!tpu.dma_semaphore, #tpu.memory_space<semaphore_mem>>) src(%dma_wait3A_708 : memref<1674x128xf32, #tpu.memory_space<vmem_shared>>) dst(%dma_wait3A_702 : memref<56x128xf32, #tpu.memory_space<vmem>>)
    %dma_wait3A_709 = arith.constant 171 : i32
    %dma_wait3A_710 = arith.constant 1 : i32
    %dma_wait3A_711 = arith.constant 0 : i32
    %dma_wait3A_712 = arith.constant 0 : i32
    %dma_wait3A_713 = tpu.memref_slice %arg6[%dma_wait3A_710, %dma_wait3A_711, %dma_wait3A_712] : memref<4x168x128xf32, #tpu.memory_space<vmem>> -> memref<1x56x128xf32, #tpu.memory_space<vmem>>
    %dma_wait3A_714 = tpu.memref_squeeze %dma_wait3A_713 : memref<1x56x128xf32, #tpu.memory_space<vmem>> -> memref<56x128xf32, #tpu.memory_space<vmem>>
    %dma_wait3A_715 = arith.constant 0 : i32
    %dma_wait3A_716 = tpu.memref_slice %arg5[%dma_wait3A_709, %dma_wait3A_715] : memref<174x56xi32, #tpu.memory_space<vmem>> -> memref<1x56xi32, #tpu.memory_space<vmem>>
    %dma_wait3A_717 = tpu.memref_squeeze %dma_wait3A_716 : memref<1x56xi32, #tpu.memory_space<vmem>> -> memref<56xi32, #tpu.memory_space<vmem>>
    %dma_wait3A_718 = arith.constant 0 : i32
    %dma_wait3A_719 = arith.constant 0 : i32
    %dma_wait3A_720 = tpu.memref_slice %arg7[%dma_wait3A_718, %dma_wait3A_719] : memref<1674x128xf32, #tpu.memory_space<vmem_shared>> -> memref<1674x128xf32, #tpu.memory_space<vmem_shared>>
    tpu.wait_indirect_dma semaphore(%arg8 : memref<!tpu.dma_semaphore, #tpu.memory_space<semaphore_mem>>) src(%dma_wait3A_720 : memref<1674x128xf32, #tpu.memory_space<vmem_shared>>) dst(%dma_wait3A_714 : memref<56x128xf32, #tpu.memory_space<vmem>>)
    %dma_wait3A_721 = arith.constant 172 : i32
    %dma_wait3A_722 = arith.constant 1 : i32
    %dma_wait3A_723 = arith.constant 56 : i32
    %dma_wait3A_724 = arith.constant 0 : i32
    %dma_wait3A_725 = tpu.memref_slice %arg6[%dma_wait3A_722, %dma_wait3A_723, %dma_wait3A_724] : memref<4x168x128xf32, #tpu.memory_space<vmem>> -> memref<1x56x128xf32, #tpu.memory_space<vmem>>
    %dma_wait3A_726 = tpu.memref_squeeze %dma_wait3A_725 : memref<1x56x128xf32, #tpu.memory_space<vmem>> -> memref<56x128xf32, #tpu.memory_space<vmem>>
    %dma_wait3A_727 = arith.constant 0 : i32
    %dma_wait3A_728 = tpu.memref_slice %arg5[%dma_wait3A_721, %dma_wait3A_727] : memref<174x56xi32, #tpu.memory_space<vmem>> -> memref<1x56xi32, #tpu.memory_space<vmem>>
    %dma_wait3A_729 = tpu.memref_squeeze %dma_wait3A_728 : memref<1x56xi32, #tpu.memory_space<vmem>> -> memref<56xi32, #tpu.memory_space<vmem>>
    %dma_wait3A_730 = arith.constant 0 : i32
    %dma_wait3A_731 = arith.constant 0 : i32
    %dma_wait3A_732 = tpu.memref_slice %arg7[%dma_wait3A_730, %dma_wait3A_731] : memref<1674x128xf32, #tpu.memory_space<vmem_shared>> -> memref<1674x128xf32, #tpu.memory_space<vmem_shared>>
    tpu.wait_indirect_dma semaphore(%arg8 : memref<!tpu.dma_semaphore, #tpu.memory_space<semaphore_mem>>) src(%dma_wait3A_732 : memref<1674x128xf32, #tpu.memory_space<vmem_shared>>) dst(%dma_wait3A_726 : memref<56x128xf32, #tpu.memory_space<vmem>>)
    %dma_wait3A_733 = arith.constant 173 : i32
    %dma_wait3A_734 = arith.constant 1 : i32
    %dma_wait3A_735 = arith.constant 112 : i32
    %dma_wait3A_736 = arith.constant 0 : i32
    %dma_wait3A_737 = tpu.memref_slice %arg6[%dma_wait3A_734, %dma_wait3A_735, %dma_wait3A_736] : memref<4x168x128xf32, #tpu.memory_space<vmem>> -> memref<1x56x128xf32, #tpu.memory_space<vmem>>
    %dma_wait3A_738 = tpu.memref_squeeze %dma_wait3A_737 : memref<1x56x128xf32, #tpu.memory_space<vmem>> -> memref<56x128xf32, #tpu.memory_space<vmem>>
    %dma_wait3A_739 = arith.constant 0 : i32
    %dma_wait3A_740 = tpu.memref_slice %arg5[%dma_wait3A_733, %dma_wait3A_739] : memref<174x56xi32, #tpu.memory_space<vmem>> -> memref<1x56xi32, #tpu.memory_space<vmem>>
    %dma_wait3A_741 = tpu.memref_squeeze %dma_wait3A_740 : memref<1x56xi32, #tpu.memory_space<vmem>> -> memref<56xi32, #tpu.memory_space<vmem>>
    %dma_wait3A_742 = arith.constant 0 : i32
    %dma_wait3A_743 = arith.constant 0 : i32
    %dma_wait3A_744 = tpu.memref_slice %arg7[%dma_wait3A_742, %dma_wait3A_743] : memref<1674x128xf32, #tpu.memory_space<vmem_shared>> -> memref<1674x128xf32, #tpu.memory_space<vmem_shared>>
    tpu.wait_indirect_dma semaphore(%arg8 : memref<!tpu.dma_semaphore, #tpu.memory_space<semaphore_mem>>) src(%dma_wait3A_744 : memref<1674x128xf32, #tpu.memory_space<vmem_shared>>) dst(%dma_wait3A_738 : memref<56x128xf32, #tpu.memory_space<vmem>>)
    %add3A_745 = arith.constant 3024 : i32
    %add3A_746 = arith.addi %multiple_of3A, %add3A_745 : i32
    %multiple_of3A_747 = tpu.assume_multiple %add3A_746, 56 : i32
    %dma_wait3A_748 = arith.constant 2 : i32
    %dma_wait3A_749 = arith.constant 0 : i32
    %dma_wait3A_750 = arith.constant 0 : i32
    %dma_wait3A_751 = arith.constant 0 : i32
    %dma_wait3A_752 = tpu.memref_slice %arg6[%dma_wait3A_748, %dma_wait3A_750, %dma_wait3A_751] : memref<4x168x128xf32, #tpu.memory_space<vmem>> -> memref<1x56x128xf32, #tpu.memory_space<vmem>>
    %dma_wait3A_753 = tpu.memref_squeeze %dma_wait3A_752 : memref<1x56x128xf32, #tpu.memory_space<vmem>> -> memref<56x128xf32, #tpu.memory_space<vmem>>
    %dma_wait3A_754 = arith.constant 0 : i32
    %dma_wait3A_755 = tpu.memref_slice %arg4[%dma_wait3A_749, %multiple_of3A_747, %dma_wait3A_754] : memref<3x100352x128xf32, #tpu.memory_space<hbm>> -> memref<1x56x128xf32, #tpu.memory_space<hbm>>
    %dma_wait3A_756 = tpu.memref_squeeze %dma_wait3A_755 : memref<1x56x128xf32, #tpu.memory_space<hbm>> -> memref<56x128xf32, #tpu.memory_space<hbm>>
    %dma_wait3A_757 = arith.constant 0 : i32
    %dma_wait3A_758 = tpu.memref_slice %arg4[%dma_wait3A_749, %multiple_of3A_747, %dma_wait3A_757] : memref<3x100352x128xf32, #tpu.memory_space<hbm>> -> memref<1x56x128xf32, #tpu.memory_space<hbm>>
    %dma_wait3A_759 = tpu.memref_squeeze %dma_wait3A_758 : memref<1x56x128xf32, #tpu.memory_space<hbm>> -> memref<56x128xf32, #tpu.memory_space<hbm>>
    %dma_wait3A_760 = arith.constant 0 : i32
    %dma_wait3A_761 = arith.constant 0 : i32
    %dma_wait3A_762 = tpu.memref_slice %arg6[%dma_wait3A_748, %dma_wait3A_760, %dma_wait3A_761] : memref<4x168x128xf32, #tpu.memory_space<vmem>> -> memref<1x56x128xf32, #tpu.memory_space<vmem>>
    %dma_wait3A_763 = tpu.memref_squeeze %dma_wait3A_762 : memref<1x56x128xf32, #tpu.memory_space<vmem>> -> memref<56x128xf32, #tpu.memory_space<vmem>>
    tpu.wait_dma2 semaphore(%arg11 : memref<!tpu.dma_semaphore, #tpu.memory_space<semaphore_mem>>) src(%dma_wait3A_763 : memref<56x128xf32, #tpu.memory_space<vmem>>) dst(%dma_wait3A_759 : memref<56x128xf32, #tpu.memory_space<hbm>>)
    %dma_wait3A_764 = arith.constant 2 : i32
    %dma_wait3A_765 = arith.constant 1 : i32
    %dma_wait3A_766 = arith.constant 56 : i32
    %dma_wait3A_767 = arith.constant 0 : i32
    %dma_wait3A_768 = tpu.memref_slice %arg6[%dma_wait3A_764, %dma_wait3A_766, %dma_wait3A_767] : memref<4x168x128xf32, #tpu.memory_space<vmem>> -> memref<1x56x128xf32, #tpu.memory_space<vmem>>
    %dma_wait3A_769 = tpu.memref_squeeze %dma_wait3A_768 : memref<1x56x128xf32, #tpu.memory_space<vmem>> -> memref<56x128xf32, #tpu.memory_space<vmem>>
    %dma_wait3A_770 = arith.constant 0 : i32
    %dma_wait3A_771 = tpu.memref_slice %arg4[%dma_wait3A_765, %multiple_of3A_747, %dma_wait3A_770] : memref<3x100352x128xf32, #tpu.memory_space<hbm>> -> memref<1x56x128xf32, #tpu.memory_space<hbm>>
    %dma_wait3A_772 = tpu.memref_squeeze %dma_wait3A_771 : memref<1x56x128xf32, #tpu.memory_space<hbm>> -> memref<56x128xf32, #tpu.memory_space<hbm>>
    %dma_wait3A_773 = arith.constant 0 : i32
    %dma_wait3A_774 = tpu.memref_slice %arg4[%dma_wait3A_765, %multiple_of3A_747, %dma_wait3A_773] : memref<3x100352x128xf32, #tpu.memory_space<hbm>> -> memref<1x56x128xf32, #tpu.memory_space<hbm>>
    %dma_wait3A_775 = tpu.memref_squeeze %dma_wait3A_774 : memref<1x56x128xf32, #tpu.memory_space<hbm>> -> memref<56x128xf32, #tpu.memory_space<hbm>>
    %dma_wait3A_776 = arith.constant 56 : i32
    %dma_wait3A_777 = arith.constant 0 : i32
    %dma_wait3A_778 = tpu.memref_slice %arg6[%dma_wait3A_764, %dma_wait3A_776, %dma_wait3A_777] : memref<4x168x128xf32, #tpu.memory_space<vmem>> -> memref<1x56x128xf32, #tpu.memory_space<vmem>>
    %dma_wait3A_779 = tpu.memref_squeeze %dma_wait3A_778 : memref<1x56x128xf32, #tpu.memory_space<vmem>> -> memref<56x128xf32, #tpu.memory_space<vmem>>
    tpu.wait_dma2 semaphore(%arg11 : memref<!tpu.dma_semaphore, #tpu.memory_space<semaphore_mem>>) src(%dma_wait3A_779 : memref<56x128xf32, #tpu.memory_space<vmem>>) dst(%dma_wait3A_775 : memref<56x128xf32, #tpu.memory_space<hbm>>)
    %dma_wait3A_780 = arith.constant 2 : i32
    %dma_wait3A_781 = arith.constant 2 : i32
    %dma_wait3A_782 = arith.constant 112 : i32
    %dma_wait3A_783 = arith.constant 0 : i32
    %dma_wait3A_784 = tpu.memref_slice %arg6[%dma_wait3A_780, %dma_wait3A_782, %dma_wait3A_783] : memref<4x168x128xf32, #tpu.memory_space<vmem>> -> memref<1x56x128xf32, #tpu.memory_space<vmem>>
    %dma_wait3A_785 = tpu.memref_squeeze %dma_wait3A_784 : memref<1x56x128xf32, #tpu.memory_space<vmem>> -> memref<56x128xf32, #tpu.memory_space<vmem>>
    %dma_wait3A_786 = arith.constant 0 : i32
    %dma_wait3A_787 = tpu.memref_slice %arg4[%dma_wait3A_781, %multiple_of3A_747, %dma_wait3A_786] : memref<3x100352x128xf32, #tpu.memory_space<hbm>> -> memref<1x56x128xf32, #tpu.memory_space<hbm>>
    %dma_wait3A_788 = tpu.memref_squeeze %dma_wait3A_787 : memref<1x56x128xf32, #tpu.memory_space<hbm>> -> memref<56x128xf32, #tpu.memory_space<hbm>>
    %dma_wait3A_789 = arith.constant 0 : i32
    %dma_wait3A_790 = tpu.memref_slice %arg4[%dma_wait3A_781, %multiple_of3A_747, %dma_wait3A_789] : memref<3x100352x128xf32, #tpu.memory_space<hbm>> -> memref<1x56x128xf32, #tpu.memory_space<hbm>>
    %dma_wait3A_791 = tpu.memref_squeeze %dma_wait3A_790 : memref<1x56x128xf32, #tpu.memory_space<hbm>> -> memref<56x128xf32, #tpu.memory_space<hbm>>
    %dma_wait3A_792 = arith.constant 112 : i32
    %dma_wait3A_793 = arith.constant 0 : i32
    %dma_wait3A_794 = tpu.memref_slice %arg6[%dma_wait3A_780, %dma_wait3A_792, %dma_wait3A_793] : memref<4x168x128xf32, #tpu.memory_space<vmem>> -> memref<1x56x128xf32, #tpu.memory_space<vmem>>
    %dma_wait3A_795 = tpu.memref_squeeze %dma_wait3A_794 : memref<1x56x128xf32, #tpu.memory_space<vmem>> -> memref<56x128xf32, #tpu.memory_space<vmem>>
    tpu.wait_dma2 semaphore(%arg11 : memref<!tpu.dma_semaphore, #tpu.memory_space<semaphore_mem>>) src(%dma_wait3A_795 : memref<56x128xf32, #tpu.memory_space<vmem>>) dst(%dma_wait3A_791 : memref<56x128xf32, #tpu.memory_space<hbm>>)
    %add3A_796 = arith.constant 3080 : i32
    %add3A_797 = arith.addi %multiple_of3A, %add3A_796 : i32
    %multiple_of3A_798 = tpu.assume_multiple %add3A_797, 56 : i32
    %dma_wait3A_799 = arith.constant 3 : i32
    %dma_wait3A_800 = arith.constant 0 : i32
    %dma_wait3A_801 = arith.constant 0 : i32
    %dma_wait3A_802 = arith.constant 0 : i32
    %dma_wait3A_803 = tpu.memref_slice %arg6[%dma_wait3A_799, %dma_wait3A_801, %dma_wait3A_802] : memref<4x168x128xf32, #tpu.memory_space<vmem>> -> memref<1x56x128xf32, #tpu.memory_space<vmem>>
    %dma_wait3A_804 = tpu.memref_squeeze %dma_wait3A_803 : memref<1x56x128xf32, #tpu.memory_space<vmem>> -> memref<56x128xf32, #tpu.memory_space<vmem>>
    %dma_wait3A_805 = arith.constant 0 : i32
    %dma_wait3A_806 = tpu.memref_slice %arg4[%dma_wait3A_800, %multiple_of3A_798, %dma_wait3A_805] : memref<3x100352x128xf32, #tpu.memory_space<hbm>> -> memref<1x56x128xf32, #tpu.memory_space<hbm>>
    %dma_wait3A_807 = tpu.memref_squeeze %dma_wait3A_806 : memref<1x56x128xf32, #tpu.memory_space<hbm>> -> memref<56x128xf32, #tpu.memory_space<hbm>>
    %dma_wait3A_808 = arith.constant 0 : i32
    %dma_wait3A_809 = tpu.memref_slice %arg4[%dma_wait3A_800, %multiple_of3A_798, %dma_wait3A_808] : memref<3x100352x128xf32, #tpu.memory_space<hbm>> -> memref<1x56x128xf32, #tpu.memory_space<hbm>>
    %dma_wait3A_810 = tpu.memref_squeeze %dma_wait3A_809 : memref<1x56x128xf32, #tpu.memory_space<hbm>> -> memref<56x128xf32, #tpu.memory_space<hbm>>
    %dma_wait3A_811 = arith.constant 0 : i32
    %dma_wait3A_812 = arith.constant 0 : i32
    %dma_wait3A_813 = tpu.memref_slice %arg6[%dma_wait3A_799, %dma_wait3A_811, %dma_wait3A_812] : memref<4x168x128xf32, #tpu.memory_space<vmem>> -> memref<1x56x128xf32, #tpu.memory_space<vmem>>
    %dma_wait3A_814 = tpu.memref_squeeze %dma_wait3A_813 : memref<1x56x128xf32, #tpu.memory_space<vmem>> -> memref<56x128xf32, #tpu.memory_space<vmem>>
    tpu.wait_dma2 semaphore(%arg12 : memref<!tpu.dma_semaphore, #tpu.memory_space<semaphore_mem>>) src(%dma_wait3A_814 : memref<56x128xf32, #tpu.memory_space<vmem>>) dst(%dma_wait3A_810 : memref<56x128xf32, #tpu.memory_space<hbm>>)
    %dma_wait3A_815 = arith.constant 3 : i32
    %dma_wait3A_816 = arith.constant 1 : i32
    %dma_wait3A_817 = arith.constant 56 : i32
    %dma_wait3A_818 = arith.constant 0 : i32
    %dma_wait3A_819 = tpu.memref_slice %arg6[%dma_wait3A_815, %dma_wait3A_817, %dma_wait3A_818] : memref<4x168x128xf32, #tpu.memory_space<vmem>> -> memref<1x56x128xf32, #tpu.memory_space<vmem>>
    %dma_wait3A_820 = tpu.memref_squeeze %dma_wait3A_819 : memref<1x56x128xf32, #tpu.memory_space<vmem>> -> memref<56x128xf32, #tpu.memory_space<vmem>>
    %dma_wait3A_821 = arith.constant 0 : i32
    %dma_wait3A_822 = tpu.memref_slice %arg4[%dma_wait3A_816, %multiple_of3A_798, %dma_wait3A_821] : memref<3x100352x128xf32, #tpu.memory_space<hbm>> -> memref<1x56x128xf32, #tpu.memory_space<hbm>>
    %dma_wait3A_823 = tpu.memref_squeeze %dma_wait3A_822 : memref<1x56x128xf32, #tpu.memory_space<hbm>> -> memref<56x128xf32, #tpu.memory_space<hbm>>
    %dma_wait3A_824 = arith.constant 0 : i32
    %dma_wait3A_825 = tpu.memref_slice %arg4[%dma_wait3A_816, %multiple_of3A_798, %dma_wait3A_824] : memref<3x100352x128xf32, #tpu.memory_space<hbm>> -> memref<1x56x128xf32, #tpu.memory_space<hbm>>
    %dma_wait3A_826 = tpu.memref_squeeze %dma_wait3A_825 : memref<1x56x128xf32, #tpu.memory_space<hbm>> -> memref<56x128xf32, #tpu.memory_space<hbm>>
    %dma_wait3A_827 = arith.constant 56 : i32
    %dma_wait3A_828 = arith.constant 0 : i32
    %dma_wait3A_829 = tpu.memref_slice %arg6[%dma_wait3A_815, %dma_wait3A_827, %dma_wait3A_828] : memref<4x168x128xf32, #tpu.memory_space<vmem>> -> memref<1x56x128xf32, #tpu.memory_space<vmem>>
    %dma_wait3A_830 = tpu.memref_squeeze %dma_wait3A_829 : memref<1x56x128xf32, #tpu.memory_space<vmem>> -> memref<56x128xf32, #tpu.memory_space<vmem>>
    tpu.wait_dma2 semaphore(%arg12 : memref<!tpu.dma_semaphore, #tpu.memory_space<semaphore_mem>>) src(%dma_wait3A_830 : memref<56x128xf32, #tpu.memory_space<vmem>>) dst(%dma_wait3A_826 : memref<56x128xf32, #tpu.memory_space<hbm>>)
    %dma_wait3A_831 = arith.constant 3 : i32
    %dma_wait3A_832 = arith.constant 2 : i32
    %dma_wait3A_833 = arith.constant 112 : i32
    %dma_wait3A_834 = arith.constant 0 : i32
    %dma_wait3A_835 = tpu.memref_slice %arg6[%dma_wait3A_831, %dma_wait3A_833, %dma_wait3A_834] : memref<4x168x128xf32, #tpu.memory_space<vmem>> -> memref<1x56x128xf32, #tpu.memory_space<vmem>>
    %dma_wait3A_836 = tpu.memref_squeeze %dma_wait3A_835 : memref<1x56x128xf32, #tpu.memory_space<vmem>> -> memref<56x128xf32, #tpu.memory_space<vmem>>
    %dma_wait3A_837 = arith.constant 0 : i32
    %dma_wait3A_838 = tpu.memref_slice %arg4[%dma_wait3A_832, %multiple_of3A_798, %dma_wait3A_837] : memref<3x100352x128xf32, #tpu.memory_space<hbm>> -> memref<1x56x128xf32, #tpu.memory_space<hbm>>
    %dma_wait3A_839 = tpu.memref_squeeze %dma_wait3A_838 : memref<1x56x128xf32, #tpu.memory_space<hbm>> -> memref<56x128xf32, #tpu.memory_space<hbm>>
    %dma_wait3A_840 = arith.constant 0 : i32
    %dma_wait3A_841 = tpu.memref_slice %arg4[%dma_wait3A_832, %multiple_of3A_798, %dma_wait3A_840] : memref<3x100352x128xf32, #tpu.memory_space<hbm>> -> memref<1x56x128xf32, #tpu.memory_space<hbm>>
    %dma_wait3A_842 = tpu.memref_squeeze %dma_wait3A_841 : memref<1x56x128xf32, #tpu.memory_space<hbm>> -> memref<56x128xf32, #tpu.memory_space<hbm>>
    %dma_wait3A_843 = arith.constant 112 : i32
    %dma_wait3A_844 = arith.constant 0 : i32
    %dma_wait3A_845 = tpu.memref_slice %arg6[%dma_wait3A_831, %dma_wait3A_843, %dma_wait3A_844] : memref<4x168x128xf32, #tpu.memory_space<vmem>> -> memref<1x56x128xf32, #tpu.memory_space<vmem>>
    %dma_wait3A_846 = tpu.memref_squeeze %dma_wait3A_845 : memref<1x56x128xf32, #tpu.memory_space<vmem>> -> memref<56x128xf32, #tpu.memory_space<vmem>>
    tpu.wait_dma2 semaphore(%arg12 : memref<!tpu.dma_semaphore, #tpu.memory_space<semaphore_mem>>) src(%dma_wait3A_846 : memref<56x128xf32, #tpu.memory_space<vmem>>) dst(%dma_wait3A_842 : memref<56x128xf32, #tpu.memory_space<hbm>>)
    return
  }
}

module attributes {stable_mosaic.version = 14 : i64} {
  func.func @_prep_body(%arg0: i32, %arg1: memref<10000x25xf32, #tpu.memory_space<vmem>>, %arg2: memref<25x3xf32, #tpu.memory_space<vmem>>, %arg3: memref<8x3xf32, #tpu.memory_space<vmem>>, %arg4: memref<10000x3xi32, #tpu.memory_space<vmem>>) attributes {dimension_semantics = [#tpu.dimension_semantics<arbitrary>], iteration_bounds = array<i64: 10>, scalar_prefetch = 0 : i64, scratch_operands = 0 : i64, tpu.core_type = #tpu.core_type<tc>, window_params = [{transform_indices = @transform_0, window_bounds = array<i64: 10000, 25>}, {pipeline_mode = #tpu.pipeline_mode<synchronous>, transform_indices = @transform_1, window_bounds = array<i64: 25, 3>}, {pipeline_mode = #tpu.pipeline_mode<synchronous>, transform_indices = @transform_2, window_bounds = array<i64: 8, 3>}, {transform_indices = @transform_3, window_bounds = array<i64: 10000, 3>}]} {
    %get3A = arith.constant 0 : index
    %get3A_0 = arith.constant 0 : index
    %get3A_1 = vector.load %arg1[%get3A, %get3A_0] : memref<10000x25xf32, #tpu.memory_space<vmem>>, vector<10000x25xf32>
    %floor3A = math.floor %get3A_1 : vector<10000x25xf32>
    %get3A_2 = arith.constant 0 : index
    %get3A_3 = arith.constant 0 : index
    %get3A_4 = vector.load %arg2[%get3A_2, %get3A_3] : memref<25x3xf32, #tpu.memory_space<vmem>>, vector<25x3xf32>
    %dot_general3A = arith.constant dense<0.000000e+00> : vector<10000x3xf32>
    %dot_general3A_5 = tpu.matmul %floor3A, %get3A_4, %dot_general3A {dimension_numbers = #tpu.dot_dimension_numbers<[1], [0], [0], [1], [0, 0, 1, 1], [], []>, transpose_lhs_hint = false} : vector<10000x25xf32>, vector<25x3xf32>, vector<10000x3xf32> -> vector<10000x3xf32>
    %get3A_6 = arith.constant 0 : index
    %get3A_7 = arith.constant 0 : index
    %get3A_8 = vector.load %arg3[%get3A_6, %get3A_7] : memref<8x3xf32, #tpu.memory_space<vmem>>, vector<1x3xf32>
    %add3A = vector.broadcast %get3A_8 : vector<1x3xf32> to vector<10000x3xf32>
    %add3A_9 = arith.addf %dot_general3A_5, %add3A : vector<10000x3xf32>
    %convert_element_type3A = arith.fptosi %add3A_9 : vector<10000x3xf32> to vector<10000x3xi32>
    %swap3A = arith.constant 0 : index
    %swap3A_10 = arith.constant 0 : index
    %swap3A_11 = vector.load %arg4[%swap3A, %swap3A_10] : memref<10000x3xi32, #tpu.memory_space<vmem>>, vector<10000x3xi32>
    tpu.vector_store %arg4[%swap3A, %swap3A_10], %convert_element_type3A {strides = array<i32>} : memref<10000x3xi32, #tpu.memory_space<vmem>>, vector<10000x3xi32>,
    return
  }
  func.func @transform_0(%arg0: i32) -> (i32, i32) {
    %c0_i32 = arith.constant 0 : i32
    %c0_i32_0 = arith.constant 0 : i32
    return %arg0, %c0_i32 : i32, i32
  }
  func.func @transform_1(%arg0: i32) -> (i32, i32) {
    %c0_i32 = arith.constant 0 : i32
    %c0_i32_0 = arith.constant 0 : i32
    %c0_i32_1 = arith.constant 0 : i32
    return %c0_i32, %c0_i32_0 : i32, i32
  }
  func.func @transform_2(%arg0: i32) -> (i32, i32) {
    %c0_i32 = arith.constant 0 : i32
    %c0_i32_0 = arith.constant 0 : i32
    %c0_i32_1 = arith.constant 0 : i32
    return %c0_i32, %c0_i32_0 : i32, i32
  }
  func.func @transform_3(%arg0: i32) -> (i32, i32) {
    %c0_i32 = arith.constant 0 : i32
    %c0_i32_0 = arith.constant 0 : i32
    return %arg0, %c0_i32 : i32, i32
  }
}

module attributes {stable_mosaic.version = 14 : i64} {
  func.func @_combo_body(%arg0: memref<174x128xf32, #tpu.memory_space<vmem>>, %arg1: memref<128x128xf32, #tpu.memory_space<vmem>>, %arg2: memref<1674x174xf32, #tpu.memory_space<vmem>>, %arg3: memref<1674x128xf32, #tpu.memory_space<vmem>>) attributes {dimension_semantics = [], scalar_prefetch = 0 : i64, scratch_operands = 0 : i64, tpu.core_type = #tpu.core_type<tc>} {
    %get3A = arith.constant 0 : index
    %get3A_0 = arith.constant 0 : index
    %get3A_1 = vector.load %arg0[%get3A, %get3A_0] : memref<174x128xf32, #tpu.memory_space<vmem>>, vector<174x128xf32>
    %get3A_2 = arith.constant 0 : index
    %get3A_3 = arith.constant 0 : index
    %get3A_4 = vector.load %arg1[%get3A_2, %get3A_3] : memref<128x128xf32, #tpu.memory_space<vmem>>, vector<128x128xf32>
    %dot_general3A = arith.constant dense<0.000000e+00> : vector<174x128xf32>
    %dot_general3A_5 = tpu.matmul %get3A_1, %get3A_4, %dot_general3A {dimension_numbers = #tpu.dot_dimension_numbers<[1], [0], [0], [1], [0, 0, 1, 1], [], []>, transpose_lhs_hint = false} : vector<174x128xf32>, vector<128x128xf32>, vector<174x128xf32> -> vector<174x128xf32>
    %add3A = arith.addf %get3A_1, %dot_general3A_5 : vector<174x128xf32>
    %get3A_6 = arith.constant 0 : index
    %get3A_7 = arith.constant 0 : index
    %get3A_8 = vector.load %arg2[%get3A_6, %get3A_7] : memref<1674x174xf32, #tpu.memory_space<vmem>>, vector<1674x174xf32>
    %dot_general3A_9 = arith.constant dense<0.000000e+00> : vector<1674x128xf32>
    %dot_general3A_10 = tpu.matmul %get3A_8, %add3A, %dot_general3A_9 {dimension_numbers = #tpu.dot_dimension_numbers<[1], [0], [0], [1], [0, 0, 1, 1], [], []>, transpose_lhs_hint = false} : vector<1674x174xf32>, vector<174x128xf32>, vector<1674x128xf32> -> vector<1674x128xf32>
    %swap3A = arith.constant 0 : index
    %swap3A_11 = arith.constant 0 : index
    %swap3A_12 = vector.load %arg3[%swap3A, %swap3A_11] : memref<1674x128xf32, #tpu.memory_space<vmem>>, vector<1674x128xf32>
    tpu.vector_store %arg3[%swap3A, %swap3A_11], %dot_general3A_10 {strides = array<i32>} : memref<1674x128xf32, #tpu.memory_space<vmem>>, vector<1674x128xf32>,
    return
  }
}

module attributes {stable_mosaic.version = 14 : i64} {
  func.func @_epilogue_body(%arg0: i32, %arg1: memref<3x5000x128xf32, #tpu.memory_space<vmem>>, %arg2: memref<5000x25xf32, #tpu.memory_space<vmem>>, %arg3: memref<16x128xf32, #tpu.memory_space<vmem>>, %arg4: memref<5000x128xf32, #tpu.memory_space<vmem>>) attributes {dimension_semantics = [#tpu.dimension_semantics<arbitrary>], iteration_bounds = array<i64: 20>, scalar_prefetch = 0 : i64, scratch_operands = 0 : i64, tpu.core_type = #tpu.core_type<tc>, window_params = [{transform_indices = @transform_0, window_bounds = array<i64: 3, 5000, 128>}, {transform_indices = @transform_1, window_bounds = array<i64: 5000, 25>}, {pipeline_mode = #tpu.pipeline_mode<synchronous>, transform_indices = @transform_2, window_bounds = array<i64: 16, 128>}, {transform_indices = @transform_3, window_bounds = array<i64: 5000, 128>}]} {
    %get3A = arith.constant 0 : index
    %get3A_0 = arith.constant 9 : index
    %get3A_1 = vector.load %arg2[%get3A, %get3A_0] : memref<5000x25xf32, #tpu.memory_space<vmem>>, vector<5000x16xf32>
    %get3A_2 = arith.constant 0 : index
    %get3A_3 = arith.constant 0 : index
    %get3A_4 = arith.constant 0 : index
    %get3A_5 = vector.load %arg1[%get3A_2, %get3A_3, %get3A_4] : memref<3x5000x128xf32, #tpu.memory_space<vmem>>, vector<1x5000x128xf32>
    %get3A_6 = vector.shape_cast %get3A_5 : vector<1x5000x128xf32> to vector<5000x128xf32>
    %get3A_7 = arith.constant 1 : index
    %get3A_8 = arith.constant 0 : index
    %get3A_9 = arith.constant 0 : index
    %get3A_10 = vector.load %arg1[%get3A_7, %get3A_8, %get3A_9] : memref<3x5000x128xf32, #tpu.memory_space<vmem>>, vector<1x5000x128xf32>
    %get3A_11 = vector.shape_cast %get3A_10 : vector<1x5000x128xf32> to vector<5000x128xf32>
    %add3A = arith.addf %get3A_6, %get3A_11 : vector<5000x128xf32>
    %get3A_12 = arith.constant 2 : index
    %get3A_13 = arith.constant 0 : index
    %get3A_14 = arith.constant 0 : index
    %get3A_15 = vector.load %arg1[%get3A_12, %get3A_13, %get3A_14] : memref<3x5000x128xf32, #tpu.memory_space<vmem>>, vector<1x5000x128xf32>
    %get3A_16 = vector.shape_cast %get3A_15 : vector<1x5000x128xf32> to vector<5000x128xf32>
    %add3A_17 = arith.addf %add3A, %get3A_16 : vector<5000x128xf32>
    %get3A_18 = arith.constant 0 : index
    %get3A_19 = arith.constant 0 : index
    %get3A_20 = vector.load %arg3[%get3A_18, %get3A_19] : memref<16x128xf32, #tpu.memory_space<vmem>>, vector<16x128xf32>
    %dot_general3A = arith.constant dense<0.000000e+00> : vector<5000x128xf32>
    %dot_general3A_21 = tpu.matmul %get3A_1, %get3A_20, %dot_general3A {dimension_numbers = #tpu.dot_dimension_numbers<[1], [0], [0], [1], [0, 0, 1, 1], [], []>, transpose_lhs_hint = false} : vector<5000x16xf32>, vector<16x128xf32>, vector<5000x128xf32> -> vector<5000x128xf32>
    %add3A_22 = arith.addf %add3A_17, %dot_general3A_21 : vector<5000x128xf32>
    %swap3A = arith.constant 0 : index
    %swap3A_23 = arith.constant 0 : index
    %swap3A_24 = vector.load %arg4[%swap3A, %swap3A_23] : memref<5000x128xf32, #tpu.memory_space<vmem>>, vector<5000x128xf32>
    tpu.vector_store %arg4[%swap3A, %swap3A_23], %add3A_22 {strides = array<i32>} : memref<5000x128xf32, #tpu.memory_space<vmem>>, vector<5000x128xf32>,
    return
  }
  func.func @transform_0(%arg0: i32) -> (i32, i32, i32) {
    %c0_i32 = arith.constant 0 : i32
    %c0_i32_0 = arith.constant 0 : i32
    %c0_i32_1 = arith.constant 0 : i32
    return %c0_i32, %arg0, %c0_i32_0 : i32, i32, i32
  }
  func.func @transform_1(%arg0: i32) -> (i32, i32) {
    %c0_i32 = arith.constant 0 : i32
    %c0_i32_0 = arith.constant 0 : i32
    return %arg0, %c0_i32 : i32, i32
  }
  func.func @transform_2(%arg0: i32) -> (i32, i32) {
    %c0_i32 = arith.constant 0 : i32
    %c0_i32_0 = arith.constant 0 : i32
    %c0_i32_1 = arith.constant 0 : i32
    return %c0_i32, %c0_i32_0 : i32, i32
  }
  func.func @transform_3(%arg0: i32) -> (i32, i32) {
    %c0_i32 = arith.constant 0 : i32
    %c0_i32_0 = arith.constant 0 : i32
    return %arg0, %c0_i32 : i32, i32
  }
}

</mosaic_0001>

<sc_bundles>
// kernel: kernel.6.cloned.1.call-start
scs
__scs_entry_jumppad:
0x0: {  	(pc) =	sbr.rel $0x88, $3  }
0x1: {  	(tag) =	ssettag $0x0;
	lr =	simm.s32 $0x1  }
0x2: {  	[smem:$0x3F96] =	sst lr;
	_ =	strace $0xD0000000  }
0x3: {  	_ = 	snop  }
0x4: {  	_ = 	snop  }
0x5: {  	_ = 	snop  }
0x6: {  	_ = 	snop  }
0x7: {  	_ = 	snop  }
__scs_overlays_trampoline_lowered:
0x8: {  	[smem:$0x3FA5] =	sst s0  }
0x9: {  	[smem:$0x3FA6] =	sst s1  }
0xa: {  	[smem:$0x3FA7] =	sst s2  }
0xb: {  	[smem:$0x3FA8] =	sst s3  }
0xc: {  	[smem:$0x3FA9] =	sst s4  }
0xd: {  	[smem:$0x3FAA] =	sst s5  }
0xe: {  	[smem:$0x3FAB] =	sst s6  }
0xf: {  	[smem:$0x3FAC] =	sst s7  }
0x10: {  	[smem:$0x3FAD] =	sst s8  }
0x11: {  	[smem:$0x3FAE] =	sst s9;
	s0 =	simm.s32 @!p0 $0x0  }
0x12: {  	s1 =	sld [smem:$0x3F94];
	s0 =	simm.s32 @p0 $0x1  }
0x13: {  	[smem:$0x3FAF] =	sst s0;
	s0 =	simm.s32 @!p1 $0x0  }
0x14: {  	s2 =	sld [smem:$0x3F93];
	s0 =	simm.s32 @p1 $0x1  }
0x15: {  	[smem:$0x3FB0] =	sst s0;
	s0 =	simm.s32 @!p2 $0x0  }
0x16: {  	s3 =	sld [smem:$0x3FDB];
	s0 =	simm.s32 @p2 $0x1  }
0x17: {  	s4 =	simm.s32 $0x1BF5;
	[smem:$0x3FB2] =	sst s0  }
0x18: {  	s0 =	sld [smem:$0x3F95];
	_ =	swait.ge [sflag:s4], $0x0  }
0x19: {  	s7 =	sld [smem:$0x3F96]  }
0x1a: {  	s8 =	sadd.s32 $0xFFFFE003, lr  }
0x1b: {  	s9 =	sadd.s32 $0xFFFFFEF7, lr;
	s5 =	simm.s32 $0xFFFFFFFF;
	p2 =	slt.u32 s8, $0xFFFFF086  }
0x1c: {  	p1 =	slt.u32 s9, $0xF7A;
	s5 =	simm.s32 @!p2 $0x0  }
0x1d: {  	s5 =	simm.s32 @p1 $0x1;
	p0 =	seq.s32 s7, s2  }
0x1e: {  	s7 =	smul.u32 @!p0 $0xF7A, s2;
	p2 =	seq.s32 @!p0 s5, $0x0  }
0x1f: {  	s9 =	smul.u32 $0xF7A, s1;
	s8 =	simm.s32 @!p0 $0x1BF5;
	p2 =	por !p2, p0  }
0x20: {  	[sflag:s8] =	ssyncset.s32 @!p0 $0xFFFFF086;
	s6 =	sadd.s32 @!p0 s3, s7;
	s7 =	simm.s32 @!p0 $0x108  }
0x21: {  	s3 =	sadd.s32 s3, s9;
	s6 =	sadd.s32 @!p0 $0x88, s6;
	s7 =	simm.s32 @p2 $0x1082  }
0x22: {  	[simem:s7], [sflag:s8] =	dma.local @!p0 [hbm:s6], $0xF7A  }
0x23: {  	s9 =	sor.u32 $0xD0000000, s2;
	s6 =	simm.s32 $0x108;
	_ =	swait.ge @!p0 [sflag:s8], $0x0  }
0x24: {  	s3 =	sadd.s32 $0x88, s3;
	s6 =	simm.s32 @!p1 $0x1082;
	[sflag:s4] =	ssyncset.s32 $0xFFFFF086  }
0x25: {  	[simem:s6], [sflag:s4] =	dma.local [hbm:s3], $0xF7A  }
0x26: {  	[smem:$0x3F96] =	sst s1;
	(tag) =	ssettag s2;
	_ =	strace s9  }
0x27: {  	s1 =	sld [smem:$0x3FA6]  }
0x28: {  	s2 =	sld [smem:$0x3FA7]  }
0x29: {  	s4 =	sld [smem:$0x3FA9]  }
0x2a: {  	p0 =	seq.s32 s5, $0x0;
	s5 =	sld [smem:$0x3FAA]  }
0x2b: {  	s6 =	sld [smem:$0x3FAB]  }
0x2c: {  	s7 =	sld [smem:$0x3FAC]  }
0x2d: {  	s3 =	simm.s32 $0x108;
	s8 =	sld [smem:$0x3FAD]  }
0x2e: {  	s3 =	simm.s32 @!p0 $0x1082;
	s9 =	sld [smem:$0x3FAE]  }
0x2f: {  	lr =	sadd.s32 s0, s3;
	s0 =	sld [smem:$0x3FA5]  }
0x30: {  	s3 =	sld [smem:$0x3FA8]  }
0x31: {  	[smem:$0x3FB1] =	sst s10  }
0x32: {  	s10 =	sld [smem:$0x3FAF];
	_ =	sdelay $0x3  }
0x33: {  	p0 =	seq.s32 s10, $0x1;
	s10 =	sld [smem:$0x3FB1];
	_ =	sdelay $0x3  }
0x34: {  	[smem:$0x3FB1] =	sst s10  }
0x35: {  	s10 =	sld [smem:$0x3FB0];
	_ =	sdelay $0x3  }
0x36: {  	p1 =	seq.s32 s10, $0x1;
	s10 =	sld [smem:$0x3FB1];
	_ =	sdelay $0x3  }
0x37: {  	[smem:$0x3FB1] =	sst s10  }
0x38: {  	s10 =	sld [smem:$0x3FB2]  }
0x39: {  	_ = 	snop;
	(pc) =	sbr.ind lr, $3  }
0x3a: {  	_ = 	snop  }
0x3b: {  	_ = 	snop  }
0x3c: {  	p2 =	seq.s32 s10, $0x1;
	s10 =	sld [smem:$0x3FB1]  }
0x3d: {  	_ =	shalt  }
0x3e: {  	_ =	shalt  }
0x3f: {  	_ =	shalt  }
0x40: {  	_ =	shalt  }
0x41: {  	_ =	shalt  }
0x42: {  	_ =	shalt  }
0x43: {  	_ =	shalt  }
0x44: {  	_ =	shalt  }
0x45: {  	_ =	shalt  }
0x46: {  	_ =	shalt  }
0x47: {  	_ =	shalt  }
0x48: {  	_ =	shalt  }
0x49: {  	_ =	shalt  }
0x4a: {  	_ =	shalt  }
0x4b: {  	_ =	shalt  }
0x4c: {  	_ =	shalt  }
0x4d: {  	_ =	shalt  }
0x4e: {  	_ =	shalt  }
0x4f: {  	_ =	shalt  }
0x50: {  	_ =	shalt  }
0x51: {  	_ =	shalt  }
0x52: {  	_ =	shalt  }
0x53: {  	_ =	shalt  }
0x54: {  	_ =	shalt  }
0x55: {  	_ =	shalt  }
0x56: {  	_ =	shalt  }
0x57: {  	_ =	shalt  }
0x58: {  	_ =	shalt  }
0x59: {  	_ =	shalt  }
0x5a: {  	_ =	shalt  }
0x5b: {  	_ =	shalt  }
0x5c: {  	_ =	shalt  }
0x5d: {  	_ =	shalt  }
0x5e: {  	_ =	shalt  }
0x5f: {  	_ =	shalt  }
0x60: {  	_ =	shalt  }
0x61: {  	_ =	shalt  }
0x62: {  	_ =	shalt  }
0x63: {  	_ =	shalt  }
0x64: {  	_ =	shalt  }
0x65: {  	_ =	shalt  }
0x66: {  	_ =	shalt  }
0x67: {  	_ =	shalt  }
0x68: {  	_ =	shalt  }
0x69: {  	_ =	shalt  }
0x6a: {  	_ =	shalt  }
0x6b: {  	_ =	shalt  }
0x6c: {  	_ =	shalt  }
0x6d: {  	_ =	shalt  }
0x6e: {  	_ =	shalt  }
0x6f: {  	_ =	shalt  }
0x70: {  	_ =	shalt  }
0x71: {  	_ =	shalt  }
0x72: {  	_ =	shalt  }
0x73: {  	_ =	shalt  }
0x74: {  	_ =	shalt  }
0x75: {  	_ =	shalt  }
0x76: {  	_ =	shalt  }
0x77: {  	_ =	shalt  }
0x78: {  	_ =	shalt  }
0x79: {  	_ =	shalt  }
0x7a: {  	_ =	shalt  }
0x7b: {  	_ =	shalt  }
0x7c: {  	_ =	shalt  }
0x7d: {  	_ =	shalt  }
0x7e: {  	_ =	shalt  }
0x7f: {  	_ =	shalt  }
0x80: {  	_ =	shalt  }
0x81: {  	_ =	shalt  }
0x82: {  	_ =	shalt  }
0x83: {  	_ =	shalt  }
0x84: {  	_ =	shalt  }
0x85: {  	_ =	shalt  }
0x86: {  	_ =	shalt  }
0x87: {  	_ =	shalt  }
.Lfunc_end0:
.L_simem_size_0:
called_computation_lowered:
.L_overlay_start_0:
0x88: {  	s2 =	sld [smem:$0x3FD9]  }
0x89: {  	s3 =	sld [smem:$0x3FFE];
	_ =	sdelay $0x1  }
0x8a: {  	s1 =	srdreg.scid  }
0x8b: {  	s0 =	sand.u32 $0x1, s1  }
0x8c: {  	s17 =	sshll.u32 s0, $0xA;
	s2 =	sadd.s32 s3, s2  }
0x8d: {  	s2 =	sadd.s32 s2, s17  }
0x8e: {  	[smem:$0x3FBD] =	sst s2  }
0x8f: {  	_ = 	snop  }
0x90: {  	s2 =	sld [smem:$0x3FD0];
	(tm) =	ssettm $0x1  }
0x91: {  	s18 =	sld [smem:$0x3FFB];
	_ =	sdelay $0x3  }
0x92: {  	_ =	strace s18  }
0x93: {  	s3 =	sld [smem:$0x3FFC];
	_ =	sdelay $0x3  }
0x94: {  	_ =	strace s3  }
0x95: {  	s3 =	sld [smem:$0x3FFD];
	_ =	sdelay $0x3  }
0x96: {  	_ =	strace s3  }
0x97: {  	_ =	strace $0x8FFFFFFF  }
0x98: {  	s19 =	sld [smem:$0x3FDB];
	_ =	sdelay $0x1  }
0x99: {  	s4 =	simm.s32 $_scs_section_size  }
0x9a: {  	s5 =	simm.s32 $_size__tile_overlayer_lowered;
	s6 =	simm.s32 $_tile_overlayer_lowered  }
0x9b: {  	s22 =	simm.s32 $0x1BFF;
	s21 =	sshll.u32 s6, $0x1;
	s3 =	sadd.s32 s4, s19  }
0x9c: {  	s7 =	simm.s32 $0x0;
	s20 =	sshll.u32 s5, $0x1;
	s5 =	sadd.s32 s21, s3  }
0x9d: {  	[timem:s7], [sflag:s22] =	dma.local [hbm:s5], s20  }
0x9e: {  	_ =	swait.ge [sflag:s22], s20  }
0x9f: {  	s4 =	ssub.s32 $0x0, s20;
	[sflag:s22] =	ssyncset.done $0x0  }
0xa0: {  	[sflag:s22] =	ssyncadd.s32 s4;
	_ =	sdelay $0x1  }
0xa1: {  	s23 =	simm.s32 $0x1B8B  }
0xa2: {  	_ =	swait.ge [sflag:s23], $0x1  }
0xa3: {  	[sflag:s23] =	ssyncset.done $0x0  }
0xa4: {  	s25 =	simm.s32 $0x1B8E;
	s24 =	sld [smem:$0x3FFE];
	[sflag:s23] =	ssyncadd.s32 $0xFFFFFFFF  }
0xa5: {  	s26 =	simm.s32 $execute0_lowered;
	[smem:$0x3FD2] =	sst s25  }
0xa6: {  	s5 =	sshll.u32 s26, $0x1;
	_ =	strace $0x80000046;
	[dreg:$0x1] =	wrdreg $0xFFFFFFFF  }
0xa7: {  	s28 =	simm.s32 $_size_execute0_lowered;
	s3 =	sadd.s32 s3, s5;
	[dreg:$0x0] =	wrdreg $0x0  }
0xa8: {  	s5 =	sshll.u32 s28, $0x1;
	[dreg:$0x2] =	wrdreg s3  }
0xa9: {  	[dreg:$0x3] =	wrdreg s5  }
0xaa: {  	[dreg:$0x4] =	wrdreg $0xC0  }
0xab: {  	_ =	task [dreg:s7], $0x5FFFF  }
0xac: {  	[dreg:$0x1] =	wrdreg $0xFFFFFFFF  }
0xad: {  	[dreg:$0x0] =	wrdreg $0x60  }
0xae: {  	[dreg:$0x2] =	wrdreg s2  }
0xaf: {  	[dreg:$0x3] =	wrdreg s24  }
0xb0: {  	[dreg:$0x4] =	wrdreg $0x1A8000  }
0xb1: {  	[dreg:$0x5] =	wrdreg $0x9  }
0xb2: {  	_ =	task.clear_ibuf [dreg:s7], $0x6FFFF;
	_ =	strace $0x90000046  }
0xb3: {  	s29 =	simm.s32 $0x9;
	_ =	strace $0x80000048  }
0xb4: {  	_ =	swait.ge [sflag:s29], $0x1  }
0xb5: {  	[sflag:s29] =	ssyncadd.s32 $0xFFFFFFFF  }
0xb6: {  	_ =	strace $0x90000048  }
0xb7: {  	_ =	sfence  }
0xb8: {  	s30 =	sld [smem:$0x0];
	_ =	sdelay $0x2  }
0xb9: {  	s31 =	sshll.u32 s1, $0xD;
	s1 =	sshrl.u32 s1, $0x2  }
0xba: {  	s3 =	sand.u32 $0x4000, s31;
	s1 =	sadd.s32 s1, s30  }
0xbb: {  	s0 =	sor.u32 s3, s0;
	s1 =	sshll.u32 s1, $0x11  }
0xbc: {  	s0 =	sor.u32 s1, s0  }
0xbd: {  	s0 =	sadd.s32 $0x8F2B, s0  }
0xbe: {  	[sflag:s0] =	ssyncadd.remote.s32 $0x1  }
0xbf: {  	_ =	sfence.sel $0xFFFF  }
0xc0: {  	[dreg:$0x0] =	wrdreg $0xFFFFFFFF;
	(pc) =	sbr.abs _section_cstart, $3  }
0xc1: {  	[dreg:$0x1] =	wrdreg $0xFFFFFFFF  }
0xc2: {  	_ =	task.clear_ibuf [dreg:s7], $0x2FFFF;
	_ =	strace $0x9FFFFFFF  }
0xc3: {  	(tm) =	ssettm $0x7FFFFFFF  }
tec
execute0_lowered:
.L_overlay_start_1:
0x0: {  	(tag) =	ssettag $0x1  }
0x1: {  	s3 =	rddreg [dreg:$0x0]  }
0x2: {  	s4 =	rddreg [dreg:$0x1];
	s2 =	srdreg.scid  }
0x3: {  	s0 =	stileid.u32;
	s1 =	rddreg [dreg:$0x2];
	s28 =	simm.s32 $0xAC00  }
0x4: {  	s30 =	simm.s32 $0xC800;
	s31 =	simm.s32 $0x11C00;
	s29 =	simm.s32 $0x13800  }
0x5: {  	s5 =	sand.u32 $0x1, s2;
	s6 =	sshll.u32 s0, $0x1;
	s17 =	smul.u32 $0x18800, s0  }
0x6: {  	s2 =	simm.s32 $0x0;
	s10 =	sadd.s32 $0x188800, s4;
	s19 =	smul.u32 $0xC4000, s0  }
0x7: {  	s13 =	sadd.s32 $0x18F200, s4;
	s6 =	sor.u32 s5, s6;
	s22 =	smul.u32 $0x62000, s5  }
0x8: {  	[smem:$0x7FF] =	sst s2;
	s8 =	ssub.s32 $0x2, s5;
	s5 =	smul.u32 $0xC400, s5  }
0x9: {  	p0 =	sne.s32 s0, $0x0;
	s7 =	smul.u32 $0xB00, s6;
	_ =	strace $0x80000047  }
0xa: {  	s9 =	smul.u32 $0x62000, s6;
	[dreg:$0xd] =	wrdreg s10;
	s26 =	sshrl.u32 s8, $0x1  }
0xb: {  	s11 =	smul.u32 $0xC400, s6;
	s4 =	ssub.s32 s8, s26;
	s3 =	sadd.s32 s3, s7  }
0xc: {  	s12 =	sshrl.u32 s9, $0x3;
	s9 =	sadd.s32 s5, s17;
	[dreg:$0xe] =	wrdreg s3  }
0xd: {  	s14 =	sadd.s32 s13, s11;
	s4 =	smax.u32 s4, $0x1;
	[dreg:$0x4] =	wrdreg s9  }
0xe: {  	s0 =	simm.s32 $0xE400;
	s16 =	sadd.s32 $0x188380, s14;
	[dreg:$0x1b] =	wrdreg s4  }
0xf: {  	s8 =	sadd.s32 s22, s19;
	s6 =	sadd.s32 s13, s12;
	[dreg:$0x11] =	wrdreg s16  }
0x10: {  	s10 =	sadd.s32 $0xC4C400, s8;
	s18 =	sadd.s32 $0x310380, s14;
	[dreg:$0xf] =	wrdreg s6  }
0x11: {  	s17 =	sadd.s32 $0x188A800, s8;
	s20 =	sadd.s32 $0x380, s14;
	[dreg:$0x13] =	wrdreg s18  }
0x12: {  	s19 =	sadd.s32 $0xC48C00, s8;
	s21 =	sadd.s32 $0x188700, s14;
	[dreg:$0x14] =	wrdreg s20  }
0x13: {  	s5 =	simm.s32 $0x18C00;
	s23 =	sadd.s32 $0x700, s14;
	[dreg:$0x15] =	wrdreg s21  }
0x14: {  	s7 =	simm.s32 $0x2;
	s24 =	sadd.s32 $0x310700, s14;
	[dreg:$0x16] =	wrdreg s23  }
0x15: {  	s25 =	sadd.s32 $0xA80, s14;
	s26 =	sadd.s32 $0x188A80, s14;
	[dreg:$0x17] =	wrdreg s24  }
0x16: {  	s3 =	sadd.s32 $0x310A80, s14;
	s11 =	sshrl.u32 s10, $0x3;
	[dreg:$0x18] =	wrdreg s25  }
0x17: {  	s12 =	sadd.s32 $0x188C400, s8;
	s9 =	simm.s32 $0x4;
	[dreg:$0x19] =	wrdreg s26  }
0x18: {  	s10 =	simm.s32 $0x5;
	s15 =	sadd.s32 $0x188000, s6;
	[dreg:$0x1a] =	wrdreg s3  }
0x19: {  	s6 =	sadd.s32 $0x310000, s6;
	[dreg:$0x5] =	wrdreg s11;
	s14 =	sshrl.u32 s12, $0x3  }
0x1a: {  	s18 =	sshrl.u32 s17, $0x3;
	s20 =	sshrl.u32 s19, $0x3;
	[dreg:$0x10] =	wrdreg s15  }
0x1b: {  	s21 =	sadd.s32 $0x1888C00, s8;
	s23 =	sadd.s32 $0xC47000, s8;
	[dreg:$0x12] =	wrdreg s6  }
0x1c: {  	s25 =	sadd.s32 $0x1887000, s8;
	s19 =	simm.s32 $0x6;
	[dreg:$0x6] =	wrdreg s14  }
0x1d: {  	s3 =	simm.s32 $0x17000;
	s11 =	simm.s32 $0x0;
	[dreg:$0x8] =	wrdreg s18  }
0x1e: {  	s15 =	sadd.s32 $0xC4A800, s8;
	[dreg:$0x9] =	wrdreg s20;
	s22 =	sshrl.u32 s21, $0x3  }
0x1f: {  	s24 =	sshrl.u32 s23, $0x3;
	s26 =	sshrl.u32 s25, $0x3;
	s20 =	simm.s32 $0x38  }
0x20: {  	s21 =	simm.s32 $0x5800;
	s23 =	simm.s32 $0x7400;
	[dreg:$0xa] =	wrdreg s22  }
0x21: {  	s25 =	simm.s32 $0x9000;
	s8 =	simm.s32 $0x3;
	[dreg:$0xb] =	wrdreg s24  }
0x22: {  	s16 =	sshrl.u32 s15, $0x3;
	[dreg:$0xc] =	wrdreg s26;
	s22 =	simm.s32 $0x1  }
0x23: {  	s26 =	simm.s32 $0x10000;
	s24 =	simm.s32 $0x15400;
	[dreg:$0x7] =	wrdreg s16  }
.LBB2_1:
0x24: {  	s4 =	rddreg [dreg:$0xe]  }
0x25: {  	[tilespmem:s2], [sflag:$0x6] =	stream.linear.gather [hbm4b:s4+s2], $0x5700, $0x38;
	[tilespmem:$0x1DC50] =	vst v63  }
0x26: {  	_ =	swait.ge [sflag:s19], $0x5700  }
0x27: {  	s12 =	simm.s32 @!p0 $0x1C06;
	[sflag:s19] =	ssyncset.done $0x0  }
0x28: {  	s4 =	sshrl.u32 @!p0 s1, $0x3;
	s6 =	rddreg [dreg:$0xd];
	[sflag:s19] =	ssyncadd.s32 $0xFFFFA900  }
0x29: {  	[spmem:s4], [sflag:s12] =	dma.local @!p0 [hbm:s6], $0x68A0  }
0x2a: {  	s4 =	simm.s32 @!p0 $0x6  }
0x2b: {  	_ =	swait.ge @!p0 [sflag:s4], $0x68A0  }
0x2c: {  	[sflag:s4] =	ssyncset.done @!p0 $0x0  }
0x2d: {  	[sflag:s4] =	ssyncadd.s32 @!p0 $0xFFFF9760  }
0x2e: {  	[bflag:$0x0] =	sbarrier.arrive $0xFFFF  }
0x2f: {  	[tilespmem:s21], [sflag:$0x1] =	stream.indirect.gather [spmem:s1], $0x80, s2, s20, $0xb8;
	[tilespmem:$0x1DC50] =	vst v63  }
0x30: {  	s16 =	simm.s32 $0x80  }
0x31: {  	[tilespmem:s23], [sflag:$0x1] =	stream.indirect.gather [spmem:s1], $0x80, s16, s20, $0xb8;
	[tilespmem:$0x1DC50] =	vst v63  }
0x32: {  	s17 =	simm.s32 $0x100  }
0x33: {  	[tilespmem:s25], [sflag:$0x1] =	stream.indirect.gather [spmem:s1], $0x80, s17, s20, $0xb8;
	[tilespmem:$0x1DC50] =	vst v63  }
0x34: {  	s18 =	simm.s32 $0x180  }
0x35: {  	[tilespmem:s28], [sflag:$0x1] =	stream.indirect.gather [spmem:s1], $0x80, s18, s20, $0xb8;
	[tilespmem:$0x1DC50] =	vst v63  }
0x36: {  	s6 =	simm.s32 $0x200  }
0x37: {  	[tilespmem:s30], [sflag:$0x1] =	stream.indirect.gather [spmem:s1], $0x80, s6, s20, $0xb8;
	[tilespmem:$0x1DC50] =	vst v63  }
0x38: {  	s12 =	simm.s32 $0x280  }
0x39: {  	[tilespmem:s0], [sflag:$0x1] =	stream.indirect.gather [spmem:s1], $0x80, s12, s20, $0xb8;
	[tilespmem:$0x1DC50] =	vst v63  }
0x3a: {  	_ =	swait.ge [sflag:s22], $0x1C00  }
0x3b: {  	[sflag:s22] =	ssyncset.done $0x0  }
0x3c: {  	[sflag:s22] =	ssyncadd.s32 $0xFFFFE400  }
0x3d: {  	_ =	swait.ge [sflag:s22], $0x1C00  }
0x3e: {  	[sflag:s22] =	ssyncset.done $0x0  }
0x3f: {  	[sflag:s22] =	ssyncadd.s32 $0xFFFFE400  }
0x40: {  	_ =	swait.ge [sflag:s22], $0x1C00  }
0x41: {  	[sflag:s22] =	ssyncset.done $0x0  }
0x42: {  	s14 =	simm.s32 $0x300;
	[sflag:s22] =	ssyncadd.s32 $0xFFFFE400  }
0x43: {  	[tilespmem:s26], [sflag:$0x1] =	stream.indirect.gather [spmem:s1], $0x80, s14, s20, $0xb8;
	[tilespmem:$0x1DC50] =	vst v63  }
0x44: {  	s15 =	simm.s32 $0x380  }
0x45: {  	[tilespmem:s31], [sflag:$0x1] =	stream.indirect.gather [spmem:s1], $0x80, s15, s20, $0xb8;
	[tilespmem:$0x1DC50] =	vst v63  }
0x46: {  	s16 =	simm.s32 $0x400  }
0x47: {  	[tilespmem:s29], [sflag:$0x1] =	stream.indirect.gather [spmem:s1], $0x80, s16, s20, $0xb8;
	[tilespmem:$0x1DC50] =	vst v63  }
0x48: {  	s17 =	rddreg [dreg:$0xf]  }
0x49: {  	[hbm4b:s17+s2] =	stream.linear.scatter [tilespmem:s21], [sflag:$0x2], $0x1C00, $0x38;
	[tilespmem:$0x1DC50] =	vst v63  }
0x4a: {  	s18 =	rddreg [dreg:$0x10]  }
0x4b: {  	[hbm4b:s18+s2] =	stream.linear.scatter [tilespmem:s23], [sflag:$0x2], $0x1C00, $0x38;
	[tilespmem:$0x1DC50] =	vst v63  }
0x4c: {  	s6 =	rddreg [dreg:$0x12]  }
0x4d: {  	[hbm4b:s6+s2] =	stream.linear.scatter [tilespmem:s25], [sflag:$0x2], $0x1C00, $0x38;
	[tilespmem:$0x1DC50] =	vst v63  }
0x4e: {  	_ =	swait.ge [sflag:s22], $0x1C00  }
0x4f: {  	[sflag:s22] =	ssyncset.done $0x0  }
0x50: {  	[sflag:s22] =	ssyncadd.s32 $0xFFFFE400  }
0x51: {  	_ =	swait.ge [sflag:s22], $0x1C00  }
0x52: {  	[sflag:s22] =	ssyncset.done $0x0  }
0x53: {  	[sflag:s22] =	ssyncadd.s32 $0xFFFFE400  }
0x54: {  	_ =	swait.ge [sflag:s22], $0x1C00  }
0x55: {  	[sflag:s22] =	ssyncset.done $0x0  }
0x56: {  	s12 =	simm.s32 $0x480;
	[sflag:s22] =	ssyncadd.s32 $0xFFFFE400  }
0x57: {  	[tilespmem:s24], [sflag:$0x1] =	stream.indirect.gather [spmem:s1], $0x80, s12, s20, $0xb8;
	[tilespmem:$0x1DC50] =	vst v63  }
0x58: {  	s14 =	simm.s32 $0x500  }
0x59: {  	[tilespmem:s3], [sflag:$0x1] =	stream.indirect.gather [spmem:s1], $0x80, s14, s20, $0xb8;
	[tilespmem:$0x1DC50] =	vst v63  }
0x5a: {  	s15 =	simm.s32 $0x580  }
0x5b: {  	[tilespmem:s5], [sflag:$0x1] =	stream.indirect.gather [spmem:s1], $0x80, s15, s20, $0xb8;
	[tilespmem:$0x1DC50] =	vst v63  }
0x5c: {  	s16 =	rddreg [dreg:$0x14]  }
0x5d: {  	[hbm4b:s16+s2] =	stream.linear.scatter [tilespmem:s28], [sflag:$0x3], $0x1C00, $0x38;
	[tilespmem:$0x1DC50] =	vst v63  }
0x5e: {  	s17 =	rddreg [dreg:$0x11]  }
0x5f: {  	[hbm4b:s17+s2] =	stream.linear.scatter [tilespmem:s30], [sflag:$0x3], $0x1C00, $0x38;
	[tilespmem:$0x1DC50] =	vst v63  }
0x60: {  	s18 =	rddreg [dreg:$0x13]  }
0x61: {  	[hbm4b:s18+s2] =	stream.linear.scatter [tilespmem:s0], [sflag:$0x3], $0x1C00, $0x38;
	[tilespmem:$0x1DC50] =	vst v63  }
0x62: {  	_ =	swait.ge [sflag:s22], $0x1C00  }
0x63: {  	[sflag:s22] =	ssyncset.done $0x0  }
0x64: {  	[sflag:s22] =	ssyncadd.s32 $0xFFFFE400  }
0x65: {  	_ =	swait.ge [sflag:s22], $0x1C00  }
0x66: {  	[sflag:s22] =	ssyncset.done $0x0  }
0x67: {  	[sflag:s22] =	ssyncadd.s32 $0xFFFFE400  }
0x68: {  	_ =	swait.ge [sflag:s22], $0x1C00  }
0x69: {  	[sflag:s22] =	ssyncset.done $0x0  }
0x6a: {  	[sflag:s22] =	ssyncadd.s32 $0xFFFFE400  }
0x6b: {  	_ =	swait.ge [sflag:s7], $0x1C00  }
0x6c: {  	[sflag:s7] =	ssyncset.done $0x0  }
0x6d: {  	[sflag:s7] =	ssyncadd.s32 $0xFFFFE400  }
0x6e: {  	_ =	swait.ge [sflag:s7], $0x1C00  }
0x6f: {  	[sflag:s7] =	ssyncset.done $0x0  }
0x70: {  	[sflag:s7] =	ssyncadd.s32 $0xFFFFE400  }
0x71: {  	_ =	swait.ge [sflag:s7], $0x1C00  }
0x72: {  	[sflag:s7] =	ssyncset.done $0x0  }
0x73: {  	s6 =	simm.s32 $0x600;
	[sflag:s7] =	ssyncadd.s32 $0xFFFFE400  }
0x74: {  	[tilespmem:s21], [sflag:$0x1] =	stream.indirect.gather [spmem:s1], $0x80, s6, s20, $0xb8;
	[tilespmem:$0x1DC50] =	vst v63  }
0x75: {  	s12 =	simm.s32 $0x680  }
0x76: {  	[tilespmem:s23], [sflag:$0x1] =	stream.indirect.gather [spmem:s1], $0x80, s12, s20, $0xb8;
	[tilespmem:$0x1DC50] =	vst v63  }
0x77: {  	s14 =	simm.s32 $0x700  }
0x78: {  	[tilespmem:s25], [sflag:$0x1] =	stream.indirect.gather [spmem:s1], $0x80, s14, s20, $0xb8;
	[tilespmem:$0x1DC50] =	vst v63  }
0x79: {  	s15 =	rddreg [dreg:$0x16]  }
0x7a: {  	[hbm4b:s15+s2] =	stream.linear.scatter [tilespmem:s26], [sflag:$0x4], $0x1C00, $0x38;
	[tilespmem:$0x1DC50] =	vst v63  }
0x7b: {  	s16 =	rddreg [dreg:$0x15]  }
0x7c: {  	[hbm4b:s16+s2] =	stream.linear.scatter [tilespmem:s31], [sflag:$0x4], $0x1C00, $0x38;
	[tilespmem:$0x1DC50] =	vst v63  }
0x7d: {  	s17 =	rddreg [dreg:$0x17]  }
0x7e: {  	[hbm4b:s17+s2] =	stream.linear.scatter [tilespmem:s29], [sflag:$0x4], $0x1C00, $0x38;
	[tilespmem:$0x1DC50] =	vst v63  }
0x7f: {  	_ =	swait.ge [sflag:s22], $0x1C00  }
0x80: {  	[sflag:s22] =	ssyncset.done $0x0  }
0x81: {  	[sflag:s22] =	ssyncadd.s32 $0xFFFFE400  }
0x82: {  	_ =	swait.ge [sflag:s22], $0x1C00  }
0x83: {  	[sflag:s22] =	ssyncset.done $0x0  }
0x84: {  	[sflag:s22] =	ssyncadd.s32 $0xFFFFE400  }
0x85: {  	_ =	swait.ge [sflag:s22], $0x1C00  }
0x86: {  	[sflag:s22] =	ssyncset.done $0x0  }
0x87: {  	[sflag:s22] =	ssyncadd.s32 $0xFFFFE400  }
0x88: {  	_ =	swait.ge [sflag:s8], $0x1C00  }
0x89: {  	[sflag:s8] =	ssyncset.done $0x0  }
0x8a: {  	[sflag:s8] =	ssyncadd.s32 $0xFFFFE400  }
0x8b: {  	_ =	swait.ge [sflag:s8], $0x1C00  }
0x8c: {  	[sflag:s8] =	ssyncset.done $0x0  }
0x8d: {  	[sflag:s8] =	ssyncadd.s32 $0xFFFFE400  }
0x8e: {  	_ =	swait.ge [sflag:s8], $0x1C00  }
0x8f: {  	[sflag:s8] =	ssyncset.done $0x0  }
0x90: {  	s18 =	simm.s32 $0x780;
	[sflag:s8] =	ssyncadd.s32 $0xFFFFE400  }
0x91: {  	[tilespmem:s28], [sflag:$0x1] =	stream.indirect.gather [spmem:s1], $0x80, s18, s20, $0xb8;
	[tilespmem:$0x1DC50] =	vst v63  }
0x92: {  	s6 =	simm.s32 $0x800  }
0x93: {  	[tilespmem:s30], [sflag:$0x1] =	stream.indirect.gather [spmem:s1], $0x80, s6, s20, $0xb8;
	[tilespmem:$0x1DC50] =	vst v63  }
0x94: {  	s12 =	simm.s32 $0x880  }
0x95: {  	[tilespmem:s0], [sflag:$0x1] =	stream.indirect.gather [spmem:s1], $0x80, s12, s20, $0xb8;
	[tilespmem:$0x1DC50] =	vst v63  }
0x96: {  	s14 =	rddreg [dreg:$0x18]  }
0x97: {  	[hbm4b:s14+s2] =	stream.linear.scatter [tilespmem:s24], [sflag:$0x5], $0x1C00, $0x38;
	[tilespmem:$0x1DC50] =	vst v63  }
0x98: {  	s15 =	rddreg [dreg:$0x19]  }
0x99: {  	[hbm4b:s15+s2] =	stream.linear.scatter [tilespmem:s3], [sflag:$0x5], $0x1C00, $0x38;
	[tilespmem:$0x1DC50] =	vst v63  }
0x9a: {  	s16 =	rddreg [dreg:$0x1a]  }
0x9b: {  	[hbm4b:s16+s2] =	stream.linear.scatter [tilespmem:s5], [sflag:$0x5], $0x1C00, $0x38;
	[tilespmem:$0x1DC50] =	vst v63  }
0x9c: {  	_ =	swait.ge [sflag:s22], $0x1C00  }
0x9d: {  	[sflag:s22] =	ssyncset.done $0x0  }
0x9e: {  	[sflag:s22] =	ssyncadd.s32 $0xFFFFE400  }
0x9f: {  	_ =	swait.ge [sflag:s22], $0x1C00  }
0xa0: {  	[sflag:s22] =	ssyncset.done $0x0  }
0xa1: {  	[sflag:s22] =	ssyncadd.s32 $0xFFFFE400  }
0xa2: {  	_ =	swait.ge [sflag:s22], $0x1C00  }
0xa3: {  	[sflag:s22] =	ssyncset.done $0x0  }
0xa4: {  	[sflag:s22] =	ssyncadd.s32 $0xFFFFE400  }
0xa5: {  	_ =	swait.ge [sflag:s9], $0x1C00  }
0xa6: {  	[sflag:s9] =	ssyncset.done $0x0  }
0xa7: {  	[sflag:s9] =	ssyncadd.s32 $0xFFFFE400  }
0xa8: {  	_ =	swait.ge [sflag:s9], $0x1C00  }
0xa9: {  	[sflag:s9] =	ssyncset.done $0x0  }
0xaa: {  	[sflag:s9] =	ssyncadd.s32 $0xFFFFE400  }
0xab: {  	_ =	swait.ge [sflag:s9], $0x1C00  }
0xac: {  	[sflag:s9] =	ssyncset.done $0x0  }
0xad: {  	s17 =	simm.s32 $0x900;
	[sflag:s9] =	ssyncadd.s32 $0xFFFFE400  }
0xae: {  	[tilespmem:s26], [sflag:$0x1] =	stream.indirect.gather [spmem:s1], $0x80, s17, s20, $0xb8;
	[tilespmem:$0x1DC50] =	vst v63  }
0xaf: {  	s18 =	simm.s32 $0x980;
	s6 =	rddreg [dreg:$0x4]  }
0xb0: {  	[tilespmem:s31], [sflag:$0x1] =	stream.indirect.gather [spmem:s1], $0x80, s18, s20, $0xb8;
	[tilespmem:$0x1DC50] =	vst v63  }
0xb1: {  	s14 =	simm.s32 $0xA00;
	s4 =	sadd.s32 s13, s6  }
0xb2: {  	[tilespmem:s29], [sflag:$0x1] =	stream.indirect.gather [spmem:s1], $0x80, s14, s20, $0xb8;
	[tilespmem:$0x1DC50] =	vst v63  }
0xb3: {  	s15 =	rddreg [dreg:$0xb];
	s14 =	sadd.s32 $0xE00, s4  }
0xb4: {  	[hbm4b:s14+s2] =	stream.linear.scatter [tilespmem:s21], [sflag:$0x2], $0x1C00, $0x38;
	[tilespmem:$0x1DC50] =	vst v63  }
0xb5: {  	s16 =	rddreg [dreg:$0xc];
	s12 =	sadd.s32 s13, s15  }
0xb6: {  	[hbm4b:s12+s2] =	stream.linear.scatter [tilespmem:s23], [sflag:$0x2], $0x1C00, $0x38;
	[tilespmem:$0x1DC50] =	vst v63  }
0xb7: {  	s17 =	sadd.s32 s13, s16  }
0xb8: {  	[hbm4b:s17+s2] =	stream.linear.scatter [tilespmem:s25], [sflag:$0x2], $0x1C00, $0x38;
	[tilespmem:$0x1DC50] =	vst v63  }
0xb9: {  	_ =	swait.ge [sflag:s22], $0x1C00  }
0xba: {  	[sflag:s22] =	ssyncset.done $0x0  }
0xbb: {  	[sflag:s22] =	ssyncadd.s32 $0xFFFFE400  }
0xbc: {  	_ =	swait.ge [sflag:s22], $0x1C00  }
0xbd: {  	[sflag:s22] =	ssyncset.done $0x0  }
0xbe: {  	[sflag:s22] =	ssyncadd.s32 $0xFFFFE400  }
0xbf: {  	_ =	swait.ge [sflag:s22], $0x1C00  }
0xc0: {  	[sflag:s22] =	ssyncset.done $0x0  }
0xc1: {  	[sflag:s22] =	ssyncadd.s32 $0xFFFFE400  }
0xc2: {  	_ =	swait.ge [sflag:s10], $0x1C00  }
0xc3: {  	[sflag:s10] =	ssyncset.done $0x0  }
0xc4: {  	[sflag:s10] =	ssyncadd.s32 $0xFFFFE400  }
0xc5: {  	_ =	swait.ge [sflag:s10], $0x1C00  }
0xc6: {  	[sflag:s10] =	ssyncset.done $0x0  }
0xc7: {  	[sflag:s10] =	ssyncadd.s32 $0xFFFFE400  }
0xc8: {  	_ =	swait.ge [sflag:s10], $0x1C00  }
0xc9: {  	[sflag:s10] =	ssyncset.done $0x0  }
0xca: {  	s18 =	simm.s32 $0xA80;
	[sflag:s10] =	ssyncadd.s32 $0xFFFFE400  }
0xcb: {  	[tilespmem:s24], [sflag:$0x1] =	stream.indirect.gather [spmem:s1], $0x80, s18, s20, $0xb8;
	[tilespmem:$0x1DC50] =	vst v63  }
0xcc: {  	s6 =	simm.s32 $0xB00  }
0xcd: {  	[tilespmem:s3], [sflag:$0x1] =	stream.indirect.gather [spmem:s1], $0x80, s6, s20, $0xb8;
	[tilespmem:$0x1DC50] =	vst v63  }
0xce: {  	s14 =	simm.s32 $0xB80  }
0xcf: {  	[tilespmem:s5], [sflag:$0x1] =	stream.indirect.gather [spmem:s1], $0x80, s14, s20, $0xb8;
	[tilespmem:$0x1DC50] =	vst v63  }
0xd0: {  	s16 =	sadd.s32 $0x1180, s4;
	s15 =	rddreg [dreg:$0x9]  }
0xd1: {  	[hbm4b:s16+s2] =	stream.linear.scatter [tilespmem:s28], [sflag:$0x3], $0x1C00, $0x38;
	[tilespmem:$0x1DC50] =	vst v63  }
0xd2: {  	s17 =	rddreg [dreg:$0xa];
	s12 =	sadd.s32 s13, s15  }
0xd3: {  	[hbm4b:s12+s2] =	stream.linear.scatter [tilespmem:s30], [sflag:$0x3], $0x1C00, $0x38;
	[tilespmem:$0x1DC50] =	vst v63  }
0xd4: {  	s18 =	sadd.s32 s13, s17  }
0xd5: {  	[hbm4b:s18+s2] =	stream.linear.scatter [tilespmem:s0], [sflag:$0x3], $0x1C00, $0x38;
	[tilespmem:$0x1DC50] =	vst v63  }
0xd6: {  	_ =	swait.ge [sflag:s22], $0x1C00  }
0xd7: {  	[sflag:s22] =	ssyncset.done $0x0  }
0xd8: {  	[sflag:s22] =	ssyncadd.s32 $0xFFFFE400  }
0xd9: {  	_ =	swait.ge [sflag:s22], $0x1C00  }
0xda: {  	[sflag:s22] =	ssyncset.done $0x0  }
0xdb: {  	[sflag:s22] =	ssyncadd.s32 $0xFFFFE400  }
0xdc: {  	_ =	swait.ge [sflag:s22], $0x1C00  }
0xdd: {  	[sflag:s22] =	ssyncset.done $0x0  }
0xde: {  	[sflag:s22] =	ssyncadd.s32 $0xFFFFE400  }
0xdf: {  	_ =	swait.ge [sflag:s7], $0x1C00  }
0xe0: {  	[sflag:s7] =	ssyncset.done $0x0  }
0xe1: {  	[sflag:s7] =	ssyncadd.s32 $0xFFFFE400  }
0xe2: {  	_ =	swait.ge [sflag:s7], $0x1C00  }
0xe3: {  	[sflag:s7] =	ssyncset.done $0x0  }
0xe4: {  	[sflag:s7] =	ssyncadd.s32 $0xFFFFE400  }
0xe5: {  	_ =	swait.ge [sflag:s7], $0x1C00  }
0xe6: {  	[sflag:s7] =	ssyncset.done $0x0  }
0xe7: {  	s6 =	simm.s32 $0xC00;
	[sflag:s7] =	ssyncadd.s32 $0xFFFFE400  }
0xe8: {  	[tilespmem:s21], [sflag:$0x1] =	stream.indirect.gather [spmem:s1], $0x80, s6, s20, $0xb8;
	[tilespmem:$0x1DC50] =	vst v63  }
0xe9: {  	s14 =	simm.s32 $0xC80  }
0xea: {  	[tilespmem:s23], [sflag:$0x1] =	stream.indirect.gather [spmem:s1], $0x80, s14, s20, $0xb8;
	[tilespmem:$0x1DC50] =	vst v63  }
0xeb: {  	s15 =	simm.s32 $0xD00  }
0xec: {  	[tilespmem:s25], [sflag:$0x1] =	stream.indirect.gather [spmem:s1], $0x80, s15, s20, $0xb8;
	[tilespmem:$0x1DC50] =	vst v63  }
0xed: {  	s17 =	sadd.s32 $0x1500, s4;
	s16 =	rddreg [dreg:$0x7]  }
0xee: {  	[hbm4b:s17+s2] =	stream.linear.scatter [tilespmem:s26], [sflag:$0x4], $0x1C00, $0x38;
	[tilespmem:$0x1DC50] =	vst v63  }
0xef: {  	s18 =	rddreg [dreg:$0x8];
	s12 =	sadd.s32 s13, s16  }
0xf0: {  	[hbm4b:s12+s2] =	stream.linear.scatter [tilespmem:s31], [sflag:$0x4], $0x1C00, $0x38;
	[tilespmem:$0x1DC50] =	vst v63  }
0xf1: {  	s6 =	sadd.s32 s13, s18  }
0xf2: {  	[hbm4b:s6+s2] =	stream.linear.scatter [tilespmem:s29], [sflag:$0x4], $0x1C00, $0x38;
	[tilespmem:$0x1DC50] =	vst v63  }
0xf3: {  	_ =	swait.ge [sflag:s22], $0x1C00  }
0xf4: {  	[sflag:s22] =	ssyncset.done $0x0  }
0xf5: {  	[sflag:s22] =	ssyncadd.s32 $0xFFFFE400  }
0xf6: {  	_ =	swait.ge [sflag:s22], $0x1C00  }
0xf7: {  	[sflag:s22] =	ssyncset.done $0x0  }
0xf8: {  	[sflag:s22] =	ssyncadd.s32 $0xFFFFE400  }
0xf9: {  	_ =	swait.ge [sflag:s22], $0x1C00  }
0xfa: {  	[sflag:s22] =	ssyncset.done $0x0  }
0xfb: {  	[sflag:s22] =	ssyncadd.s32 $0xFFFFE400  }
0xfc: {  	_ =	swait.ge [sflag:s8], $0x1C00  }
0xfd: {  	[sflag:s8] =	ssyncset.done $0x0  }
0xfe: {  	[sflag:s8] =	ssyncadd.s32 $0xFFFFE400  }
0xff: {  	_ =	swait.ge [sflag:s8], $0x1C00  }
0x100: {  	[sflag:s8] =	ssyncset.done $0x0  }
0x101: {  	[sflag:s8] =	ssyncadd.s32 $0xFFFFE400  }
0x102: {  	_ =	swait.ge [sflag:s8], $0x1C00  }
0x103: {  	[sflag:s8] =	ssyncset.done $0x0  }
0x104: {  	s14 =	simm.s32 $0xD80;
	[sflag:s8] =	ssyncadd.s32 $0xFFFFE400  }
0x105: {  	[tilespmem:s28], [sflag:$0x1] =	stream.indirect.gather [spmem:s1], $0x80, s14, s20, $0xb8;
	[tilespmem:$0x1DC50] =	vst v63  }
0x106: {  	s15 =	simm.s32 $0xE00  }
0x107: {  	[tilespmem:s30], [sflag:$0x1] =	stream.indirect.gather [spmem:s1], $0x80, s15, s20, $0xb8;
	[tilespmem:$0x1DC50] =	vst v63  }
0x108: {  	s17 =	simm.s32 $0xE80  }
0x109: {  	[tilespmem:s0], [sflag:$0x1] =	stream.indirect.gather [spmem:s1], $0x80, s17, s20, $0xb8;
	[tilespmem:$0x1DC50] =	vst v63  }
0x10a: {  	s4 =	sadd.s32 $0x1880, s4;
	s16 =	rddreg [dreg:$0x5]  }
0x10b: {  	[hbm4b:s4+s2] =	stream.linear.scatter [tilespmem:s24], [sflag:$0x5], $0x1C00, $0x38;
	[tilespmem:$0x1DC50] =	vst v63  }
0x10c: {  	s18 =	rddreg [dreg:$0x6];
	s12 =	sadd.s32 s13, s16  }
0x10d: {  	[hbm4b:s12+s2] =	stream.linear.scatter [tilespmem:s3], [sflag:$0x5], $0x1C00, $0x38;
	[tilespmem:$0x1DC50] =	vst v63  }
0x10e: {  	s14 =	sadd.s32 s13, s18;
	s4 =	smov.u32 s13;
	s12 =	simm.s32 $0x1800  }
.LBB2_2:
0x10f: {  	[hbm4b:s14+s2] =	stream.linear.scatter [tilespmem:s5], [sflag:$0x5], $0x1C00, $0x38;
	[tilespmem:$0x1DC50] =	vst v63  }
0x110: {  	_ =	swait.ge [sflag:s22], $0x1C00  }
0x111: {  	[sflag:s22] =	ssyncset.done $0x0  }
0x112: {  	[sflag:s22] =	ssyncadd.s32 $0xFFFFE400  }
0x113: {  	_ =	swait.ge [sflag:s22], $0x1C00  }
0x114: {  	[sflag:s22] =	ssyncset.done $0x0  }
0x115: {  	[sflag:s22] =	ssyncadd.s32 $0xFFFFE400  }
0x116: {  	_ =	swait.ge [sflag:s22], $0x1C00  }
0x117: {  	[sflag:s22] =	ssyncset.done $0x0  }
0x118: {  	[sflag:s22] =	ssyncadd.s32 $0xFFFFE400  }
0x119: {  	_ =	swait.ge [sflag:s9], $0x1C00  }
0x11a: {  	[sflag:s9] =	ssyncset.done $0x0  }
0x11b: {  	[sflag:s9] =	ssyncadd.s32 $0xFFFFE400  }
0x11c: {  	_ =	swait.ge [sflag:s9], $0x1C00  }
0x11d: {  	[sflag:s9] =	ssyncset.done $0x0  }
0x11e: {  	[sflag:s9] =	ssyncadd.s32 $0xFFFFE400  }
0x11f: {  	s15 =	smov.u32 s12;
	_ =	swait.ge [sflag:s9], $0x1C00  }
0x120: {  	s14 =	sshra.s32 s15, $0x2;
	[sflag:s9] =	ssyncset.done $0x0  }
0x121: {  	s15 =	sadd.s32 $0x900, s14;
	[sflag:s9] =	ssyncadd.s32 $0xFFFFE400  }
0x122: {  	[tilespmem:s26], [sflag:$0x1] =	stream.indirect.gather [spmem:s1], $0x80, s15, s20, $0xb8;
	[tilespmem:$0x1DC50] =	vst v63  }
0x123: {  	s4 =	sadd.s32 $0xE00, s4;
	s18 =	sadd.s32 $0x980, s14;
	s16 =	rddreg [dreg:$0x4]  }
0x124: {  	[tilespmem:s31], [sflag:$0x1] =	stream.indirect.gather [spmem:s1], $0x80, s18, s20, $0xb8;
	[tilespmem:$0x1DC50] =	vst v63  }
0x125: {  	s6 =	sadd.s32 $0xA00, s14;
	s15 =	sadd.s32 s4, s16  }
0x126: {  	[tilespmem:s29], [sflag:$0x1] =	stream.indirect.gather [spmem:s1], $0x80, s6, s20, $0xb8;
	[tilespmem:$0x1DC50] =	vst v63  }
0x127: {  	s17 =	rddreg [dreg:$0xb];
	s16 =	sadd.s32 $0xE00, s15  }
0x128: {  	[hbm4b:s16+s2] =	stream.linear.scatter [tilespmem:s21], [sflag:$0x2], $0x1C00, $0x38;
	[tilespmem:$0x1DC50] =	vst v63  }
0x129: {  	s17 =	sadd.s32 s4, s17;
	s6 =	rddreg [dreg:$0xc]  }
0x12a: {  	[hbm4b:s17+s2] =	stream.linear.scatter [tilespmem:s23], [sflag:$0x2], $0x1C00, $0x38;
	[tilespmem:$0x1DC50] =	vst v63  }
0x12b: {  	s6 =	sadd.s32 s4, s6  }
0x12c: {  	[hbm4b:s6+s2] =	stream.linear.scatter [tilespmem:s25], [sflag:$0x2], $0x1C00, $0x38;
	[tilespmem:$0x1DC50] =	vst v63  }
0x12d: {  	_ =	swait.ge [sflag:s22], $0x1C00  }
0x12e: {  	[sflag:s22] =	ssyncset.done $0x0  }
0x12f: {  	[sflag:s22] =	ssyncadd.s32 $0xFFFFE400  }
0x130: {  	_ =	swait.ge [sflag:s22], $0x1C00  }
0x131: {  	[sflag:s22] =	ssyncset.done $0x0  }
0x132: {  	[sflag:s22] =	ssyncadd.s32 $0xFFFFE400  }
0x133: {  	_ =	swait.ge [sflag:s22], $0x1C00  }
0x134: {  	[sflag:s22] =	ssyncset.done $0x0  }
0x135: {  	[sflag:s22] =	ssyncadd.s32 $0xFFFFE400  }
0x136: {  	_ =	swait.ge [sflag:s10], $0x1C00  }
0x137: {  	[sflag:s10] =	ssyncset.done $0x0  }
0x138: {  	[sflag:s10] =	ssyncadd.s32 $0xFFFFE400  }
0x139: {  	_ =	swait.ge [sflag:s10], $0x1C00  }
0x13a: {  	[sflag:s10] =	ssyncset.done $0x0  }
0x13b: {  	[sflag:s10] =	ssyncadd.s32 $0xFFFFE400  }
0x13c: {  	_ =	swait.ge [sflag:s10], $0x1C00  }
0x13d: {  	[sflag:s10] =	ssyncset.done $0x0  }
0x13e: {  	s16 =	sadd.s32 $0xA80, s14;
	[sflag:s10] =	ssyncadd.s32 $0xFFFFE400  }
0x13f: {  	[tilespmem:s24], [sflag:$0x1] =	stream.indirect.gather [spmem:s1], $0x80, s16, s20, $0xb8;
	[tilespmem:$0x1DC50] =	vst v63  }
0x140: {  	s17 =	sadd.s32 $0xB00, s14  }
0x141: {  	[tilespmem:s3], [sflag:$0x1] =	stream.indirect.gather [spmem:s1], $0x80, s17, s20, $0xb8;
	[tilespmem:$0x1DC50] =	vst v63  }
0x142: {  	s18 =	sadd.s32 $0xB80, s14  }
0x143: {  	[tilespmem:s5], [sflag:$0x1] =	stream.indirect.gather [spmem:s1], $0x80, s18, s20, $0xb8;
	[tilespmem:$0x1DC50] =	vst v63  }
0x144: {  	s16 =	rddreg [dreg:$0x9];
	s17 =	sadd.s32 $0x1180, s15  }
0x145: {  	[hbm4b:s17+s2] =	stream.linear.scatter [tilespmem:s28], [sflag:$0x3], $0x1C00, $0x38;
	[tilespmem:$0x1DC50] =	vst v63  }
0x146: {  	s16 =	sadd.s32 s4, s16;
	s18 =	rddreg [dreg:$0xa]  }
0x147: {  	[hbm4b:s16+s2] =	stream.linear.scatter [tilespmem:s30], [sflag:$0x3], $0x1C00, $0x38;
	[tilespmem:$0x1DC50] =	vst v63  }
0x148: {  	s18 =	sadd.s32 s4, s18  }
0x149: {  	[hbm4b:s18+s2] =	stream.linear.scatter [tilespmem:s0], [sflag:$0x3], $0x1C00, $0x38;
	[tilespmem:$0x1DC50] =	vst v63  }
0x14a: {  	_ =	swait.ge [sflag:s22], $0x1C00  }
0x14b: {  	[sflag:s22] =	ssyncset.done $0x0  }
0x14c: {  	[sflag:s22] =	ssyncadd.s32 $0xFFFFE400  }
0x14d: {  	_ =	swait.ge [sflag:s22], $0x1C00  }
0x14e: {  	[sflag:s22] =	ssyncset.done $0x0  }
0x14f: {  	[sflag:s22] =	ssyncadd.s32 $0xFFFFE400  }
0x150: {  	_ =	swait.ge [sflag:s22], $0x1C00  }
0x151: {  	[sflag:s22] =	ssyncset.done $0x0  }
0x152: {  	[sflag:s22] =	ssyncadd.s32 $0xFFFFE400  }
0x153: {  	_ =	swait.ge [sflag:s7], $0x1C00  }
0x154: {  	[sflag:s7] =	ssyncset.done $0x0  }
0x155: {  	[sflag:s7] =	ssyncadd.s32 $0xFFFFE400  }
0x156: {  	_ =	swait.ge [sflag:s7], $0x1C00  }
0x157: {  	[sflag:s7] =	ssyncset.done $0x0  }
0x158: {  	[sflag:s7] =	ssyncadd.s32 $0xFFFFE400  }
0x159: {  	_ =	swait.ge [sflag:s7], $0x1C00  }
0x15a: {  	[sflag:s7] =	ssyncset.done $0x0  }
0x15b: {  	s16 =	sadd.s32 $0xC00, s14;
	[sflag:s7] =	ssyncadd.s32 $0xFFFFE400  }
0x15c: {  	[tilespmem:s21], [sflag:$0x1] =	stream.indirect.gather [spmem:s1], $0x80, s16, s20, $0xb8;
	[tilespmem:$0x1DC50] =	vst v63  }
0x15d: {  	s17 =	sadd.s32 $0xC80, s14  }
0x15e: {  	[tilespmem:s23], [sflag:$0x1] =	stream.indirect.gather [spmem:s1], $0x80, s17, s20, $0xb8;
	[tilespmem:$0x1DC50] =	vst v63  }
0x15f: {  	s18 =	sadd.s32 $0xD00, s14  }
0x160: {  	[tilespmem:s25], [sflag:$0x1] =	stream.indirect.gather [spmem:s1], $0x80, s18, s20, $0xb8;
	[tilespmem:$0x1DC50] =	vst v63  }
0x161: {  	s16 =	rddreg [dreg:$0x7];
	s17 =	sadd.s32 $0x1500, s15  }
0x162: {  	[hbm4b:s17+s2] =	stream.linear.scatter [tilespmem:s26], [sflag:$0x4], $0x1C00, $0x38;
	[tilespmem:$0x1DC50] =	vst v63  }
0x163: {  	s16 =	sadd.s32 s4, s16;
	s18 =	rddreg [dreg:$0x8]  }
0x164: {  	[hbm4b:s16+s2] =	stream.linear.scatter [tilespmem:s31], [sflag:$0x4], $0x1C00, $0x38;
	[tilespmem:$0x1DC50] =	vst v63  }
0x165: {  	s18 =	sadd.s32 s4, s18  }
0x166: {  	[hbm4b:s18+s2] =	stream.linear.scatter [tilespmem:s29], [sflag:$0x4], $0x1C00, $0x38;
	[tilespmem:$0x1DC50] =	vst v63  }
0x167: {  	_ =	swait.ge [sflag:s22], $0x1C00  }
0x168: {  	[sflag:s22] =	ssyncset.done $0x0  }
0x169: {  	[sflag:s22] =	ssyncadd.s32 $0xFFFFE400  }
0x16a: {  	_ =	swait.ge [sflag:s22], $0x1C00  }
0x16b: {  	[sflag:s22] =	ssyncset.done $0x0  }
0x16c: {  	[sflag:s22] =	ssyncadd.s32 $0xFFFFE400  }
0x16d: {  	_ =	swait.ge [sflag:s22], $0x1C00  }
0x16e: {  	[sflag:s22] =	ssyncset.done $0x0  }
0x16f: {  	[sflag:s22] =	ssyncadd.s32 $0xFFFFE400  }
0x170: {  	_ =	swait.ge [sflag:s8], $0x1C00  }
0x171: {  	[sflag:s8] =	ssyncset.done $0x0  }
0x172: {  	[sflag:s8] =	ssyncadd.s32 $0xFFFFE400  }
0x173: {  	_ =	swait.ge [sflag:s8], $0x1C00  }
0x174: {  	[sflag:s8] =	ssyncset.done $0x0  }
0x175: {  	[sflag:s8] =	ssyncadd.s32 $0xFFFFE400  }
0x176: {  	_ =	swait.ge [sflag:s8], $0x1C00  }
0x177: {  	[sflag:s8] =	ssyncset.done $0x0  }
0x178: {  	s6 =	sadd.s32 $0xD80, s14;
	[sflag:s8] =	ssyncadd.s32 $0xFFFFE400  }
0x179: {  	[tilespmem:s28], [sflag:$0x1] =	stream.indirect.gather [spmem:s1], $0x80, s6, s20, $0xb8;
	[tilespmem:$0x1DC50] =	vst v63  }
0x17a: {  	s17 =	sadd.s32 $0xE00, s14  }
0x17b: {  	[tilespmem:s30], [sflag:$0x1] =	stream.indirect.gather [spmem:s1], $0x80, s17, s20, $0xb8;
	[tilespmem:$0x1DC50] =	vst v63  }
0x17c: {  	p1 =	sne.s32 s12, $0x12000;
	s14 =	sadd.s32 $0xE80, s14  }
0x17d: {  	[tilespmem:s0], [sflag:$0x1] =	stream.indirect.gather [spmem:s1], $0x80, s14, s20, $0xb8;
	[tilespmem:$0x1DC50] =	vst v63  }
.Ltmp0:
0x17e: {  	s16 =	rddreg [dreg:$0x5];
	(pc) =	sbr.rel @p1 .LBB2_2-.Ltmp0, $4  }
0x17f: {  	s15 =	sadd.s32 $0x1880, s15;
	s18 =	rddreg [dreg:$0x6]  }
0x180: {  	[hbm4b:s15+s2] =	stream.linear.scatter [tilespmem:s24], [sflag:$0x5], $0x1C00, $0x38;
	[tilespmem:$0x1DC50] =	vst v63  }
0x181: {  	s12 =	sadd.s32 $0x1800, s12;
	s17 =	sadd.s32 s4, s16;
	s14 =	sadd.s32 s4, s18  }
0x182: {  	[hbm4b:s17+s2] =	stream.linear.scatter [tilespmem:s3], [sflag:$0x5], $0x1C00, $0x38;
	[tilespmem:$0x1DC50] =	vst v63  }
0x183: {  	[hbm4b:s14+s2] =	stream.linear.scatter [tilespmem:s5], [sflag:$0x5], $0x1C00, $0x38;
	[tilespmem:$0x1DC50] =	vst v63  }
0x184: {  	_ =	swait.ge [sflag:s22], $0x1C00  }
0x185: {  	[sflag:s22] =	ssyncset.done $0x0  }
0x186: {  	[sflag:s22] =	ssyncadd.s32 $0xFFFFE400  }
0x187: {  	_ =	swait.ge [sflag:s22], $0x1C00  }
0x188: {  	[sflag:s22] =	ssyncset.done $0x0  }
0x189: {  	[sflag:s22] =	ssyncadd.s32 $0xFFFFE400  }
0x18a: {  	_ =	swait.ge [sflag:s22], $0x1C00  }
0x18b: {  	[sflag:s22] =	ssyncset.done $0x0  }
0x18c: {  	[sflag:s22] =	ssyncadd.s32 $0xFFFFE400  }
0x18d: {  	_ =	swait.ge [sflag:s22], $0x1C00  }
0x18e: {  	[sflag:s22] =	ssyncset.done $0x0  }
0x18f: {  	[sflag:s22] =	ssyncadd.s32 $0xFFFFE400  }
0x190: {  	_ =	swait.ge [sflag:s22], $0x1C00  }
0x191: {  	[sflag:s22] =	ssyncset.done $0x0  }
0x192: {  	[sflag:s22] =	ssyncadd.s32 $0xFFFFE400  }
0x193: {  	_ =	swait.ge [sflag:s22], $0x1C00  }
0x194: {  	[sflag:s22] =	ssyncset.done $0x0  }
0x195: {  	[sflag:s22] =	ssyncadd.s32 $0xFFFFE400  }
0x196: {  	_ =	swait.ge [sflag:s9], $0x1C00  }
0x197: {  	[sflag:s9] =	ssyncset.done $0x0  }
0x198: {  	[sflag:s9] =	ssyncadd.s32 $0xFFFFE400  }
0x199: {  	_ =	swait.ge [sflag:s9], $0x1C00  }
0x19a: {  	[sflag:s9] =	ssyncset.done $0x0  }
0x19b: {  	[sflag:s9] =	ssyncadd.s32 $0xFFFFE400  }
0x19c: {  	_ =	swait.ge [sflag:s9], $0x1C00  }
0x19d: {  	[sflag:s9] =	ssyncset.done $0x0  }
0x19e: {  	[sflag:s9] =	ssyncadd.s32 $0xFFFFE400  }
0x19f: {  	_ =	swait.ge [sflag:s10], $0x1C00  }
0x1a0: {  	[sflag:s10] =	ssyncset.done $0x0  }
0x1a1: {  	[sflag:s10] =	ssyncadd.s32 $0xFFFFE400  }
0x1a2: {  	_ =	swait.ge [sflag:s10], $0x1C00  }
0x1a3: {  	[sflag:s10] =	ssyncset.done $0x0  }
0x1a4: {  	[sflag:s10] =	ssyncadd.s32 $0xFFFFE400  }
0x1a5: {  	_ =	swait.ge [sflag:s10], $0x1C00  }
0x1a6: {  	s11 =	sadd.s32 $0x1, s11;
	s4 =	rddreg [dreg:$0x1b]  }
0x1a7: {  	p1 =	sne.s32 s11, s4  }
.Ltmp1:
0x1a8: {  	_ = 	snop;
	(pc) =	sbr.rel @p1 .LBB2_1-.Ltmp1, $3  }
0x1a9: {  	_ =	sdelay $0x1  }
0x1aa: {  	[sflag:s10] =	ssyncset.done $0x0  }
0x1ab: {  	[sflag:s10] =	ssyncadd.s32 $0xFFFFE400  }
0x1ac: {  	_ =	sfence.sel $0x180000  }
0x1ad: {  	[bflag:$0x0] =	sbarrier.arrive $0xFFFF  }
0x1ae: {  	_ =	strace $0x90000047  }
0x1af: {  	[bflag:$0x2] =	sbarrier.arrive $0xFFFF  }
0x1b0: {  	s0 =	rddreg [dreg:$0x3]  }
0x1b1: {  	s0 =	sadd.s32 @!p0 $0x100000, s0  }
0x1b2: {  	[sflag:s0] =	ssyncadd.tile.s32 @!p0 $0x1;
	_ =	shalt  }
.Lfunc_end2:
_tile_overlayer_lowered:
.L_overlay_start_2:
0x1b3: {  	(tag) =	ssettag $0x2  }
0x1b4: {  	s0 =	rddreg [dreg:$0x0];
	s2 =	stileid.u32  }
0x1b5: {  	s1 =	rddreg [dreg:$0x1];
	p0 =	sne.s32 s2, $0x0  }
0x1b6: {  	s3 =	rddreg [dreg:$0x2];
	[bflag:$0x3] =	sbarrier.arrive $0xFFFF;
	s2 =	simm.s32 @!p0 $0x1C06  }
0x1b7: {  	[timem:s3], [sflag:s2] =	dma.local @!p0 [hbm:s0], s1  }
0x1b8: {  	s0 =	simm.s32 @!p0 $0x6  }
0x1b9: {  	_ =	swait.ge @!p0 [sflag:s0], s1  }
0x1ba: {  	s1 =	ssub.s32 @!p0 $0x0, s1;
	[sflag:s0] =	ssyncset.done @!p0 $0x0  }
0x1bb: {  	[sflag:s0] =	ssyncadd.s32 @!p0 s1  }
0x1bc: {  	[bflag:$0x3] =	sbarrier.arrive $0xFFFF  }
0x1bd: {  	_ =	shalt  }

</sc_bundles>
